<compile_context>
chip_gen: v7x
topology: tpu7x:2x2x1
jax: 0.10.2.dev20260603
libtpu: 0.0.44.dev20260713+nightly
codegen_flags: <defaults>
</compile_context>

<pallas_src>
import functools

import jax
import jax.numpy as jnp
from jax import lax
from jax.experimental import pallas as pl
from jax.experimental.pallas import tpu as pltpu
from jax.experimental.pallas import tpu_sc as plsc

NC = 2
NS = 16
NW = NC * NS

LANES = 1024


def _sc_mesh():
  return plsc.VectorSubcoreMesh(
      core_axis_name="c", subcore_axis_name="s", num_cores=NC, num_subcores=NS)


_SC_PARAMS = pltpu.CompilerParams(use_tc_tiling_on_sc=False)


def _make_gather(n_rows, d, chunk):
  per_w = n_rows // NW
  assert per_w % chunk == 0
  n_ch = per_w // chunk

  @functools.partial(
      pl.kernel,
      mesh=_sc_mesh(),
      compiler_params=_SC_PARAMS,
      out_type=jax.ShapeDtypeStruct((n_rows, d), jnp.float32),
      scratch_types=[
          pltpu.VMEM((chunk,), jnp.int32),
          pltpu.VMEM((chunk,), jnp.int32),
          pltpu.VMEM((chunk, d), jnp.float32),
          pltpu.VMEM((chunk, d), jnp.float32),
          pltpu.SemaphoreType.DMA,
          pltpu.SemaphoreType.DMA,
          pltpu.SemaphoreType.DMA,
          pltpu.SemaphoreType.DMA,
      ],
  )
  def gather_kernel(table_hbm, idx_hbm, out_hbm, idx0, idx1, rows0, rows1,
                    si0, si1, sw0, sw1):
    wid = lax.axis_index("s") * NC + lax.axis_index("c")
    base = wid * per_w
    idx = [idx0, idx1]
    rows = [rows0, rows1]
    si = [si0, si1]
    sw = [sw0, sw1]
    pltpu.async_copy(idx_hbm.at[pl.ds(base, chunk)], idx[0], si[0])
    for j in range(n_ch):
      b = j % 2
      off = base + j * chunk
      if j + 1 < n_ch:
        pltpu.async_copy(
            idx_hbm.at[pl.ds(off + chunk, chunk)], idx[1 - b], si[1 - b])
      pltpu.make_async_copy(
          idx_hbm.at[pl.ds(off, chunk)], idx[b], si[b]).wait()
      if j >= 2:
        pltpu.make_async_copy(
            rows[b], out_hbm.at[pl.ds(off - 2 * chunk, chunk)], sw[b]).wait()
      pltpu.async_copy(table_hbm.at[idx[b]], rows[b], si[b]).wait()
      pltpu.async_copy(rows[b], out_hbm.at[pl.ds(off, chunk)], sw[b])
    for j in range(max(n_ch - 2, 0), n_ch):
      b = j % 2
      pltpu.make_async_copy(
          rows[b], out_hbm.at[pl.ds(base + j * chunk, chunk)], sw[b]).wait()

  return gather_kernel


def _make_scatter_add(n_nodes, n_rows, d, chunk):
  per_w = n_rows // NW
  assert per_w % chunk == 0
  n_ch = per_w // chunk

  @functools.partial(
      pl.kernel,
      mesh=_sc_mesh(),
      compiler_params=_SC_PARAMS,
      out_type=jax.ShapeDtypeStruct((NC, n_nodes, d), jnp.float32),
      scratch_types=[
          pltpu.VMEM((chunk,), jnp.int32),
          pltpu.VMEM((chunk, d), jnp.float32),
          pltpu.VMEM_SHARED((n_nodes + 16, d), jnp.float32),
      ],
  )
  def scatter_kernel(rows_hbm, idx_hbm, zeros_hbm, out_hbm, idx_v, rows_v,
                     acc_sh):
    cid = lax.axis_index("c")
    sid = lax.axis_index("s")

    @pl.when(sid == 0)
    def _init():
      pltpu.sync_copy(zeros_hbm, acc_sh)

    plsc.subcore_barrier()
    wid = sid * NC + cid
    base = wid * per_w
    for j in range(n_ch):
      off = base + j * chunk
      pltpu.sync_copy(idx_hbm.at[pl.ds(off, chunk)], idx_v)
      pltpu.sync_copy(rows_hbm.at[pl.ds(off, chunk)], rows_v)
      pltpu.sync_copy(rows_v, acc_sh.at[idx_v], add=True)
    plsc.subcore_barrier()

    @pl.when(sid == 0)
    def _flush():
      pltpu.sync_copy(acc_sh.at[pl.ds(0, n_nodes)], out_hbm.at[cid])

  return scatter_kernel


def _make_degree(n_nodes, n_rows, chunk):
  per_w = n_rows // NW
  n_ch = per_w // chunk

  @functools.partial(
      pl.kernel,
      mesh=_sc_mesh(),
      compiler_params=_SC_PARAMS,
      out_type=jax.ShapeDtypeStruct((NC, n_nodes, 32), jnp.float32),
      scratch_types=[
          pltpu.VMEM((chunk,), jnp.int32),
          pltpu.VMEM((chunk, 32), jnp.float32),
          pltpu.VMEM_SHARED((n_nodes + 16, 32), jnp.float32),
      ],
  )
  def degree_kernel(idx_hbm, ones_hbm, zeros_hbm, out_hbm, idx_v, ones_v,
                    acc_sh):
    cid = lax.axis_index("c")
    sid = lax.axis_index("s")

    @pl.when(sid == 0)
    def _init():
      pltpu.sync_copy(zeros_hbm, acc_sh)

    pltpu.sync_copy(ones_hbm, ones_v)
    plsc.subcore_barrier()
    wid = sid * NC + cid
    base = wid * per_w
    for j in range(n_ch):
      off = base + j * chunk
      pltpu.sync_copy(idx_hbm.at[pl.ds(off, chunk)], idx_v)
      pltpu.sync_copy(ones_v, acc_sh.at[idx_v], add=True)
    plsc.subcore_barrier()

    @pl.when(sid == 0)
    def _flush():
      pltpu.sync_copy(acc_sh.at[pl.ds(0, n_nodes)], out_hbm.at[cid])

  return degree_kernel


def _embed_packed(x, W, b):
  n, din = x.shape
  d = W.shape[1]
  x4 = x.reshape(n // 4, 4 * din)
  bd = jnp.kron(jnp.eye(4, dtype=jnp.float32), W)
  b4 = jnp.tile(b, 4).reshape(1, 4 * d)

  def body(x_ref, w_ref, b_ref, o_ref):
    o_ref[...] = (
        jnp.dot(x_ref[...], w_ref[...], preferred_element_type=jnp.float32)
        + b_ref[...])

  return pl.pallas_call(
      body, out_shape=jax.ShapeDtypeStruct((n // 4, 4 * d), jnp.float32))(
          x4, bd, b4)


def _edge_messages(eaQ, xjP, K1, Kb1, K2, Kb2, K3, Kb3, d):
  _, de, rows = eaQ.shape
  kw = K1.shape[1]
  assert rows % LANES == 0

  k1t = K1.T
  k2t = K2.T
  k3t = K3.T.astype(jnp.bfloat16)
  kb3t = Kb3.reshape(d, d).T
  kb1c = Kb1.reshape(kw, 1)
  kb2c = Kb2.reshape(kw, 1)

  def body(eaQ_ref, xj_ref, k1_ref, kb1_ref, k2_ref, kb2_ref, k3_ref,
           kb3_ref, o_ref):
    xjT = jnp.transpose(xj_ref[...])
    accs = []
    for k in range(4):
      a = jnp.dot(k1_ref[...], eaQ_ref[k], preferred_element_type=jnp.float32)
      a = jnp.maximum(a + kb1_ref[...], 0.0)
      a = jnp.dot(k2_ref[...], a, preferred_element_type=jnp.float32)
      a = jnp.maximum(a + kb2_ref[...], 0.0)
      wT = jnp.dot(
          k3_ref[...], a.astype(jnp.bfloat16),
          preferred_element_type=jnp.float32).astype(jnp.bfloat16)
      acc = jnp.dot(
          kb3_ref[...], xjT[k * d:(k + 1) * d, :],
          preferred_element_type=jnp.float32)
      for i in range(d):
        acc = acc + (xjT[k * d + i:k * d + i + 1, :] *
                     wT[i * d:(i + 1) * d, :].astype(jnp.float32))
      accs.append(acc)
    o_ref[...] = jnp.transpose(jnp.concatenate(accs, axis=0))

  full = lambda shape: pl.BlockSpec(shape, lambda i: tuple(0 for _ in shape))
  return pl.pallas_call(
      body,
      grid=(rows // LANES,),
      in_specs=[
          pl.BlockSpec((4, de, LANES), lambda i: (0, 0, i)),
          pl.BlockSpec((LANES, 128), lambda i: (i, 0)),
          full((kw, de)),
          full((kw, 1)),
          full((kw, kw)),
          full((kw, 1)),
          full((d * d, kw)),
          full((d, d)),
      ],
      out_specs=pl.BlockSpec((LANES, 128), lambda i: (i, 0)),
      out_shape=jax.ShapeDtypeStruct((rows, 128), jnp.float32),
  )(eaQ, xjP, k1t, kb1c, k2t, kb2c, k3t, kb3t)


def _update_packed(agg2p, deg2p, hp, Wr, b, Wfin=None, bfin=None):
  rows, dl = hp.shape
  bdr = jnp.kron(jnp.eye(4, dtype=jnp.float32), Wr)
  b4 = jnp.tile(b, 4).reshape(1, dl)

  if Wfin is None:
    def body(a_ref, d_ref, h_ref, w_ref, b_ref, o_ref):
      agg = a_ref[0] + a_ref[1]
      rdeg = 1.0 / jnp.maximum(d_ref[0] + d_ref[1], 1.0)
      o_ref[...] = jnp.maximum(
          agg * rdeg
          + jnp.dot(h_ref[...], w_ref[...], preferred_element_type=jnp.float32)
          + b_ref[...], 0.0)

    return pl.pallas_call(
        body, out_shape=jax.ShapeDtypeStruct((rows, dl), jnp.float32))(
            agg2p, deg2p, hp, bdr, b4)

  dout = Wfin.shape[1]
  bdf = jnp.kron(jnp.eye(4, dtype=jnp.float32), Wfin)
  bf4 = jnp.tile(bfin, 4).reshape(1, 4 * dout)

  def body2(a_ref, d_ref, h_ref, w_ref, b_ref, wf_ref, bf_ref, o_ref):
    agg = a_ref[0] + a_ref[1]
    rdeg = 1.0 / jnp.maximum(d_ref[0] + d_ref[1], 1.0)
    h2 = jnp.maximum(
        agg * rdeg
        + jnp.dot(h_ref[...], w_ref[...], preferred_element_type=jnp.float32)
        + b_ref[...], 0.0)
    o_ref[...] = (
        jnp.dot(h2, wf_ref[...], preferred_element_type=jnp.float32)
        + bf_ref[...])

  return pl.pallas_call(
      body2, out_shape=jax.ShapeDtypeStruct((rows, 4 * dout), jnp.float32))(
          agg2p, deg2p, hp, bdr, b4, bdf, bf4)


def kernel(x, edge_index, edge_attr, W_emb, b_emb, K1, Kb1, K2, Kb2, K3, Kb3,
           W_root, bias, W_inv, b_inv):
  n, _ = x.shape
  e, de = edge_attr.shape
  d = W_emb.shape[1]

  ep = ((e + 4 * LANES - 1) // (4 * LANES)) * (4 * LANES)
  pad = ep - e
  src = jnp.concatenate([edge_index[0], jnp.zeros((pad,), jnp.int32)])
  dst = jnp.concatenate(
      [edge_index[1], jnp.full((pad,), n, jnp.int32)])
  ea_pad = jnp.concatenate([edge_attr, jnp.zeros((pad, de), jnp.float32)])
  eaQ = ea_pad.reshape(ep // 4, 4, de).transpose(1, 2, 0)

  chunk = 2560
  gather = _make_gather(ep, d, 1024)
  scatter = _make_scatter_add(n, ep, d, chunk)
  degree = _make_degree(n, ep, chunk)

  zeros_d = jnp.zeros((n + 16, d), jnp.float32)
  zeros_32 = jnp.zeros((n + 16, 32), jnp.float32)
  ones_32 = jnp.ones((chunk, 32), jnp.float32)

  hp = _embed_packed(x, W_emb, b_emb)
  deg2 = degree(dst, ones_32, zeros_32)
  deg2p = deg2.reshape(NC, n // 4, 4 * d)

  for layer in range(2):
    xj = gather(hp.reshape(n, d), src)
    msgP = _edge_messages(
        eaQ, xj.reshape(ep // 4, 128), K1, Kb1, K2, Kb2, K3, Kb3, d)
    agg2 = scatter(msgP.reshape(ep, d), dst, zeros_d)
    agg2p = agg2.reshape(NC, n // 4, 4 * d)
    if layer == 0:
      hp = _update_packed(agg2p, deg2p, hp, W_root, bias)
    else:
      outp = _update_packed(agg2p, deg2p, hp, W_root, bias, W_inv, b_inv)

  return outp.reshape(n, W_inv.shape[1])

# --- scband reference (transcript-rebuilt; emitter-appended) ---
"""Pipeline reference for scband-gno-36034775613450 (READ-ONLY COPY).

The authoritative reference and input builder live on the scoring server;
editing this copy changes nothing except your own understanding.
"""

import jax, jax.numpy as jnp
import numpy as np

N = 10000
E = 160000
D_IN = 128
D = 32
D_EDGE = 16
KW = 128
NLAYERS = 2


def setup_inputs(seed: int = 0) -> dict:
    key = jax.random.key(seed)
    ks = jax.random.split(key, 12)

    def lin(k, fi, fo):
        return (jax.random.normal(k, (fi, fo), dtype=jnp.float32) / jnp.sqrt(jnp.float32(fi)))

    x = jax.random.normal(ks[0], (N, D_IN), dtype=jnp.float32)
    edge_index = jax.random.randint(ks[1], (2, E), 0, N, dtype=jnp.int32)
    edge_attr = jax.random.uniform(ks[2], (E, D_EDGE), dtype=jnp.float32)

    W_emb = lin(ks[3], D_IN, D)
    b_emb = jnp.zeros((D,), jnp.float32)
    K1 = lin(ks[4], D_EDGE, KW)
    Kb1 = jnp.zeros((KW,), jnp.float32)
    K2 = lin(ks[5], KW, KW)
    Kb2 = jnp.zeros((KW,), jnp.float32)
    K3 = lin(ks[6], KW, D * D)
    Kb3 = jnp.zeros((D * D,), jnp.float32)
    W_root = lin(ks[7], D, D)
    bias = jnp.zeros((D,), jnp.float32)
    W_inv = lin(ks[8], D, D_IN)
    b_inv = jnp.zeros((D_IN,), jnp.float32)

    return {
        "x": x, "edge_index": edge_index, "edge_attr": edge_attr,
        "W_emb": W_emb, "b_emb": b_emb,
        "K1": K1, "Kb1": Kb1, "K2": K2, "Kb2": Kb2, "K3": K3, "Kb3": Kb3,
        "W_root": W_root, "bias": bias,
        "W_inv": W_inv, "b_inv": b_inv,
    }


def reference(x, edge_index, edge_attr, W_emb, b_emb, K1, Kb1, K2, Kb2, K3, Kb3, W_root, bias, W_inv, b_inv):
    src = edge_index[0]
    dst = edge_index[1]

    # feature embedding
    h = x @ W_emb + b_emb

    # DenseNet kernel: edge_attr -> [E, D*D] (edge_attr is constant across layers,
    # so the kernel output is identical every layer; compute once)
    k = jax.nn.relu(edge_attr @ K1 + Kb1)
    k = jax.nn.relu(k @ K2 + Kb2)
    w = (k @ K3 + Kb3).reshape(E, D, D)

    # mean-aggregation degree (PyG scatter-mean: zero-degree nodes -> 0)
    deg = jax.ops.segment_sum(jnp.ones((E,), jnp.float32), dst, num_segments=N)
    deg = jnp.clip(deg, 1.0, None)[:, None]

    for _ in range(NLAYERS):
        x_j = jnp.take(h, src, axis=0)                 # gather [E, D]
        msg = jnp.einsum('ei,eio->eo', x_j, w)          # per-edge matvec
        agg = jax.ops.segment_sum(msg, dst, num_segments=N) / deg  # scatter-mean
        h = jax.nn.relu(agg + h @ W_root + bias)        # NNConv root weight + bias, then ReLU

    out = h @ W_inv + b_inv
    return out

if __name__ == "__main__":
    import jax
    _d = setup_inputs()
    print(jax.jit(kernel)(*tuple(_d.values())))

</pallas_src>

<mosaic_0001>
#map = affine_map<(d0, d1) -> (0, 0)>
#map1 = affine_map<(d0, d1) -> (0)>
module attributes {stable_mosaic.version = 14 : i64} {
  func.func @gather_kernel(%arg0: i32, %arg1: i32, %arg2: memref<10000x32xf32, #tpu.memory_space<hbm>>, %arg3: memref<163840xi32, #tpu.memory_space<hbm>>, %arg4: memref<163840x32xf32, #tpu.memory_space<hbm>>, %arg5: memref<1024xi32, #tpu.memory_space<vmem>>, %arg6: memref<1024xi32, #tpu.memory_space<vmem>>, %arg7: memref<1024x32xf32, #tpu.memory_space<vmem>>, %arg8: memref<1024x32xf32, #tpu.memory_space<vmem>>, %arg9: memref<!tpu.dma_semaphore, #tpu.memory_space<semaphore_mem>>, %arg10: memref<!tpu.dma_semaphore, #tpu.memory_space<semaphore_mem>>, %arg11: memref<!tpu.dma_semaphore, #tpu.memory_space<semaphore_mem>>, %arg12: memref<!tpu.dma_semaphore, #tpu.memory_space<semaphore_mem>>) attributes {dimension_semantics = [#tpu.dimension_semantics<core_parallel>, #tpu.dimension_semantics<subcore_parallel>], iteration_bounds = array<i64: 2, 16>, scalar_prefetch = 0 : i64, scratch_operands = 8 : i64, tpu.core_type = #tpu.core_type<sc_vector_subcore>, window_params = [{transform_indices = #map}, {transform_indices = #map1}, {transform_indices = #map}]} {
    %mul3A = arith.constant 2 : i32
    %mul3A_0 = arith.muli %arg1, %mul3A : i32
    %add3A = arith.addi %mul3A_0, %arg0 : i32
    %mul3A_1 = arith.constant 5120 : i32
    %mul3A_2 = arith.muli %add3A, %mul3A_1 : i32
    %dma_start3A = tpu.memref_slice %arg3[%mul3A_2] : memref<163840xi32, #tpu.memory_space<hbm>> -> memref<1024xi32, #tpu.memory_space<hbm>>
    %dma_start3A_3 = tpu.memref_slice %arg3[%mul3A_2] : memref<163840xi32, #tpu.memory_space<hbm>> -> memref<1024xi32, #tpu.memory_space<hbm>>
    tpu.enqueue_dma source(%dma_start3A_3 : memref<1024xi32, #tpu.memory_space<hbm>>) target(%arg5 : memref<1024xi32, #tpu.memory_space<vmem>>) target_semaphore(%arg9 : memref<!tpu.dma_semaphore, #tpu.memory_space<semaphore_mem>>)
    %add3A_4 = arith.constant 0 : i32
    %add3A_5 = arith.addi %mul3A_2, %add3A_4 : i32
    %add3A_6 = arith.constant 1024 : i32
    %add3A_7 = arith.addi %add3A_5, %add3A_6 : i32
    %dma_start3A_8 = tpu.memref_slice %arg3[%add3A_7] : memref<163840xi32, #tpu.memory_space<hbm>> -> memref<1024xi32, #tpu.memory_space<hbm>>
    %dma_start3A_9 = tpu.memref_slice %arg3[%add3A_7] : memref<163840xi32, #tpu.memory_space<hbm>> -> memref<1024xi32, #tpu.memory_space<hbm>>
    tpu.enqueue_dma source(%dma_start3A_9 : memref<1024xi32, #tpu.memory_space<hbm>>) target(%arg6 : memref<1024xi32, #tpu.memory_space<vmem>>) target_semaphore(%arg10 : memref<!tpu.dma_semaphore, #tpu.memory_space<semaphore_mem>>)
    %dma_wait3A = tpu.memref_slice %arg3[%add3A_5] : memref<163840xi32, #tpu.memory_space<hbm>> -> memref<1024xi32, #tpu.memory_space<hbm>>
    %dma_wait3A_10 = tpu.memref_slice %arg3[%add3A_5] : memref<163840xi32, #tpu.memory_space<hbm>> -> memref<1024xi32, #tpu.memory_space<hbm>>
    tpu.wait_dma2 semaphore(%arg9 : memref<!tpu.dma_semaphore, #tpu.memory_space<semaphore_mem>>) src(%dma_wait3A_10 : memref<1024xi32, #tpu.memory_space<hbm>>) dst(%arg5 : memref<1024xi32, #tpu.memory_space<vmem>>)
    %dma_start3A_11 = arith.constant 0 : i32
    %dma_start3A_12 = arith.constant 0 : i32
    %dma_start3A_13 = tpu.memref_slice %arg2[%dma_start3A_11, %dma_start3A_12] : memref<10000x32xf32, #tpu.memory_space<hbm>> -> memref<10000x32xf32, #tpu.memory_space<hbm>>
    tpu.enqueue_indirect_dma source(%dma_start3A_13 : memref<10000x32xf32, #tpu.memory_space<hbm>>) target(%arg7 : memref<1024x32xf32, #tpu.memory_space<vmem>>) offsets(%arg5 : memref<1024xi32, #tpu.memory_space<vmem>>) semaphore(%arg9 : memref<!tpu.dma_semaphore, #tpu.memory_space<semaphore_mem>>)
    %dma_wait3A_14 = arith.constant 0 : i32
    %dma_wait3A_15 = arith.constant 0 : i32
    %dma_wait3A_16 = tpu.memref_slice %arg2[%dma_wait3A_14, %dma_wait3A_15] : memref<10000x32xf32, #tpu.memory_space<hbm>> -> memref<10000x32xf32, #tpu.memory_space<hbm>>
    tpu.wait_indirect_dma semaphore(%arg9 : memref<!tpu.dma_semaphore, #tpu.memory_space<semaphore_mem>>) src(%dma_wait3A_16 : memref<10000x32xf32, #tpu.memory_space<hbm>>) dst(%arg7 : memref<1024x32xf32, #tpu.memory_space<vmem>>)
    %dma_start3A_17 = arith.constant 0 : i32
    %dma_start3A_18 = tpu.memref_slice %arg4[%add3A_5, %dma_start3A_17] : memref<163840x32xf32, #tpu.memory_space<hbm>> -> memref<1024x32xf32, #tpu.memory_space<hbm>>
    %dma_start3A_19 = arith.constant 0 : i32
    %dma_start3A_20 = tpu.memref_slice %arg4[%add3A_5, %dma_start3A_19] : memref<163840x32xf32, #tpu.memory_space<hbm>> -> memref<1024x32xf32, #tpu.memory_space<hbm>>
    tpu.enqueue_dma source(%arg7 : memref<1024x32xf32, #tpu.memory_space<vmem>>) target(%dma_start3A_20 : memref<1024x32xf32, #tpu.memory_space<hbm>>) target_semaphore(%arg11 : memref<!tpu.dma_semaphore, #tpu.memory_space<semaphore_mem>>)
    %add3A_21 = arith.constant 1024 : i32
    %add3A_22 = arith.addi %mul3A_2, %add3A_21 : i32
    %add3A_23 = arith.constant 1024 : i32
    %add3A_24 = arith.addi %add3A_22, %add3A_23 : i32
    %dma_start3A_25 = tpu.memref_slice %arg3[%add3A_24] : memref<163840xi32, #tpu.memory_space<hbm>> -> memref<1024xi32, #tpu.memory_space<hbm>>
    %dma_start3A_26 = tpu.memref_slice %arg3[%add3A_24] : memref<163840xi32, #tpu.memory_space<hbm>> -> memref<1024xi32, #tpu.memory_space<hbm>>
    tpu.enqueue_dma source(%dma_start3A_26 : memref<1024xi32, #tpu.memory_space<hbm>>) target(%arg5 : memref<1024xi32, #tpu.memory_space<vmem>>) target_semaphore(%arg9 : memref<!tpu.dma_semaphore, #tpu.memory_space<semaphore_mem>>)
    %dma_wait3A_27 = tpu.memref_slice %arg3[%add3A_22] : memref<163840xi32, #tpu.memory_space<hbm>> -> memref<1024xi32, #tpu.memory_space<hbm>>
    %dma_wait3A_28 = tpu.memref_slice %arg3[%add3A_22] : memref<163840xi32, #tpu.memory_space<hbm>> -> memref<1024xi32, #tpu.memory_space<hbm>>
    tpu.wait_dma2 semaphore(%arg10 : memref<!tpu.dma_semaphore, #tpu.memory_space<semaphore_mem>>) src(%dma_wait3A_28 : memref<1024xi32, #tpu.memory_space<hbm>>) dst(%arg6 : memref<1024xi32, #tpu.memory_space<vmem>>)
    %dma_start3A_29 = arith.constant 0 : i32
    %dma_start3A_30 = arith.constant 0 : i32
    %dma_start3A_31 = tpu.memref_slice %arg2[%dma_start3A_29, %dma_start3A_30] : memref<10000x32xf32, #tpu.memory_space<hbm>> -> memref<10000x32xf32, #tpu.memory_space<hbm>>
    tpu.enqueue_indirect_dma source(%dma_start3A_31 : memref<10000x32xf32, #tpu.memory_space<hbm>>) target(%arg8 : memref<1024x32xf32, #tpu.memory_space<vmem>>) offsets(%arg6 : memref<1024xi32, #tpu.memory_space<vmem>>) semaphore(%arg10 : memref<!tpu.dma_semaphore, #tpu.memory_space<semaphore_mem>>)
    %dma_wait3A_32 = arith.constant 0 : i32
    %dma_wait3A_33 = arith.constant 0 : i32
    %dma_wait3A_34 = tpu.memref_slice %arg2[%dma_wait3A_32, %dma_wait3A_33] : memref<10000x32xf32, #tpu.memory_space<hbm>> -> memref<10000x32xf32, #tpu.memory_space<hbm>>
    tpu.wait_indirect_dma semaphore(%arg10 : memref<!tpu.dma_semaphore, #tpu.memory_space<semaphore_mem>>) src(%dma_wait3A_34 : memref<10000x32xf32, #tpu.memory_space<hbm>>) dst(%arg8 : memref<1024x32xf32, #tpu.memory_space<vmem>>)
    %dma_start3A_35 = arith.constant 0 : i32
    %dma_start3A_36 = tpu.memref_slice %arg4[%add3A_22, %dma_start3A_35] : memref<163840x32xf32, #tpu.memory_space<hbm>> -> memref<1024x32xf32, #tpu.memory_space<hbm>>
    %dma_start3A_37 = arith.constant 0 : i32
    %dma_start3A_38 = tpu.memref_slice %arg4[%add3A_22, %dma_start3A_37] : memref<163840x32xf32, #tpu.memory_space<hbm>> -> memref<1024x32xf32, #tpu.memory_space<hbm>>
    tpu.enqueue_dma source(%arg8 : memref<1024x32xf32, #tpu.memory_space<vmem>>) target(%dma_start3A_38 : memref<1024x32xf32, #tpu.memory_space<hbm>>) target_semaphore(%arg12 : memref<!tpu.dma_semaphore, #tpu.memory_space<semaphore_mem>>)
    %add3A_39 = arith.constant 2048 : i32
    %add3A_40 = arith.addi %mul3A_2, %add3A_39 : i32
    %add3A_41 = arith.constant 1024 : i32
    %add3A_42 = arith.addi %add3A_40, %add3A_41 : i32
    %dma_start3A_43 = tpu.memref_slice %arg3[%add3A_42] : memref<163840xi32, #tpu.memory_space<hbm>> -> memref<1024xi32, #tpu.memory_space<hbm>>
    %dma_start3A_44 = tpu.memref_slice %arg3[%add3A_42] : memref<163840xi32, #tpu.memory_space<hbm>> -> memref<1024xi32, #tpu.memory_space<hbm>>
    tpu.enqueue_dma source(%dma_start3A_44 : memref<1024xi32, #tpu.memory_space<hbm>>) target(%arg6 : memref<1024xi32, #tpu.memory_space<vmem>>) target_semaphore(%arg10 : memref<!tpu.dma_semaphore, #tpu.memory_space<semaphore_mem>>)
    %dma_wait3A_45 = tpu.memref_slice %arg3[%add3A_40] : memref<163840xi32, #tpu.memory_space<hbm>> -> memref<1024xi32, #tpu.memory_space<hbm>>
    %dma_wait3A_46 = tpu.memref_slice %arg3[%add3A_40] : memref<163840xi32, #tpu.memory_space<hbm>> -> memref<1024xi32, #tpu.memory_space<hbm>>
    tpu.wait_dma2 semaphore(%arg9 : memref<!tpu.dma_semaphore, #tpu.memory_space<semaphore_mem>>) src(%dma_wait3A_46 : memref<1024xi32, #tpu.memory_space<hbm>>) dst(%arg5 : memref<1024xi32, #tpu.memory_space<vmem>>)
    %sub3A = arith.constant 2048 : i32
    %sub3A_47 = arith.subi %add3A_40, %sub3A : i32
    %dma_wait3A_48 = arith.constant 0 : i32
    %dma_wait3A_49 = tpu.memref_slice %arg4[%sub3A_47, %dma_wait3A_48] : memref<163840x32xf32, #tpu.memory_space<hbm>> -> memref<1024x32xf32, #tpu.memory_space<hbm>>
    %dma_wait3A_50 = arith.constant 0 : i32
    %dma_wait3A_51 = tpu.memref_slice %arg4[%sub3A_47, %dma_wait3A_50] : memref<163840x32xf32, #tpu.memory_space<hbm>> -> memref<1024x32xf32, #tpu.memory_space<hbm>>
    tpu.wait_dma2 semaphore(%arg11 : memref<!tpu.dma_semaphore, #tpu.memory_space<semaphore_mem>>) src(%arg7 : memref<1024x32xf32, #tpu.memory_space<vmem>>) dst(%dma_wait3A_51 : memref<1024x32xf32, #tpu.memory_space<hbm>>)
    %dma_start3A_52 = arith.constant 0 : i32
    %dma_start3A_53 = arith.constant 0 : i32
    %dma_start3A_54 = tpu.memref_slice %arg2[%dma_start3A_52, %dma_start3A_53] : memref<10000x32xf32, #tpu.memory_space<hbm>> -> memref<10000x32xf32, #tpu.memory_space<hbm>>
    tpu.enqueue_indirect_dma source(%dma_start3A_54 : memref<10000x32xf32, #tpu.memory_space<hbm>>) target(%arg7 : memref<1024x32xf32, #tpu.memory_space<vmem>>) offsets(%arg5 : memref<1024xi32, #tpu.memory_space<vmem>>) semaphore(%arg9 : memref<!tpu.dma_semaphore, #tpu.memory_space<semaphore_mem>>)
    %dma_wait3A_55 = arith.constant 0 : i32
    %dma_wait3A_56 = arith.constant 0 : i32
    %dma_wait3A_57 = tpu.memref_slice %arg2[%dma_wait3A_55, %dma_wait3A_56] : memref<10000x32xf32, #tpu.memory_space<hbm>> -> memref<10000x32xf32, #tpu.memory_space<hbm>>
    tpu.wait_indirect_dma semaphore(%arg9 : memref<!tpu.dma_semaphore, #tpu.memory_space<semaphore_mem>>) src(%dma_wait3A_57 : memref<10000x32xf32, #tpu.memory_space<hbm>>) dst(%arg7 : memref<1024x32xf32, #tpu.memory_space<vmem>>)
    %dma_start3A_58 = arith.constant 0 : i32
    %dma_start3A_59 = tpu.memref_slice %arg4[%add3A_40, %dma_start3A_58] : memref<163840x32xf32, #tpu.memory_space<hbm>> -> memref<1024x32xf32, #tpu.memory_space<hbm>>
    %dma_start3A_60 = arith.constant 0 : i32
    %dma_start3A_61 = tpu.memref_slice %arg4[%add3A_40, %dma_start3A_60] : memref<163840x32xf32, #tpu.memory_space<hbm>> -> memref<1024x32xf32, #tpu.memory_space<hbm>>
    tpu.enqueue_dma source(%arg7 : memref<1024x32xf32, #tpu.memory_space<vmem>>) target(%dma_start3A_61 : memref<1024x32xf32, #tpu.memory_space<hbm>>) target_semaphore(%arg11 : memref<!tpu.dma_semaphore, #tpu.memory_space<semaphore_mem>>)
    %add3A_62 = arith.constant 3072 : i32
    %add3A_63 = arith.addi %mul3A_2, %add3A_62 : i32
    %add3A_64 = arith.constant 1024 : i32
    %add3A_65 = arith.addi %add3A_63, %add3A_64 : i32
    %dma_start3A_66 = tpu.memref_slice %arg3[%add3A_65] : memref<163840xi32, #tpu.memory_space<hbm>> -> memref<1024xi32, #tpu.memory_space<hbm>>
    %dma_start3A_67 = tpu.memref_slice %arg3[%add3A_65] : memref<163840xi32, #tpu.memory_space<hbm>> -> memref<1024xi32, #tpu.memory_space<hbm>>
    tpu.enqueue_dma source(%dma_start3A_67 : memref<1024xi32, #tpu.memory_space<hbm>>) target(%arg5 : memref<1024xi32, #tpu.memory_space<vmem>>) target_semaphore(%arg9 : memref<!tpu.dma_semaphore, #tpu.memory_space<semaphore_mem>>)
    %dma_wait3A_68 = tpu.memref_slice %arg3[%add3A_63] : memref<163840xi32, #tpu.memory_space<hbm>> -> memref<1024xi32, #tpu.memory_space<hbm>>
    %dma_wait3A_69 = tpu.memref_slice %arg3[%add3A_63] : memref<163840xi32, #tpu.memory_space<hbm>> -> memref<1024xi32, #tpu.memory_space<hbm>>
    tpu.wait_dma2 semaphore(%arg10 : memref<!tpu.dma_semaphore, #tpu.memory_space<semaphore_mem>>) src(%dma_wait3A_69 : memref<1024xi32, #tpu.memory_space<hbm>>) dst(%arg6 : memref<1024xi32, #tpu.memory_space<vmem>>)
    %sub3A_70 = arith.constant 2048 : i32
    %sub3A_71 = arith.subi %add3A_63, %sub3A_70 : i32
    %dma_wait3A_72 = arith.constant 0 : i32
    %dma_wait3A_73 = tpu.memref_slice %arg4[%sub3A_71, %dma_wait3A_72] : memref<163840x32xf32, #tpu.memory_space<hbm>> -> memref<1024x32xf32, #tpu.memory_space<hbm>>
    %dma_wait3A_74 = arith.constant 0 : i32
    %dma_wait3A_75 = tpu.memref_slice %arg4[%sub3A_71, %dma_wait3A_74] : memref<163840x32xf32, #tpu.memory_space<hbm>> -> memref<1024x32xf32, #tpu.memory_space<hbm>>
    tpu.wait_dma2 semaphore(%arg12 : memref<!tpu.dma_semaphore, #tpu.memory_space<semaphore_mem>>) src(%arg8 : memref<1024x32xf32, #tpu.memory_space<vmem>>) dst(%dma_wait3A_75 : memref<1024x32xf32, #tpu.memory_space<hbm>>)
    %dma_start3A_76 = arith.constant 0 : i32
    %dma_start3A_77 = arith.constant 0 : i32
    %dma_start3A_78 = tpu.memref_slice %arg2[%dma_start3A_76, %dma_start3A_77] : memref<10000x32xf32, #tpu.memory_space<hbm>> -> memref<10000x32xf32, #tpu.memory_space<hbm>>
    tpu.enqueue_indirect_dma source(%dma_start3A_78 : memref<10000x32xf32, #tpu.memory_space<hbm>>) target(%arg8 : memref<1024x32xf32, #tpu.memory_space<vmem>>) offsets(%arg6 : memref<1024xi32, #tpu.memory_space<vmem>>) semaphore(%arg10 : memref<!tpu.dma_semaphore, #tpu.memory_space<semaphore_mem>>)
    %dma_wait3A_79 = arith.constant 0 : i32
    %dma_wait3A_80 = arith.constant 0 : i32
    %dma_wait3A_81 = tpu.memref_slice %arg2[%dma_wait3A_79, %dma_wait3A_80] : memref<10000x32xf32, #tpu.memory_space<hbm>> -> memref<10000x32xf32, #tpu.memory_space<hbm>>
    tpu.wait_indirect_dma semaphore(%arg10 : memref<!tpu.dma_semaphore, #tpu.memory_space<semaphore_mem>>) src(%dma_wait3A_81 : memref<10000x32xf32, #tpu.memory_space<hbm>>) dst(%arg8 : memref<1024x32xf32, #tpu.memory_space<vmem>>)
    %dma_start3A_82 = arith.constant 0 : i32
    %dma_start3A_83 = tpu.memref_slice %arg4[%add3A_63, %dma_start3A_82] : memref<163840x32xf32, #tpu.memory_space<hbm>> -> memref<1024x32xf32, #tpu.memory_space<hbm>>
    %dma_start3A_84 = arith.constant 0 : i32
    %dma_start3A_85 = tpu.memref_slice %arg4[%add3A_63, %dma_start3A_84] : memref<163840x32xf32, #tpu.memory_space<hbm>> -> memref<1024x32xf32, #tpu.memory_space<hbm>>
    tpu.enqueue_dma source(%arg8 : memref<1024x32xf32, #tpu.memory_space<vmem>>) target(%dma_start3A_85 : memref<1024x32xf32, #tpu.memory_space<hbm>>) target_semaphore(%arg12 : memref<!tpu.dma_semaphore, #tpu.memory_space<semaphore_mem>>)
    %add3A_86 = arith.constant 4096 : i32
    %add3A_87 = arith.addi %mul3A_2, %add3A_86 : i32
    %dma_wait3A_88 = tpu.memref_slice %arg3[%add3A_87] : memref<163840xi32, #tpu.memory_space<hbm>> -> memref<1024xi32, #tpu.memory_space<hbm>>
    %dma_wait3A_89 = tpu.memref_slice %arg3[%add3A_87] : memref<163840xi32, #tpu.memory_space<hbm>> -> memref<1024xi32, #tpu.memory_space<hbm>>
    tpu.wait_dma2 semaphore(%arg9 : memref<!tpu.dma_semaphore, #tpu.memory_space<semaphore_mem>>) src(%dma_wait3A_89 : memref<1024xi32, #tpu.memory_space<hbm>>) dst(%arg5 : memref<1024xi32, #tpu.memory_space<vmem>>)
    %sub3A_90 = arith.constant 2048 : i32
    %sub3A_91 = arith.subi %add3A_87, %sub3A_90 : i32
    %dma_wait3A_92 = arith.constant 0 : i32
    %dma_wait3A_93 = tpu.memref_slice %arg4[%sub3A_91, %dma_wait3A_92] : memref<163840x32xf32, #tpu.memory_space<hbm>> -> memref<1024x32xf32, #tpu.memory_space<hbm>>
    %dma_wait3A_94 = arith.constant 0 : i32
    %dma_wait3A_95 = tpu.memref_slice %arg4[%sub3A_91, %dma_wait3A_94] : memref<163840x32xf32, #tpu.memory_space<hbm>> -> memref<1024x32xf32, #tpu.memory_space<hbm>>
    tpu.wait_dma2 semaphore(%arg11 : memref<!tpu.dma_semaphore, #tpu.memory_space<semaphore_mem>>) src(%arg7 : memref<1024x32xf32, #tpu.memory_space<vmem>>) dst(%dma_wait3A_95 : memref<1024x32xf32, #tpu.memory_space<hbm>>)
    %dma_start3A_96 = arith.constant 0 : i32
    %dma_start3A_97 = arith.constant 0 : i32
    %dma_start3A_98 = tpu.memref_slice %arg2[%dma_start3A_96, %dma_start3A_97] : memref<10000x32xf32, #tpu.memory_space<hbm>> -> memref<10000x32xf32, #tpu.memory_space<hbm>>
    tpu.enqueue_indirect_dma source(%dma_start3A_98 : memref<10000x32xf32, #tpu.memory_space<hbm>>) target(%arg7 : memref<1024x32xf32, #tpu.memory_space<vmem>>) offsets(%arg5 : memref<1024xi32, #tpu.memory_space<vmem>>) semaphore(%arg9 : memref<!tpu.dma_semaphore, #tpu.memory_space<semaphore_mem>>)
    %dma_wait3A_99 = arith.constant 0 : i32
    %dma_wait3A_100 = arith.constant 0 : i32
    %dma_wait3A_101 = tpu.memref_slice %arg2[%dma_wait3A_99, %dma_wait3A_100] : memref<10000x32xf32, #tpu.memory_space<hbm>> -> memref<10000x32xf32, #tpu.memory_space<hbm>>
    tpu.wait_indirect_dma semaphore(%arg9 : memref<!tpu.dma_semaphore, #tpu.memory_space<semaphore_mem>>) src(%dma_wait3A_101 : memref<10000x32xf32, #tpu.memory_space<hbm>>) dst(%arg7 : memref<1024x32xf32, #tpu.memory_space<vmem>>)
    %dma_start3A_102 = arith.constant 0 : i32
    %dma_start3A_103 = tpu.memref_slice %arg4[%add3A_87, %dma_start3A_102] : memref<163840x32xf32, #tpu.memory_space<hbm>> -> memref<1024x32xf32, #tpu.memory_space<hbm>>
    %dma_start3A_104 = arith.constant 0 : i32
    %dma_start3A_105 = tpu.memref_slice %arg4[%add3A_87, %dma_start3A_104] : memref<163840x32xf32, #tpu.memory_space<hbm>> -> memref<1024x32xf32, #tpu.memory_space<hbm>>
    tpu.enqueue_dma source(%arg7 : memref<1024x32xf32, #tpu.memory_space<vmem>>) target(%dma_start3A_105 : memref<1024x32xf32, #tpu.memory_space<hbm>>) target_semaphore(%arg11 : memref<!tpu.dma_semaphore, #tpu.memory_space<semaphore_mem>>)
    %add3A_106 = arith.constant 3072 : i32
    %add3A_107 = arith.addi %mul3A_2, %add3A_106 : i32
    %dma_wait3A_108 = arith.constant 0 : i32
    %dma_wait3A_109 = tpu.memref_slice %arg4[%add3A_107, %dma_wait3A_108] : memref<163840x32xf32, #tpu.memory_space<hbm>> -> memref<1024x32xf32, #tpu.memory_space<hbm>>
    %dma_wait3A_110 = arith.constant 0 : i32
    %dma_wait3A_111 = tpu.memref_slice %arg4[%add3A_107, %dma_wait3A_110] : memref<163840x32xf32, #tpu.memory_space<hbm>> -> memref<1024x32xf32, #tpu.memory_space<hbm>>
    tpu.wait_dma2 semaphore(%arg12 : memref<!tpu.dma_semaphore, #tpu.memory_space<semaphore_mem>>) src(%arg8 : memref<1024x32xf32, #tpu.memory_space<vmem>>) dst(%dma_wait3A_111 : memref<1024x32xf32, #tpu.memory_space<hbm>>)
    %add3A_112 = arith.constant 4096 : i32
    %add3A_113 = arith.addi %mul3A_2, %add3A_112 : i32
    %dma_wait3A_114 = arith.constant 0 : i32
    %dma_wait3A_115 = tpu.memref_slice %arg4[%add3A_113, %dma_wait3A_114] : memref<163840x32xf32, #tpu.memory_space<hbm>> -> memref<1024x32xf32, #tpu.memory_space<hbm>>
    %dma_wait3A_116 = arith.constant 0 : i32
    %dma_wait3A_117 = tpu.memref_slice %arg4[%add3A_113, %dma_wait3A_116] : memref<163840x32xf32, #tpu.memory_space<hbm>> -> memref<1024x32xf32, #tpu.memory_space<hbm>>
    tpu.wait_dma2 semaphore(%arg11 : memref<!tpu.dma_semaphore, #tpu.memory_space<semaphore_mem>>) src(%arg7 : memref<1024x32xf32, #tpu.memory_space<vmem>>) dst(%dma_wait3A_117 : memref<1024x32xf32, #tpu.memory_space<hbm>>)
    return
  }
}

#map = affine_map<(d0, d1) -> (0, 0)>
#map1 = affine_map<(d0, d1) -> (0)>
module attributes {stable_mosaic.version = 14 : i64} {
  func.func @gather_kernel(%arg0: i32, %arg1: i32, %arg2: memref<10000x32xf32, #tpu.memory_space<hbm>>, %arg3: memref<163840xi32, #tpu.memory_space<hbm>>, %arg4: memref<163840x32xf32, #tpu.memory_space<hbm>>, %arg5: memref<1024xi32, #tpu.memory_space<vmem>>, %arg6: memref<1024xi32, #tpu.memory_space<vmem>>, %arg7: memref<1024x32xf32, #tpu.memory_space<vmem>>, %arg8: memref<1024x32xf32, #tpu.memory_space<vmem>>, %arg9: memref<!tpu.dma_semaphore, #tpu.memory_space<semaphore_mem>>, %arg10: memref<!tpu.dma_semaphore, #tpu.memory_space<semaphore_mem>>, %arg11: memref<!tpu.dma_semaphore, #tpu.memory_space<semaphore_mem>>, %arg12: memref<!tpu.dma_semaphore, #tpu.memory_space<semaphore_mem>>) attributes {dimension_semantics = [#tpu.dimension_semantics<core_parallel>, #tpu.dimension_semantics<subcore_parallel>], iteration_bounds = array<i64: 2, 16>, scalar_prefetch = 0 : i64, scratch_operands = 8 : i64, tpu.core_type = #tpu.core_type<sc_vector_subcore>, window_params = [{transform_indices = #map}, {transform_indices = #map1}, {transform_indices = #map}]} {
    %mul3A = arith.constant 2 : i32
    %mul3A_0 = arith.muli %arg1, %mul3A : i32
    %add3A = arith.addi %mul3A_0, %arg0 : i32
    %mul3A_1 = arith.constant 5120 : i32
    %mul3A_2 = arith.muli %add3A, %mul3A_1 : i32
    %dma_start3A = tpu.memref_slice %arg3[%mul3A_2] : memref<163840xi32, #tpu.memory_space<hbm>> -> memref<1024xi32, #tpu.memory_space<hbm>>
    %dma_start3A_3 = tpu.memref_slice %arg3[%mul3A_2] : memref<163840xi32, #tpu.memory_space<hbm>> -> memref<1024xi32, #tpu.memory_space<hbm>>
    tpu.enqueue_dma source(%dma_start3A_3 : memref<1024xi32, #tpu.memory_space<hbm>>) target(%arg5 : memref<1024xi32, #tpu.memory_space<vmem>>) target_semaphore(%arg9 : memref<!tpu.dma_semaphore, #tpu.memory_space<semaphore_mem>>)
    %add3A_4 = arith.constant 0 : i32
    %add3A_5 = arith.addi %mul3A_2, %add3A_4 : i32
    %add3A_6 = arith.constant 1024 : i32
    %add3A_7 = arith.addi %add3A_5, %add3A_6 : i32
    %dma_start3A_8 = tpu.memref_slice %arg3[%add3A_7] : memref<163840xi32, #tpu.memory_space<hbm>> -> memref<1024xi32, #tpu.memory_space<hbm>>
    %dma_start3A_9 = tpu.memref_slice %arg3[%add3A_7] : memref<163840xi32, #tpu.memory_space<hbm>> -> memref<1024xi32, #tpu.memory_space<hbm>>
    tpu.enqueue_dma source(%dma_start3A_9 : memref<1024xi32, #tpu.memory_space<hbm>>) target(%arg6 : memref<1024xi32, #tpu.memory_space<vmem>>) target_semaphore(%arg10 : memref<!tpu.dma_semaphore, #tpu.memory_space<semaphore_mem>>)
    %dma_wait3A = tpu.memref_slice %arg3[%add3A_5] : memref<163840xi32, #tpu.memory_space<hbm>> -> memref<1024xi32, #tpu.memory_space<hbm>>
    %dma_wait3A_10 = tpu.memref_slice %arg3[%add3A_5] : memref<163840xi32, #tpu.memory_space<hbm>> -> memref<1024xi32, #tpu.memory_space<hbm>>
    tpu.wait_dma2 semaphore(%arg9 : memref<!tpu.dma_semaphore, #tpu.memory_space<semaphore_mem>>) src(%dma_wait3A_10 : memref<1024xi32, #tpu.memory_space<hbm>>) dst(%arg5 : memref<1024xi32, #tpu.memory_space<vmem>>)
    %dma_start3A_11 = arith.constant 0 : i32
    %dma_start3A_12 = arith.constant 0 : i32
    %dma_start3A_13 = tpu.memref_slice %arg2[%dma_start3A_11, %dma_start3A_12] : memref<10000x32xf32, #tpu.memory_space<hbm>> -> memref<10000x32xf32, #tpu.memory_space<hbm>>
    tpu.enqueue_indirect_dma source(%dma_start3A_13 : memref<10000x32xf32, #tpu.memory_space<hbm>>) target(%arg7 : memref<1024x32xf32, #tpu.memory_space<vmem>>) offsets(%arg5 : memref<1024xi32, #tpu.memory_space<vmem>>) semaphore(%arg9 : memref<!tpu.dma_semaphore, #tpu.memory_space<semaphore_mem>>)
    %dma_wait3A_14 = arith.constant 0 : i32
    %dma_wait3A_15 = arith.constant 0 : i32
    %dma_wait3A_16 = tpu.memref_slice %arg2[%dma_wait3A_14, %dma_wait3A_15] : memref<10000x32xf32, #tpu.memory_space<hbm>> -> memref<10000x32xf32, #tpu.memory_space<hbm>>
    tpu.wait_indirect_dma semaphore(%arg9 : memref<!tpu.dma_semaphore, #tpu.memory_space<semaphore_mem>>) src(%dma_wait3A_16 : memref<10000x32xf32, #tpu.memory_space<hbm>>) dst(%arg7 : memref<1024x32xf32, #tpu.memory_space<vmem>>)
    %dma_start3A_17 = arith.constant 0 : i32
    %dma_start3A_18 = tpu.memref_slice %arg4[%add3A_5, %dma_start3A_17] : memref<163840x32xf32, #tpu.memory_space<hbm>> -> memref<1024x32xf32, #tpu.memory_space<hbm>>
    %dma_start3A_19 = arith.constant 0 : i32
    %dma_start3A_20 = tpu.memref_slice %arg4[%add3A_5, %dma_start3A_19] : memref<163840x32xf32, #tpu.memory_space<hbm>> -> memref<1024x32xf32, #tpu.memory_space<hbm>>
    tpu.enqueue_dma source(%arg7 : memref<1024x32xf32, #tpu.memory_space<vmem>>) target(%dma_start3A_20 : memref<1024x32xf32, #tpu.memory_space<hbm>>) target_semaphore(%arg11 : memref<!tpu.dma_semaphore, #tpu.memory_space<semaphore_mem>>)
    %add3A_21 = arith.constant 1024 : i32
    %add3A_22 = arith.addi %mul3A_2, %add3A_21 : i32
    %add3A_23 = arith.constant 1024 : i32
    %add3A_24 = arith.addi %add3A_22, %add3A_23 : i32
    %dma_start3A_25 = tpu.memref_slice %arg3[%add3A_24] : memref<163840xi32, #tpu.memory_space<hbm>> -> memref<1024xi32, #tpu.memory_space<hbm>>
    %dma_start3A_26 = tpu.memref_slice %arg3[%add3A_24] : memref<163840xi32, #tpu.memory_space<hbm>> -> memref<1024xi32, #tpu.memory_space<hbm>>
    tpu.enqueue_dma source(%dma_start3A_26 : memref<1024xi32, #tpu.memory_space<hbm>>) target(%arg5 : memref<1024xi32, #tpu.memory_space<vmem>>) target_semaphore(%arg9 : memref<!tpu.dma_semaphore, #tpu.memory_space<semaphore_mem>>)
    %dma_wait3A_27 = tpu.memref_slice %arg3[%add3A_22] : memref<163840xi32, #tpu.memory_space<hbm>> -> memref<1024xi32, #tpu.memory_space<hbm>>
    %dma_wait3A_28 = tpu.memref_slice %arg3[%add3A_22] : memref<163840xi32, #tpu.memory_space<hbm>> -> memref<1024xi32, #tpu.memory_space<hbm>>
    tpu.wait_dma2 semaphore(%arg10 : memref<!tpu.dma_semaphore, #tpu.memory_space<semaphore_mem>>) src(%dma_wait3A_28 : memref<1024xi32, #tpu.memory_space<hbm>>) dst(%arg6 : memref<1024xi32, #tpu.memory_space<vmem>>)
    %dma_start3A_29 = arith.constant 0 : i32
    %dma_start3A_30 = arith.constant 0 : i32
    %dma_start3A_31 = tpu.memref_slice %arg2[%dma_start3A_29, %dma_start3A_30] : memref<10000x32xf32, #tpu.memory_space<hbm>> -> memref<10000x32xf32, #tpu.memory_space<hbm>>
    tpu.enqueue_indirect_dma source(%dma_start3A_31 : memref<10000x32xf32, #tpu.memory_space<hbm>>) target(%arg8 : memref<1024x32xf32, #tpu.memory_space<vmem>>) offsets(%arg6 : memref<1024xi32, #tpu.memory_space<vmem>>) semaphore(%arg10 : memref<!tpu.dma_semaphore, #tpu.memory_space<semaphore_mem>>)
    %dma_wait3A_32 = arith.constant 0 : i32
    %dma_wait3A_33 = arith.constant 0 : i32
    %dma_wait3A_34 = tpu.memref_slice %arg2[%dma_wait3A_32, %dma_wait3A_33] : memref<10000x32xf32, #tpu.memory_space<hbm>> -> memref<10000x32xf32, #tpu.memory_space<hbm>>
    tpu.wait_indirect_dma semaphore(%arg10 : memref<!tpu.dma_semaphore, #tpu.memory_space<semaphore_mem>>) src(%dma_wait3A_34 : memref<10000x32xf32, #tpu.memory_space<hbm>>) dst(%arg8 : memref<1024x32xf32, #tpu.memory_space<vmem>>)
    %dma_start3A_35 = arith.constant 0 : i32
    %dma_start3A_36 = tpu.memref_slice %arg4[%add3A_22, %dma_start3A_35] : memref<163840x32xf32, #tpu.memory_space<hbm>> -> memref<1024x32xf32, #tpu.memory_space<hbm>>
    %dma_start3A_37 = arith.constant 0 : i32
    %dma_start3A_38 = tpu.memref_slice %arg4[%add3A_22, %dma_start3A_37] : memref<163840x32xf32, #tpu.memory_space<hbm>> -> memref<1024x32xf32, #tpu.memory_space<hbm>>
    tpu.enqueue_dma source(%arg8 : memref<1024x32xf32, #tpu.memory_space<vmem>>) target(%dma_start3A_38 : memref<1024x32xf32, #tpu.memory_space<hbm>>) target_semaphore(%arg12 : memref<!tpu.dma_semaphore, #tpu.memory_space<semaphore_mem>>)
    %add3A_39 = arith.constant 2048 : i32
    %add3A_40 = arith.addi %mul3A_2, %add3A_39 : i32
    %add3A_41 = arith.constant 1024 : i32
    %add3A_42 = arith.addi %add3A_40, %add3A_41 : i32
    %dma_start3A_43 = tpu.memref_slice %arg3[%add3A_42] : memref<163840xi32, #tpu.memory_space<hbm>> -> memref<1024xi32, #tpu.memory_space<hbm>>
    %dma_start3A_44 = tpu.memref_slice %arg3[%add3A_42] : memref<163840xi32, #tpu.memory_space<hbm>> -> memref<1024xi32, #tpu.memory_space<hbm>>
    tpu.enqueue_dma source(%dma_start3A_44 : memref<1024xi32, #tpu.memory_space<hbm>>) target(%arg6 : memref<1024xi32, #tpu.memory_space<vmem>>) target_semaphore(%arg10 : memref<!tpu.dma_semaphore, #tpu.memory_space<semaphore_mem>>)
    %dma_wait3A_45 = tpu.memref_slice %arg3[%add3A_40] : memref<163840xi32, #tpu.memory_space<hbm>> -> memref<1024xi32, #tpu.memory_space<hbm>>
    %dma_wait3A_46 = tpu.memref_slice %arg3[%add3A_40] : memref<163840xi32, #tpu.memory_space<hbm>> -> memref<1024xi32, #tpu.memory_space<hbm>>
    tpu.wait_dma2 semaphore(%arg9 : memref<!tpu.dma_semaphore, #tpu.memory_space<semaphore_mem>>) src(%dma_wait3A_46 : memref<1024xi32, #tpu.memory_space<hbm>>) dst(%arg5 : memref<1024xi32, #tpu.memory_space<vmem>>)
    %sub3A = arith.constant 2048 : i32
    %sub3A_47 = arith.subi %add3A_40, %sub3A : i32
    %dma_wait3A_48 = arith.constant 0 : i32
    %dma_wait3A_49 = tpu.memref_slice %arg4[%sub3A_47, %dma_wait3A_48] : memref<163840x32xf32, #tpu.memory_space<hbm>> -> memref<1024x32xf32, #tpu.memory_space<hbm>>
    %dma_wait3A_50 = arith.constant 0 : i32
    %dma_wait3A_51 = tpu.memref_slice %arg4[%sub3A_47, %dma_wait3A_50] : memref<163840x32xf32, #tpu.memory_space<hbm>> -> memref<1024x32xf32, #tpu.memory_space<hbm>>
    tpu.wait_dma2 semaphore(%arg11 : memref<!tpu.dma_semaphore, #tpu.memory_space<semaphore_mem>>) src(%arg7 : memref<1024x32xf32, #tpu.memory_space<vmem>>) dst(%dma_wait3A_51 : memref<1024x32xf32, #tpu.memory_space<hbm>>)
    %dma_start3A_52 = arith.constant 0 : i32
    %dma_start3A_53 = arith.constant 0 : i32
    %dma_start3A_54 = tpu.memref_slice %arg2[%dma_start3A_52, %dma_start3A_53] : memref<10000x32xf32, #tpu.memory_space<hbm>> -> memref<10000x32xf32, #tpu.memory_space<hbm>>
    tpu.enqueue_indirect_dma source(%dma_start3A_54 : memref<10000x32xf32, #tpu.memory_space<hbm>>) target(%arg7 : memref<1024x32xf32, #tpu.memory_space<vmem>>) offsets(%arg5 : memref<1024xi32, #tpu.memory_space<vmem>>) semaphore(%arg9 : memref<!tpu.dma_semaphore, #tpu.memory_space<semaphore_mem>>)
    %dma_wait3A_55 = arith.constant 0 : i32
    %dma_wait3A_56 = arith.constant 0 : i32
    %dma_wait3A_57 = tpu.memref_slice %arg2[%dma_wait3A_55, %dma_wait3A_56] : memref<10000x32xf32, #tpu.memory_space<hbm>> -> memref<10000x32xf32, #tpu.memory_space<hbm>>
    tpu.wait_indirect_dma semaphore(%arg9 : memref<!tpu.dma_semaphore, #tpu.memory_space<semaphore_mem>>) src(%dma_wait3A_57 : memref<10000x32xf32, #tpu.memory_space<hbm>>) dst(%arg7 : memref<1024x32xf32, #tpu.memory_space<vmem>>)
    %dma_start3A_58 = arith.constant 0 : i32
    %dma_start3A_59 = tpu.memref_slice %arg4[%add3A_40, %dma_start3A_58] : memref<163840x32xf32, #tpu.memory_space<hbm>> -> memref<1024x32xf32, #tpu.memory_space<hbm>>
    %dma_start3A_60 = arith.constant 0 : i32
    %dma_start3A_61 = tpu.memref_slice %arg4[%add3A_40, %dma_start3A_60] : memref<163840x32xf32, #tpu.memory_space<hbm>> -> memref<1024x32xf32, #tpu.memory_space<hbm>>
    tpu.enqueue_dma source(%arg7 : memref<1024x32xf32, #tpu.memory_space<vmem>>) target(%dma_start3A_61 : memref<1024x32xf32, #tpu.memory_space<hbm>>) target_semaphore(%arg11 : memref<!tpu.dma_semaphore, #tpu.memory_space<semaphore_mem>>)
    %add3A_62 = arith.constant 3072 : i32
    %add3A_63 = arith.addi %mul3A_2, %add3A_62 : i32
    %add3A_64 = arith.constant 1024 : i32
    %add3A_65 = arith.addi %add3A_63, %add3A_64 : i32
    %dma_start3A_66 = tpu.memref_slice %arg3[%add3A_65] : memref<163840xi32, #tpu.memory_space<hbm>> -> memref<1024xi32, #tpu.memory_space<hbm>>
    %dma_start3A_67 = tpu.memref_slice %arg3[%add3A_65] : memref<163840xi32, #tpu.memory_space<hbm>> -> memref<1024xi32, #tpu.memory_space<hbm>>
    tpu.enqueue_dma source(%dma_start3A_67 : memref<1024xi32, #tpu.memory_space<hbm>>) target(%arg5 : memref<1024xi32, #tpu.memory_space<vmem>>) target_semaphore(%arg9 : memref<!tpu.dma_semaphore, #tpu.memory_space<semaphore_mem>>)
    %dma_wait3A_68 = tpu.memref_slice %arg3[%add3A_63] : memref<163840xi32, #tpu.memory_space<hbm>> -> memref<1024xi32, #tpu.memory_space<hbm>>
    %dma_wait3A_69 = tpu.memref_slice %arg3[%add3A_63] : memref<163840xi32, #tpu.memory_space<hbm>> -> memref<1024xi32, #tpu.memory_space<hbm>>
    tpu.wait_dma2 semaphore(%arg10 : memref<!tpu.dma_semaphore, #tpu.memory_space<semaphore_mem>>) src(%dma_wait3A_69 : memref<1024xi32, #tpu.memory_space<hbm>>) dst(%arg6 : memref<1024xi32, #tpu.memory_space<vmem>>)
    %sub3A_70 = arith.constant 2048 : i32
    %sub3A_71 = arith.subi %add3A_63, %sub3A_70 : i32
    %dma_wait3A_72 = arith.constant 0 : i32
    %dma_wait3A_73 = tpu.memref_slice %arg4[%sub3A_71, %dma_wait3A_72] : memref<163840x32xf32, #tpu.memory_space<hbm>> -> memref<1024x32xf32, #tpu.memory_space<hbm>>
    %dma_wait3A_74 = arith.constant 0 : i32
    %dma_wait3A_75 = tpu.memref_slice %arg4[%sub3A_71, %dma_wait3A_74] : memref<163840x32xf32, #tpu.memory_space<hbm>> -> memref<1024x32xf32, #tpu.memory_space<hbm>>
    tpu.wait_dma2 semaphore(%arg12 : memref<!tpu.dma_semaphore, #tpu.memory_space<semaphore_mem>>) src(%arg8 : memref<1024x32xf32, #tpu.memory_space<vmem>>) dst(%dma_wait3A_75 : memref<1024x32xf32, #tpu.memory_space<hbm>>)
    %dma_start3A_76 = arith.constant 0 : i32
    %dma_start3A_77 = arith.constant 0 : i32
    %dma_start3A_78 = tpu.memref_slice %arg2[%dma_start3A_76, %dma_start3A_77] : memref<10000x32xf32, #tpu.memory_space<hbm>> -> memref<10000x32xf32, #tpu.memory_space<hbm>>
    tpu.enqueue_indirect_dma source(%dma_start3A_78 : memref<10000x32xf32, #tpu.memory_space<hbm>>) target(%arg8 : memref<1024x32xf32, #tpu.memory_space<vmem>>) offsets(%arg6 : memref<1024xi32, #tpu.memory_space<vmem>>) semaphore(%arg10 : memref<!tpu.dma_semaphore, #tpu.memory_space<semaphore_mem>>)
    %dma_wait3A_79 = arith.constant 0 : i32
    %dma_wait3A_80 = arith.constant 0 : i32
    %dma_wait3A_81 = tpu.memref_slice %arg2[%dma_wait3A_79, %dma_wait3A_80] : memref<10000x32xf32, #tpu.memory_space<hbm>> -> memref<10000x32xf32, #tpu.memory_space<hbm>>
    tpu.wait_indirect_dma semaphore(%arg10 : memref<!tpu.dma_semaphore, #tpu.memory_space<semaphore_mem>>) src(%dma_wait3A_81 : memref<10000x32xf32, #tpu.memory_space<hbm>>) dst(%arg8 : memref<1024x32xf32, #tpu.memory_space<vmem>>)
    %dma_start3A_82 = arith.constant 0 : i32
    %dma_start3A_83 = tpu.memref_slice %arg4[%add3A_63, %dma_start3A_82] : memref<163840x32xf32, #tpu.memory_space<hbm>> -> memref<1024x32xf32, #tpu.memory_space<hbm>>
    %dma_start3A_84 = arith.constant 0 : i32
    %dma_start3A_85 = tpu.memref_slice %arg4[%add3A_63, %dma_start3A_84] : memref<163840x32xf32, #tpu.memory_space<hbm>> -> memref<1024x32xf32, #tpu.memory_space<hbm>>
    tpu.enqueue_dma source(%arg8 : memref<1024x32xf32, #tpu.memory_space<vmem>>) target(%dma_start3A_85 : memref<1024x32xf32, #tpu.memory_space<hbm>>) target_semaphore(%arg12 : memref<!tpu.dma_semaphore, #tpu.memory_space<semaphore_mem>>)
    %add3A_86 = arith.constant 4096 : i32
    %add3A_87 = arith.addi %mul3A_2, %add3A_86 : i32
    %dma_wait3A_88 = tpu.memref_slice %arg3[%add3A_87] : memref<163840xi32, #tpu.memory_space<hbm>> -> memref<1024xi32, #tpu.memory_space<hbm>>
    %dma_wait3A_89 = tpu.memref_slice %arg3[%add3A_87] : memref<163840xi32, #tpu.memory_space<hbm>> -> memref<1024xi32, #tpu.memory_space<hbm>>
    tpu.wait_dma2 semaphore(%arg9 : memref<!tpu.dma_semaphore, #tpu.memory_space<semaphore_mem>>) src(%dma_wait3A_89 : memref<1024xi32, #tpu.memory_space<hbm>>) dst(%arg5 : memref<1024xi32, #tpu.memory_space<vmem>>)
    %sub3A_90 = arith.constant 2048 : i32
    %sub3A_91 = arith.subi %add3A_87, %sub3A_90 : i32
    %dma_wait3A_92 = arith.constant 0 : i32
    %dma_wait3A_93 = tpu.memref_slice %arg4[%sub3A_91, %dma_wait3A_92] : memref<163840x32xf32, #tpu.memory_space<hbm>> -> memref<1024x32xf32, #tpu.memory_space<hbm>>
    %dma_wait3A_94 = arith.constant 0 : i32
    %dma_wait3A_95 = tpu.memref_slice %arg4[%sub3A_91, %dma_wait3A_94] : memref<163840x32xf32, #tpu.memory_space<hbm>> -> memref<1024x32xf32, #tpu.memory_space<hbm>>
    tpu.wait_dma2 semaphore(%arg11 : memref<!tpu.dma_semaphore, #tpu.memory_space<semaphore_mem>>) src(%arg7 : memref<1024x32xf32, #tpu.memory_space<vmem>>) dst(%dma_wait3A_95 : memref<1024x32xf32, #tpu.memory_space<hbm>>)
    %dma_start3A_96 = arith.constant 0 : i32
    %dma_start3A_97 = arith.constant 0 : i32
    %dma_start3A_98 = tpu.memref_slice %arg2[%dma_start3A_96, %dma_start3A_97] : memref<10000x32xf32, #tpu.memory_space<hbm>> -> memref<10000x32xf32, #tpu.memory_space<hbm>>
    tpu.enqueue_indirect_dma source(%dma_start3A_98 : memref<10000x32xf32, #tpu.memory_space<hbm>>) target(%arg7 : memref<1024x32xf32, #tpu.memory_space<vmem>>) offsets(%arg5 : memref<1024xi32, #tpu.memory_space<vmem>>) semaphore(%arg9 : memref<!tpu.dma_semaphore, #tpu.memory_space<semaphore_mem>>)
    %dma_wait3A_99 = arith.constant 0 : i32
    %dma_wait3A_100 = arith.constant 0 : i32
    %dma_wait3A_101 = tpu.memref_slice %arg2[%dma_wait3A_99, %dma_wait3A_100] : memref<10000x32xf32, #tpu.memory_space<hbm>> -> memref<10000x32xf32, #tpu.memory_space<hbm>>
    tpu.wait_indirect_dma semaphore(%arg9 : memref<!tpu.dma_semaphore, #tpu.memory_space<semaphore_mem>>) src(%dma_wait3A_101 : memref<10000x32xf32, #tpu.memory_space<hbm>>) dst(%arg7 : memref<1024x32xf32, #tpu.memory_space<vmem>>)
    %dma_start3A_102 = arith.constant 0 : i32
    %dma_start3A_103 = tpu.memref_slice %arg4[%add3A_87, %dma_start3A_102] : memref<163840x32xf32, #tpu.memory_space<hbm>> -> memref<1024x32xf32, #tpu.memory_space<hbm>>
    %dma_start3A_104 = arith.constant 0 : i32
    %dma_start3A_105 = tpu.memref_slice %arg4[%add3A_87, %dma_start3A_104] : memref<163840x32xf32, #tpu.memory_space<hbm>> -> memref<1024x32xf32, #tpu.memory_space<hbm>>
    tpu.enqueue_dma source(%arg7 : memref<1024x32xf32, #tpu.memory_space<vmem>>) target(%dma_start3A_105 : memref<1024x32xf32, #tpu.memory_space<hbm>>) target_semaphore(%arg11 : memref<!tpu.dma_semaphore, #tpu.memory_space<semaphore_mem>>)
    %add3A_106 = arith.constant 3072 : i32
    %add3A_107 = arith.addi %mul3A_2, %add3A_106 : i32
    %dma_wait3A_108 = arith.constant 0 : i32
    %dma_wait3A_109 = tpu.memref_slice %arg4[%add3A_107, %dma_wait3A_108] : memref<163840x32xf32, #tpu.memory_space<hbm>> -> memref<1024x32xf32, #tpu.memory_space<hbm>>
    %dma_wait3A_110 = arith.constant 0 : i32
    %dma_wait3A_111 = tpu.memref_slice %arg4[%add3A_107, %dma_wait3A_110] : memref<163840x32xf32, #tpu.memory_space<hbm>> -> memref<1024x32xf32, #tpu.memory_space<hbm>>
    tpu.wait_dma2 semaphore(%arg12 : memref<!tpu.dma_semaphore, #tpu.memory_space<semaphore_mem>>) src(%arg8 : memref<1024x32xf32, #tpu.memory_space<vmem>>) dst(%dma_wait3A_111 : memref<1024x32xf32, #tpu.memory_space<hbm>>)
    %add3A_112 = arith.constant 4096 : i32
    %add3A_113 = arith.addi %mul3A_2, %add3A_112 : i32
    %dma_wait3A_114 = arith.constant 0 : i32
    %dma_wait3A_115 = tpu.memref_slice %arg4[%add3A_113, %dma_wait3A_114] : memref<163840x32xf32, #tpu.memory_space<hbm>> -> memref<1024x32xf32, #tpu.memory_space<hbm>>
    %dma_wait3A_116 = arith.constant 0 : i32
    %dma_wait3A_117 = tpu.memref_slice %arg4[%add3A_113, %dma_wait3A_116] : memref<163840x32xf32, #tpu.memory_space<hbm>> -> memref<1024x32xf32, #tpu.memory_space<hbm>>
    tpu.wait_dma2 semaphore(%arg11 : memref<!tpu.dma_semaphore, #tpu.memory_space<semaphore_mem>>) src(%arg7 : memref<1024x32xf32, #tpu.memory_space<vmem>>) dst(%dma_wait3A_117 : memref<1024x32xf32, #tpu.memory_space<hbm>>)
    return
  }
}

#map = affine_map<(d0, d1) -> (0, 0)>
#map1 = affine_map<(d0, d1) -> (0)>
#map2 = affine_map<(d0, d1) -> (0, 0, 0)>
module attributes {stable_mosaic.version = 14 : i64} {
  func.func @scatter_kernel(%arg0: i32, %arg1: i32, %arg2: memref<163840x32xf32, #tpu.memory_space<hbm>>, %arg3: memref<163840xi32, #tpu.memory_space<hbm>>, %arg4: memref<10016x32xf32, #tpu.memory_space<hbm>>, %arg5: memref<2x10000x32xf32, #tpu.memory_space<hbm>>, %arg6: memref<2560xi32, #tpu.memory_space<vmem>>, %arg7: memref<2560x32xf32, #tpu.memory_space<vmem>>, %arg8: memref<10016x32xf32, #tpu.memory_space<vmem_shared>>) attributes {dimension_semantics = [#tpu.dimension_semantics<core_parallel>, #tpu.dimension_semantics<subcore_parallel>], iteration_bounds = array<i64: 2, 16>, scalar_prefetch = 0 : i64, scratch_operands = 3 : i64, tpu.core_type = #tpu.core_type<sc_vector_subcore>, window_params = [{transform_indices = #map}, {transform_indices = #map1}, {transform_indices = #map}, {transform_indices = #map2}]} {
    %eq3A = arith.constant 0 : i32
    %eq3A_0 = arith.cmpi eq, %arg1, %eq3A : i32
    %convert_element_type3A = arith.extui %eq3A_0 : i1 to i32
    %cond3A = arith.constant 0 : i32
    %cond3A_1 = arith.cmpi ne, %convert_element_type3A, %cond3A : i32
    scf.if %cond3A_1 {
      "tpu.region"() ({
        %run_scoped3A = tpu.sem_alloc : memref<!tpu.dma_semaphore, #tpu.memory_space<semaphore_mem>>
        tpu.enqueue_dma source(%arg4 : memref<10016x32xf32, #tpu.memory_space<hbm>>) target(%arg8 : memref<10016x32xf32, #tpu.memory_space<vmem_shared>>) target_semaphore(%run_scoped3A : memref<!tpu.dma_semaphore, #tpu.memory_space<semaphore_mem>>)
        tpu.wait_dma2 semaphore(%run_scoped3A : memref<!tpu.dma_semaphore, #tpu.memory_space<semaphore_mem>>) src(%arg4 : memref<10016x32xf32, #tpu.memory_space<hbm>>) dst(%arg8 : memref<10016x32xf32, #tpu.memory_space<vmem_shared>>)
        tpu.yield
      }) : () -> ()
    } else {
    }
    %barrier3A = arith.constant 0 : index
    tpu.barrier barrier_id(%barrier3A)
    %mul3A = arith.constant 2 : i32
    %mul3A_2 = arith.muli %arg1, %mul3A : i32
    %add3A = arith.addi %mul3A_2, %arg0 : i32
    %mul3A_3 = arith.constant 5120 : i32
    %mul3A_4 = arith.muli %add3A, %mul3A_3 : i32
    %add3A_5 = arith.constant 0 : i32
    %add3A_6 = arith.addi %mul3A_4, %add3A_5 : i32
    "tpu.region"() ({
      %run_scoped3A = tpu.sem_alloc : memref<!tpu.dma_semaphore, #tpu.memory_space<semaphore_mem>>
      %dma_start3A = tpu.memref_slice %arg3[%add3A_6] : memref<163840xi32, #tpu.memory_space<hbm>> -> memref<2560xi32, #tpu.memory_space<hbm>>
      %dma_start3A_15 = tpu.memref_slice %arg3[%add3A_6] : memref<163840xi32, #tpu.memory_space<hbm>> -> memref<2560xi32, #tpu.memory_space<hbm>>
      tpu.enqueue_dma source(%dma_start3A_15 : memref<2560xi32, #tpu.memory_space<hbm>>) target(%arg6 : memref<2560xi32, #tpu.memory_space<vmem>>) target_semaphore(%run_scoped3A : memref<!tpu.dma_semaphore, #tpu.memory_space<semaphore_mem>>)
      %dma_wait3A = tpu.memref_slice %arg3[%add3A_6] : memref<163840xi32, #tpu.memory_space<hbm>> -> memref<2560xi32, #tpu.memory_space<hbm>>
      %dma_wait3A_16 = tpu.memref_slice %arg3[%add3A_6] : memref<163840xi32, #tpu.memory_space<hbm>> -> memref<2560xi32, #tpu.memory_space<hbm>>
      tpu.wait_dma2 semaphore(%run_scoped3A : memref<!tpu.dma_semaphore, #tpu.memory_space<semaphore_mem>>) src(%dma_wait3A_16 : memref<2560xi32, #tpu.memory_space<hbm>>) dst(%arg6 : memref<2560xi32, #tpu.memory_space<vmem>>)
      tpu.yield
    }) : () -> ()
    "tpu.region"() ({
      %run_scoped3A = tpu.sem_alloc : memref<!tpu.dma_semaphore, #tpu.memory_space<semaphore_mem>>
      %dma_start3A = arith.constant 0 : i32
      %dma_start3A_15 = tpu.memref_slice %arg2[%add3A_6, %dma_start3A] : memref<163840x32xf32, #tpu.memory_space<hbm>> -> memref<2560x32xf32, #tpu.memory_space<hbm>>
      %dma_start3A_16 = arith.constant 0 : i32
      %dma_start3A_17 = tpu.memref_slice %arg2[%add3A_6, %dma_start3A_16] : memref<163840x32xf32, #tpu.memory_space<hbm>> -> memref<2560x32xf32, #tpu.memory_space<hbm>>
      tpu.enqueue_dma source(%dma_start3A_17 : memref<2560x32xf32, #tpu.memory_space<hbm>>) target(%arg7 : memref<2560x32xf32, #tpu.memory_space<vmem>>) target_semaphore(%run_scoped3A : memref<!tpu.dma_semaphore, #tpu.memory_space<semaphore_mem>>)
      %dma_wait3A = arith.constant 0 : i32
      %dma_wait3A_18 = tpu.memref_slice %arg2[%add3A_6, %dma_wait3A] : memref<163840x32xf32, #tpu.memory_space<hbm>> -> memref<2560x32xf32, #tpu.memory_space<hbm>>
      %dma_wait3A_19 = arith.constant 0 : i32
      %dma_wait3A_20 = tpu.memref_slice %arg2[%add3A_6, %dma_wait3A_19] : memref<163840x32xf32, #tpu.memory_space<hbm>> -> memref<2560x32xf32, #tpu.memory_space<hbm>>
      tpu.wait_dma2 semaphore(%run_scoped3A : memref<!tpu.dma_semaphore, #tpu.memory_space<semaphore_mem>>) src(%dma_wait3A_20 : memref<2560x32xf32, #tpu.memory_space<hbm>>) dst(%arg7 : memref<2560x32xf32, #tpu.memory_space<vmem>>)
      tpu.yield
    }) : () -> ()
    "tpu.region"() ({
      %run_scoped3A = tpu.sem_alloc : memref<!tpu.dma_semaphore, #tpu.memory_space<semaphore_mem>>
      %dma_start3A = arith.constant 0 : i32
      %dma_start3A_15 = arith.constant 0 : i32
      %dma_start3A_16 = tpu.memref_slice %arg8[%dma_start3A, %dma_start3A_15] : memref<10016x32xf32, #tpu.memory_space<vmem_shared>> -> memref<10016x32xf32, #tpu.memory_space<vmem_shared>>
      tpu.enqueue_indirect_dma source(%arg7 : memref<2560x32xf32, #tpu.memory_space<vmem>>) target(%dma_start3A_16 : memref<10016x32xf32, #tpu.memory_space<vmem_shared>>) offsets(%arg6 : memref<2560xi32, #tpu.memory_space<vmem>>) semaphore(%run_scoped3A : memref<!tpu.dma_semaphore, #tpu.memory_space<semaphore_mem>>) {add = true}
      %dma_wait3A = arith.constant 0 : i32
      %dma_wait3A_17 = arith.constant 0 : i32
      %dma_wait3A_18 = tpu.memref_slice %arg8[%dma_wait3A, %dma_wait3A_17] : memref<10016x32xf32, #tpu.memory_space<vmem_shared>> -> memref<10016x32xf32, #tpu.memory_space<vmem_shared>>
      tpu.wait_indirect_dma semaphore(%run_scoped3A : memref<!tpu.dma_semaphore, #tpu.memory_space<semaphore_mem>>) src(%arg7 : memref<2560x32xf32, #tpu.memory_space<vmem>>) dst(%dma_wait3A_18 : memref<10016x32xf32, #tpu.memory_space<vmem_shared>>)
      tpu.yield
    }) : () -> ()
    %add3A_7 = arith.constant 2560 : i32
    %add3A_8 = arith.addi %mul3A_4, %add3A_7 : i32
    "tpu.region"() ({
      %run_scoped3A = tpu.sem_alloc : memref<!tpu.dma_semaphore, #tpu.memory_space<semaphore_mem>>
      %dma_start3A = tpu.memref_slice %arg3[%add3A_8] : memref<163840xi32, #tpu.memory_space<hbm>> -> memref<2560xi32, #tpu.memory_space<hbm>>
      %dma_start3A_15 = tpu.memref_slice %arg3[%add3A_8] : memref<163840xi32, #tpu.memory_space<hbm>> -> memref<2560xi32, #tpu.memory_space<hbm>>
      tpu.enqueue_dma source(%dma_start3A_15 : memref<2560xi32, #tpu.memory_space<hbm>>) target(%arg6 : memref<2560xi32, #tpu.memory_space<vmem>>) target_semaphore(%run_scoped3A : memref<!tpu.dma_semaphore, #tpu.memory_space<semaphore_mem>>)
      %dma_wait3A = tpu.memref_slice %arg3[%add3A_8] : memref<163840xi32, #tpu.memory_space<hbm>> -> memref<2560xi32, #tpu.memory_space<hbm>>
      %dma_wait3A_16 = tpu.memref_slice %arg3[%add3A_8] : memref<163840xi32, #tpu.memory_space<hbm>> -> memref<2560xi32, #tpu.memory_space<hbm>>
      tpu.wait_dma2 semaphore(%run_scoped3A : memref<!tpu.dma_semaphore, #tpu.memory_space<semaphore_mem>>) src(%dma_wait3A_16 : memref<2560xi32, #tpu.memory_space<hbm>>) dst(%arg6 : memref<2560xi32, #tpu.memory_space<vmem>>)
      tpu.yield
    }) : () -> ()
    "tpu.region"() ({
      %run_scoped3A = tpu.sem_alloc : memref<!tpu.dma_semaphore, #tpu.memory_space<semaphore_mem>>
      %dma_start3A = arith.constant 0 : i32
      %dma_start3A_15 = tpu.memref_slice %arg2[%add3A_8, %dma_start3A] : memref<163840x32xf32, #tpu.memory_space<hbm>> -> memref<2560x32xf32, #tpu.memory_space<hbm>>
      %dma_start3A_16 = arith.constant 0 : i32
      %dma_start3A_17 = tpu.memref_slice %arg2[%add3A_8, %dma_start3A_16] : memref<163840x32xf32, #tpu.memory_space<hbm>> -> memref<2560x32xf32, #tpu.memory_space<hbm>>
      tpu.enqueue_dma source(%dma_start3A_17 : memref<2560x32xf32, #tpu.memory_space<hbm>>) target(%arg7 : memref<2560x32xf32, #tpu.memory_space<vmem>>) target_semaphore(%run_scoped3A : memref<!tpu.dma_semaphore, #tpu.memory_space<semaphore_mem>>)
      %dma_wait3A = arith.constant 0 : i32
      %dma_wait3A_18 = tpu.memref_slice %arg2[%add3A_8, %dma_wait3A] : memref<163840x32xf32, #tpu.memory_space<hbm>> -> memref<2560x32xf32, #tpu.memory_space<hbm>>
      %dma_wait3A_19 = arith.constant 0 : i32
      %dma_wait3A_20 = tpu.memref_slice %arg2[%add3A_8, %dma_wait3A_19] : memref<163840x32xf32, #tpu.memory_space<hbm>> -> memref<2560x32xf32, #tpu.memory_space<hbm>>
      tpu.wait_dma2 semaphore(%run_scoped3A : memref<!tpu.dma_semaphore, #tpu.memory_space<semaphore_mem>>) src(%dma_wait3A_20 : memref<2560x32xf32, #tpu.memory_space<hbm>>) dst(%arg7 : memref<2560x32xf32, #tpu.memory_space<vmem>>)
      tpu.yield
    }) : () -> ()
    "tpu.region"() ({
      %run_scoped3A = tpu.sem_alloc : memref<!tpu.dma_semaphore, #tpu.memory_space<semaphore_mem>>
      %dma_start3A = arith.constant 0 : i32
      %dma_start3A_15 = arith.constant 0 : i32
      %dma_start3A_16 = tpu.memref_slice %arg8[%dma_start3A, %dma_start3A_15] : memref<10016x32xf32, #tpu.memory_space<vmem_shared>> -> memref<10016x32xf32, #tpu.memory_space<vmem_shared>>
      tpu.enqueue_indirect_dma source(%arg7 : memref<2560x32xf32, #tpu.memory_space<vmem>>) target(%dma_start3A_16 : memref<10016x32xf32, #tpu.memory_space<vmem_shared>>) offsets(%arg6 : memref<2560xi32, #tpu.memory_space<vmem>>) semaphore(%run_scoped3A : memref<!tpu.dma_semaphore, #tpu.memory_space<semaphore_mem>>) {add = true}
      %dma_wait3A = arith.constant 0 : i32
      %dma_wait3A_17 = arith.constant 0 : i32
      %dma_wait3A_18 = tpu.memref_slice %arg8[%dma_wait3A, %dma_wait3A_17] : memref<10016x32xf32, #tpu.memory_space<vmem_shared>> -> memref<10016x32xf32, #tpu.memory_space<vmem_shared>>
      tpu.wait_indirect_dma semaphore(%run_scoped3A : memref<!tpu.dma_semaphore, #tpu.memory_space<semaphore_mem>>) src(%arg7 : memref<2560x32xf32, #tpu.memory_space<vmem>>) dst(%dma_wait3A_18 : memref<10016x32xf32, #tpu.memory_space<vmem_shared>>)
      tpu.yield
    }) : () -> ()
    %barrier3A_9 = arith.constant 0 : index
    tpu.barrier barrier_id(%barrier3A_9)
    %eq3A_10 = arith.constant 0 : i32
    %eq3A_11 = arith.cmpi eq, %arg1, %eq3A_10 : i32
    %convert_element_type3A_12 = arith.extui %eq3A_11 : i1 to i32
    %cond3A_13 = arith.constant 0 : i32
    %cond3A_14 = arith.cmpi ne, %convert_element_type3A_12, %cond3A_13 : i32
    scf.if %cond3A_14 {
      "tpu.region"() ({
        %run_scoped3A = tpu.sem_alloc : memref<!tpu.dma_semaphore, #tpu.memory_space<semaphore_mem>>
        %dma_start3A = arith.constant 0 : i32
        %dma_start3A_15 = arith.constant 0 : i32
        %dma_start3A_16 = tpu.memref_slice %arg5[%arg0, %dma_start3A, %dma_start3A_15] : memref<2x10000x32xf32, #tpu.memory_space<hbm>> -> memref<1x10000x32xf32, #tpu.memory_space<hbm>>
        %dma_start3A_17 = tpu.memref_squeeze %dma_start3A_16 : memref<1x10000x32xf32, #tpu.memory_space<hbm>> -> memref<10000x32xf32, #tpu.memory_space<hbm>>
        %dma_start3A_18 = arith.constant 0 : i32
        %dma_start3A_19 = arith.constant 0 : i32
        %dma_start3A_20 = tpu.memref_slice %arg8[%dma_start3A_18, %dma_start3A_19] : memref<10016x32xf32, #tpu.memory_space<vmem_shared>> -> memref<10000x32xf32, #tpu.memory_space<vmem_shared>>
        tpu.enqueue_dma source(%dma_start3A_20 : memref<10000x32xf32, #tpu.memory_space<vmem_shared>>) target(%dma_start3A_17 : memref<10000x32xf32, #tpu.memory_space<hbm>>) target_semaphore(%run_scoped3A : memref<!tpu.dma_semaphore, #tpu.memory_space<semaphore_mem>>)
        %dma_wait3A = arith.constant 0 : i32
        %dma_wait3A_21 = arith.constant 0 : i32
        %dma_wait3A_22 = tpu.memref_slice %arg5[%arg0, %dma_wait3A, %dma_wait3A_21] : memref<2x10000x32xf32, #tpu.memory_space<hbm>> -> memref<1x10000x32xf32, #tpu.memory_space<hbm>>
        %dma_wait3A_23 = tpu.memref_squeeze %dma_wait3A_22 : memref<1x10000x32xf32, #tpu.memory_space<hbm>> -> memref<10000x32xf32, #tpu.memory_space<hbm>>
        %dma_wait3A_24 = arith.constant 0 : i32
        %dma_wait3A_25 = arith.constant 0 : i32
        %dma_wait3A_26 = tpu.memref_slice %arg8[%dma_wait3A_24, %dma_wait3A_25] : memref<10016x32xf32, #tpu.memory_space<vmem_shared>> -> memref<10000x32xf32, #tpu.memory_space<vmem_shared>>
        tpu.wait_dma2 semaphore(%run_scoped3A : memref<!tpu.dma_semaphore, #tpu.memory_space<semaphore_mem>>) src(%dma_wait3A_26 : memref<10000x32xf32, #tpu.memory_space<vmem_shared>>) dst(%dma_wait3A_23 : memref<10000x32xf32, #tpu.memory_space<hbm>>)
        tpu.yield
      }) : () -> ()
    } else {
    }
    return
  }
}

#map = affine_map<(d0, d1) -> (0)>
#map1 = affine_map<(d0, d1) -> (0, 0)>
#map2 = affine_map<(d0, d1) -> (0, 0, 0)>
module attributes {stable_mosaic.version = 14 : i64} {
  func.func @degree_kernel(%arg0: i32, %arg1: i32, %arg2: memref<163840xi32, #tpu.memory_space<hbm>>, %arg3: memref<2560x32xf32, #tpu.memory_space<hbm>>, %arg4: memref<10016x32xf32, #tpu.memory_space<hbm>>, %arg5: memref<2x10000x32xf32, #tpu.memory_space<hbm>>, %arg6: memref<2560xi32, #tpu.memory_space<vmem>>, %arg7: memref<2560x32xf32, #tpu.memory_space<vmem>>, %arg8: memref<10016x32xf32, #tpu.memory_space<vmem_shared>>) attributes {dimension_semantics = [#tpu.dimension_semantics<core_parallel>, #tpu.dimension_semantics<subcore_parallel>], iteration_bounds = array<i64: 2, 16>, scalar_prefetch = 0 : i64, scratch_operands = 3 : i64, tpu.core_type = #tpu.core_type<sc_vector_subcore>, window_params = [{transform_indices = #map}, {transform_indices = #map1}, {transform_indices = #map1}, {transform_indices = #map2}]} {
    %eq3A = arith.constant 0 : i32
    %eq3A_0 = arith.cmpi eq, %arg1, %eq3A : i32
    %convert_element_type3A = arith.extui %eq3A_0 : i1 to i32
    %cond3A = arith.constant 0 : i32
    %cond3A_1 = arith.cmpi ne, %convert_element_type3A, %cond3A : i32
    scf.if %cond3A_1 {
      "tpu.region"() ({
        %run_scoped3A = tpu.sem_alloc : memref<!tpu.dma_semaphore, #tpu.memory_space<semaphore_mem>>
        tpu.enqueue_dma source(%arg4 : memref<10016x32xf32, #tpu.memory_space<hbm>>) target(%arg8 : memref<10016x32xf32, #tpu.memory_space<vmem_shared>>) target_semaphore(%run_scoped3A : memref<!tpu.dma_semaphore, #tpu.memory_space<semaphore_mem>>)
        tpu.wait_dma2 semaphore(%run_scoped3A : memref<!tpu.dma_semaphore, #tpu.memory_space<semaphore_mem>>) src(%arg4 : memref<10016x32xf32, #tpu.memory_space<hbm>>) dst(%arg8 : memref<10016x32xf32, #tpu.memory_space<vmem_shared>>)
        tpu.yield
      }) : () -> ()
    } else {
    }
    "tpu.region"() ({
      %run_scoped3A = tpu.sem_alloc : memref<!tpu.dma_semaphore, #tpu.memory_space<semaphore_mem>>
      tpu.enqueue_dma source(%arg3 : memref<2560x32xf32, #tpu.memory_space<hbm>>) target(%arg7 : memref<2560x32xf32, #tpu.memory_space<vmem>>) target_semaphore(%run_scoped3A : memref<!tpu.dma_semaphore, #tpu.memory_space<semaphore_mem>>)
      tpu.wait_dma2 semaphore(%run_scoped3A : memref<!tpu.dma_semaphore, #tpu.memory_space<semaphore_mem>>) src(%arg3 : memref<2560x32xf32, #tpu.memory_space<hbm>>) dst(%arg7 : memref<2560x32xf32, #tpu.memory_space<vmem>>)
      tpu.yield
    }) : () -> ()
    %barrier3A = arith.constant 0 : index
    tpu.barrier barrier_id(%barrier3A)
    %mul3A = arith.constant 2 : i32
    %mul3A_2 = arith.muli %arg1, %mul3A : i32
    %add3A = arith.addi %mul3A_2, %arg0 : i32
    %mul3A_3 = arith.constant 5120 : i32
    %mul3A_4 = arith.muli %add3A, %mul3A_3 : i32
    %add3A_5 = arith.constant 0 : i32
    %add3A_6 = arith.addi %mul3A_4, %add3A_5 : i32
    "tpu.region"() ({
      %run_scoped3A = tpu.sem_alloc : memref<!tpu.dma_semaphore, #tpu.memory_space<semaphore_mem>>
      %dma_start3A = tpu.memref_slice %arg2[%add3A_6] : memref<163840xi32, #tpu.memory_space<hbm>> -> memref<2560xi32, #tpu.memory_space<hbm>>
      %dma_start3A_15 = tpu.memref_slice %arg2[%add3A_6] : memref<163840xi32, #tpu.memory_space<hbm>> -> memref<2560xi32, #tpu.memory_space<hbm>>
      tpu.enqueue_dma source(%dma_start3A_15 : memref<2560xi32, #tpu.memory_space<hbm>>) target(%arg6 : memref<2560xi32, #tpu.memory_space<vmem>>) target_semaphore(%run_scoped3A : memref<!tpu.dma_semaphore, #tpu.memory_space<semaphore_mem>>)
      %dma_wait3A = tpu.memref_slice %arg2[%add3A_6] : memref<163840xi32, #tpu.memory_space<hbm>> -> memref<2560xi32, #tpu.memory_space<hbm>>
      %dma_wait3A_16 = tpu.memref_slice %arg2[%add3A_6] : memref<163840xi32, #tpu.memory_space<hbm>> -> memref<2560xi32, #tpu.memory_space<hbm>>
      tpu.wait_dma2 semaphore(%run_scoped3A : memref<!tpu.dma_semaphore, #tpu.memory_space<semaphore_mem>>) src(%dma_wait3A_16 : memref<2560xi32, #tpu.memory_space<hbm>>) dst(%arg6 : memref<2560xi32, #tpu.memory_space<vmem>>)
      tpu.yield
    }) : () -> ()
    "tpu.region"() ({
      %run_scoped3A = tpu.sem_alloc : memref<!tpu.dma_semaphore, #tpu.memory_space<semaphore_mem>>
      %dma_start3A = arith.constant 0 : i32
      %dma_start3A_15 = arith.constant 0 : i32
      %dma_start3A_16 = tpu.memref_slice %arg8[%dma_start3A, %dma_start3A_15] : memref<10016x32xf32, #tpu.memory_space<vmem_shared>> -> memref<10016x32xf32, #tpu.memory_space<vmem_shared>>
      tpu.enqueue_indirect_dma source(%arg7 : memref<2560x32xf32, #tpu.memory_space<vmem>>) target(%dma_start3A_16 : memref<10016x32xf32, #tpu.memory_space<vmem_shared>>) offsets(%arg6 : memref<2560xi32, #tpu.memory_space<vmem>>) semaphore(%run_scoped3A : memref<!tpu.dma_semaphore, #tpu.memory_space<semaphore_mem>>) {add = true}
      %dma_wait3A = arith.constant 0 : i32
      %dma_wait3A_17 = arith.constant 0 : i32
      %dma_wait3A_18 = tpu.memref_slice %arg8[%dma_wait3A, %dma_wait3A_17] : memref<10016x32xf32, #tpu.memory_space<vmem_shared>> -> memref<10016x32xf32, #tpu.memory_space<vmem_shared>>
      tpu.wait_indirect_dma semaphore(%run_scoped3A : memref<!tpu.dma_semaphore, #tpu.memory_space<semaphore_mem>>) src(%arg7 : memref<2560x32xf32, #tpu.memory_space<vmem>>) dst(%dma_wait3A_18 : memref<10016x32xf32, #tpu.memory_space<vmem_shared>>)
      tpu.yield
    }) : () -> ()
    %add3A_7 = arith.constant 2560 : i32
    %add3A_8 = arith.addi %mul3A_4, %add3A_7 : i32
    "tpu.region"() ({
      %run_scoped3A = tpu.sem_alloc : memref<!tpu.dma_semaphore, #tpu.memory_space<semaphore_mem>>
      %dma_start3A = tpu.memref_slice %arg2[%add3A_8] : memref<163840xi32, #tpu.memory_space<hbm>> -> memref<2560xi32, #tpu.memory_space<hbm>>
      %dma_start3A_15 = tpu.memref_slice %arg2[%add3A_8] : memref<163840xi32, #tpu.memory_space<hbm>> -> memref<2560xi32, #tpu.memory_space<hbm>>
      tpu.enqueue_dma source(%dma_start3A_15 : memref<2560xi32, #tpu.memory_space<hbm>>) target(%arg6 : memref<2560xi32, #tpu.memory_space<vmem>>) target_semaphore(%run_scoped3A : memref<!tpu.dma_semaphore, #tpu.memory_space<semaphore_mem>>)
      %dma_wait3A = tpu.memref_slice %arg2[%add3A_8] : memref<163840xi32, #tpu.memory_space<hbm>> -> memref<2560xi32, #tpu.memory_space<hbm>>
      %dma_wait3A_16 = tpu.memref_slice %arg2[%add3A_8] : memref<163840xi32, #tpu.memory_space<hbm>> -> memref<2560xi32, #tpu.memory_space<hbm>>
      tpu.wait_dma2 semaphore(%run_scoped3A : memref<!tpu.dma_semaphore, #tpu.memory_space<semaphore_mem>>) src(%dma_wait3A_16 : memref<2560xi32, #tpu.memory_space<hbm>>) dst(%arg6 : memref<2560xi32, #tpu.memory_space<vmem>>)
      tpu.yield
    }) : () -> ()
    "tpu.region"() ({
      %run_scoped3A = tpu.sem_alloc : memref<!tpu.dma_semaphore, #tpu.memory_space<semaphore_mem>>
      %dma_start3A = arith.constant 0 : i32
      %dma_start3A_15 = arith.constant 0 : i32
      %dma_start3A_16 = tpu.memref_slice %arg8[%dma_start3A, %dma_start3A_15] : memref<10016x32xf32, #tpu.memory_space<vmem_shared>> -> memref<10016x32xf32, #tpu.memory_space<vmem_shared>>
      tpu.enqueue_indirect_dma source(%arg7 : memref<2560x32xf32, #tpu.memory_space<vmem>>) target(%dma_start3A_16 : memref<10016x32xf32, #tpu.memory_space<vmem_shared>>) offsets(%arg6 : memref<2560xi32, #tpu.memory_space<vmem>>) semaphore(%run_scoped3A : memref<!tpu.dma_semaphore, #tpu.memory_space<semaphore_mem>>) {add = true}
      %dma_wait3A = arith.constant 0 : i32
      %dma_wait3A_17 = arith.constant 0 : i32
      %dma_wait3A_18 = tpu.memref_slice %arg8[%dma_wait3A, %dma_wait3A_17] : memref<10016x32xf32, #tpu.memory_space<vmem_shared>> -> memref<10016x32xf32, #tpu.memory_space<vmem_shared>>
      tpu.wait_indirect_dma semaphore(%run_scoped3A : memref<!tpu.dma_semaphore, #tpu.memory_space<semaphore_mem>>) src(%arg7 : memref<2560x32xf32, #tpu.memory_space<vmem>>) dst(%dma_wait3A_18 : memref<10016x32xf32, #tpu.memory_space<vmem_shared>>)
      tpu.yield
    }) : () -> ()
    %barrier3A_9 = arith.constant 0 : index
    tpu.barrier barrier_id(%barrier3A_9)
    %eq3A_10 = arith.constant 0 : i32
    %eq3A_11 = arith.cmpi eq, %arg1, %eq3A_10 : i32
    %convert_element_type3A_12 = arith.extui %eq3A_11 : i1 to i32
    %cond3A_13 = arith.constant 0 : i32
    %cond3A_14 = arith.cmpi ne, %convert_element_type3A_12, %cond3A_13 : i32
    scf.if %cond3A_14 {
      "tpu.region"() ({
        %run_scoped3A = tpu.sem_alloc : memref<!tpu.dma_semaphore, #tpu.memory_space<semaphore_mem>>
        %dma_start3A = arith.constant 0 : i32
        %dma_start3A_15 = arith.constant 0 : i32
        %dma_start3A_16 = tpu.memref_slice %arg5[%arg0, %dma_start3A, %dma_start3A_15] : memref<2x10000x32xf32, #tpu.memory_space<hbm>> -> memref<1x10000x32xf32, #tpu.memory_space<hbm>>
        %dma_start3A_17 = tpu.memref_squeeze %dma_start3A_16 : memref<1x10000x32xf32, #tpu.memory_space<hbm>> -> memref<10000x32xf32, #tpu.memory_space<hbm>>
        %dma_start3A_18 = arith.constant 0 : i32
        %dma_start3A_19 = arith.constant 0 : i32
        %dma_start3A_20 = tpu.memref_slice %arg8[%dma_start3A_18, %dma_start3A_19] : memref<10016x32xf32, #tpu.memory_space<vmem_shared>> -> memref<10000x32xf32, #tpu.memory_space<vmem_shared>>
        tpu.enqueue_dma source(%dma_start3A_20 : memref<10000x32xf32, #tpu.memory_space<vmem_shared>>) target(%dma_start3A_17 : memref<10000x32xf32, #tpu.memory_space<hbm>>) target_semaphore(%run_scoped3A : memref<!tpu.dma_semaphore, #tpu.memory_space<semaphore_mem>>)
        %dma_wait3A = arith.constant 0 : i32
        %dma_wait3A_21 = arith.constant 0 : i32
        %dma_wait3A_22 = tpu.memref_slice %arg5[%arg0, %dma_wait3A, %dma_wait3A_21] : memref<2x10000x32xf32, #tpu.memory_space<hbm>> -> memref<1x10000x32xf32, #tpu.memory_space<hbm>>
        %dma_wait3A_23 = tpu.memref_squeeze %dma_wait3A_22 : memref<1x10000x32xf32, #tpu.memory_space<hbm>> -> memref<10000x32xf32, #tpu.memory_space<hbm>>
        %dma_wait3A_24 = arith.constant 0 : i32
        %dma_wait3A_25 = arith.constant 0 : i32
        %dma_wait3A_26 = tpu.memref_slice %arg8[%dma_wait3A_24, %dma_wait3A_25] : memref<10016x32xf32, #tpu.memory_space<vmem_shared>> -> memref<10000x32xf32, #tpu.memory_space<vmem_shared>>
        tpu.wait_dma2 semaphore(%run_scoped3A : memref<!tpu.dma_semaphore, #tpu.memory_space<semaphore_mem>>) src(%dma_wait3A_26 : memref<10000x32xf32, #tpu.memory_space<vmem_shared>>) dst(%dma_wait3A_23 : memref<10000x32xf32, #tpu.memory_space<hbm>>)
        tpu.yield
      }) : () -> ()
    } else {
    }
    return
  }
}

#map = affine_map<(d0, d1) -> (0, 0)>
#map1 = affine_map<(d0, d1) -> (0)>
#map2 = affine_map<(d0, d1) -> (0, 0, 0)>
module attributes {stable_mosaic.version = 14 : i64} {
  func.func @scatter_kernel(%arg0: i32, %arg1: i32, %arg2: memref<163840x32xf32, #tpu.memory_space<hbm>>, %arg3: memref<163840xi32, #tpu.memory_space<hbm>>, %arg4: memref<10016x32xf32, #tpu.memory_space<hbm>>, %arg5: memref<2x10000x32xf32, #tpu.memory_space<hbm>>, %arg6: memref<2560xi32, #tpu.memory_space<vmem>>, %arg7: memref<2560x32xf32, #tpu.memory_space<vmem>>, %arg8: memref<10016x32xf32, #tpu.memory_space<vmem_shared>>) attributes {dimension_semantics = [#tpu.dimension_semantics<core_parallel>, #tpu.dimension_semantics<subcore_parallel>], iteration_bounds = array<i64: 2, 16>, scalar_prefetch = 0 : i64, scratch_operands = 3 : i64, tpu.core_type = #tpu.core_type<sc_vector_subcore>, window_params = [{transform_indices = #map}, {transform_indices = #map1}, {transform_indices = #map}, {transform_indices = #map2}]} {
    %eq3A = arith.constant 0 : i32
    %eq3A_0 = arith.cmpi eq, %arg1, %eq3A : i32
    %convert_element_type3A = arith.extui %eq3A_0 : i1 to i32
    %cond3A = arith.constant 0 : i32
    %cond3A_1 = arith.cmpi ne, %convert_element_type3A, %cond3A : i32
    scf.if %cond3A_1 {
      "tpu.region"() ({
        %run_scoped3A = tpu.sem_alloc : memref<!tpu.dma_semaphore, #tpu.memory_space<semaphore_mem>>
        tpu.enqueue_dma source(%arg4 : memref<10016x32xf32, #tpu.memory_space<hbm>>) target(%arg8 : memref<10016x32xf32, #tpu.memory_space<vmem_shared>>) target_semaphore(%run_scoped3A : memref<!tpu.dma_semaphore, #tpu.memory_space<semaphore_mem>>)
        tpu.wait_dma2 semaphore(%run_scoped3A : memref<!tpu.dma_semaphore, #tpu.memory_space<semaphore_mem>>) src(%arg4 : memref<10016x32xf32, #tpu.memory_space<hbm>>) dst(%arg8 : memref<10016x32xf32, #tpu.memory_space<vmem_shared>>)
        tpu.yield
      }) : () -> ()
    } else {
    }
    %barrier3A = arith.constant 0 : index
    tpu.barrier barrier_id(%barrier3A)
    %mul3A = arith.constant 2 : i32
    %mul3A_2 = arith.muli %arg1, %mul3A : i32
    %add3A = arith.addi %mul3A_2, %arg0 : i32
    %mul3A_3 = arith.constant 5120 : i32
    %mul3A_4 = arith.muli %add3A, %mul3A_3 : i32
    %add3A_5 = arith.constant 0 : i32
    %add3A_6 = arith.addi %mul3A_4, %add3A_5 : i32
    "tpu.region"() ({
      %run_scoped3A = tpu.sem_alloc : memref<!tpu.dma_semaphore, #tpu.memory_space<semaphore_mem>>
      %dma_start3A = tpu.memref_slice %arg3[%add3A_6] : memref<163840xi32, #tpu.memory_space<hbm>> -> memref<2560xi32, #tpu.memory_space<hbm>>
      %dma_start3A_15 = tpu.memref_slice %arg3[%add3A_6] : memref<163840xi32, #tpu.memory_space<hbm>> -> memref<2560xi32, #tpu.memory_space<hbm>>
      tpu.enqueue_dma source(%dma_start3A_15 : memref<2560xi32, #tpu.memory_space<hbm>>) target(%arg6 : memref<2560xi32, #tpu.memory_space<vmem>>) target_semaphore(%run_scoped3A : memref<!tpu.dma_semaphore, #tpu.memory_space<semaphore_mem>>)
      %dma_wait3A = tpu.memref_slice %arg3[%add3A_6] : memref<163840xi32, #tpu.memory_space<hbm>> -> memref<2560xi32, #tpu.memory_space<hbm>>
      %dma_wait3A_16 = tpu.memref_slice %arg3[%add3A_6] : memref<163840xi32, #tpu.memory_space<hbm>> -> memref<2560xi32, #tpu.memory_space<hbm>>
      tpu.wait_dma2 semaphore(%run_scoped3A : memref<!tpu.dma_semaphore, #tpu.memory_space<semaphore_mem>>) src(%dma_wait3A_16 : memref<2560xi32, #tpu.memory_space<hbm>>) dst(%arg6 : memref<2560xi32, #tpu.memory_space<vmem>>)
      tpu.yield
    }) : () -> ()
    "tpu.region"() ({
      %run_scoped3A = tpu.sem_alloc : memref<!tpu.dma_semaphore, #tpu.memory_space<semaphore_mem>>
      %dma_start3A = arith.constant 0 : i32
      %dma_start3A_15 = tpu.memref_slice %arg2[%add3A_6, %dma_start3A] : memref<163840x32xf32, #tpu.memory_space<hbm>> -> memref<2560x32xf32, #tpu.memory_space<hbm>>
      %dma_start3A_16 = arith.constant 0 : i32
      %dma_start3A_17 = tpu.memref_slice %arg2[%add3A_6, %dma_start3A_16] : memref<163840x32xf32, #tpu.memory_space<hbm>> -> memref<2560x32xf32, #tpu.memory_space<hbm>>
      tpu.enqueue_dma source(%dma_start3A_17 : memref<2560x32xf32, #tpu.memory_space<hbm>>) target(%arg7 : memref<2560x32xf32, #tpu.memory_space<vmem>>) target_semaphore(%run_scoped3A : memref<!tpu.dma_semaphore, #tpu.memory_space<semaphore_mem>>)
      %dma_wait3A = arith.constant 0 : i32
      %dma_wait3A_18 = tpu.memref_slice %arg2[%add3A_6, %dma_wait3A] : memref<163840x32xf32, #tpu.memory_space<hbm>> -> memref<2560x32xf32, #tpu.memory_space<hbm>>
      %dma_wait3A_19 = arith.constant 0 : i32
      %dma_wait3A_20 = tpu.memref_slice %arg2[%add3A_6, %dma_wait3A_19] : memref<163840x32xf32, #tpu.memory_space<hbm>> -> memref<2560x32xf32, #tpu.memory_space<hbm>>
      tpu.wait_dma2 semaphore(%run_scoped3A : memref<!tpu.dma_semaphore, #tpu.memory_space<semaphore_mem>>) src(%dma_wait3A_20 : memref<2560x32xf32, #tpu.memory_space<hbm>>) dst(%arg7 : memref<2560x32xf32, #tpu.memory_space<vmem>>)
      tpu.yield
    }) : () -> ()
    "tpu.region"() ({
      %run_scoped3A = tpu.sem_alloc : memref<!tpu.dma_semaphore, #tpu.memory_space<semaphore_mem>>
      %dma_start3A = arith.constant 0 : i32
      %dma_start3A_15 = arith.constant 0 : i32
      %dma_start3A_16 = tpu.memref_slice %arg8[%dma_start3A, %dma_start3A_15] : memref<10016x32xf32, #tpu.memory_space<vmem_shared>> -> memref<10016x32xf32, #tpu.memory_space<vmem_shared>>
      tpu.enqueue_indirect_dma source(%arg7 : memref<2560x32xf32, #tpu.memory_space<vmem>>) target(%dma_start3A_16 : memref<10016x32xf32, #tpu.memory_space<vmem_shared>>) offsets(%arg6 : memref<2560xi32, #tpu.memory_space<vmem>>) semaphore(%run_scoped3A : memref<!tpu.dma_semaphore, #tpu.memory_space<semaphore_mem>>) {add = true}
      %dma_wait3A = arith.constant 0 : i32
      %dma_wait3A_17 = arith.constant 0 : i32
      %dma_wait3A_18 = tpu.memref_slice %arg8[%dma_wait3A, %dma_wait3A_17] : memref<10016x32xf32, #tpu.memory_space<vmem_shared>> -> memref<10016x32xf32, #tpu.memory_space<vmem_shared>>
      tpu.wait_indirect_dma semaphore(%run_scoped3A : memref<!tpu.dma_semaphore, #tpu.memory_space<semaphore_mem>>) src(%arg7 : memref<2560x32xf32, #tpu.memory_space<vmem>>) dst(%dma_wait3A_18 : memref<10016x32xf32, #tpu.memory_space<vmem_shared>>)
      tpu.yield
    }) : () -> ()
    %add3A_7 = arith.constant 2560 : i32
    %add3A_8 = arith.addi %mul3A_4, %add3A_7 : i32
    "tpu.region"() ({
      %run_scoped3A = tpu.sem_alloc : memref<!tpu.dma_semaphore, #tpu.memory_space<semaphore_mem>>
      %dma_start3A = tpu.memref_slice %arg3[%add3A_8] : memref<163840xi32, #tpu.memory_space<hbm>> -> memref<2560xi32, #tpu.memory_space<hbm>>
      %dma_start3A_15 = tpu.memref_slice %arg3[%add3A_8] : memref<163840xi32, #tpu.memory_space<hbm>> -> memref<2560xi32, #tpu.memory_space<hbm>>
      tpu.enqueue_dma source(%dma_start3A_15 : memref<2560xi32, #tpu.memory_space<hbm>>) target(%arg6 : memref<2560xi32, #tpu.memory_space<vmem>>) target_semaphore(%run_scoped3A : memref<!tpu.dma_semaphore, #tpu.memory_space<semaphore_mem>>)
      %dma_wait3A = tpu.memref_slice %arg3[%add3A_8] : memref<163840xi32, #tpu.memory_space<hbm>> -> memref<2560xi32, #tpu.memory_space<hbm>>
      %dma_wait3A_16 = tpu.memref_slice %arg3[%add3A_8] : memref<163840xi32, #tpu.memory_space<hbm>> -> memref<2560xi32, #tpu.memory_space<hbm>>
      tpu.wait_dma2 semaphore(%run_scoped3A : memref<!tpu.dma_semaphore, #tpu.memory_space<semaphore_mem>>) src(%dma_wait3A_16 : memref<2560xi32, #tpu.memory_space<hbm>>) dst(%arg6 : memref<2560xi32, #tpu.memory_space<vmem>>)
      tpu.yield
    }) : () -> ()
    "tpu.region"() ({
      %run_scoped3A = tpu.sem_alloc : memref<!tpu.dma_semaphore, #tpu.memory_space<semaphore_mem>>
      %dma_start3A = arith.constant 0 : i32
      %dma_start3A_15 = tpu.memref_slice %arg2[%add3A_8, %dma_start3A] : memref<163840x32xf32, #tpu.memory_space<hbm>> -> memref<2560x32xf32, #tpu.memory_space<hbm>>
      %dma_start3A_16 = arith.constant 0 : i32
      %dma_start3A_17 = tpu.memref_slice %arg2[%add3A_8, %dma_start3A_16] : memref<163840x32xf32, #tpu.memory_space<hbm>> -> memref<2560x32xf32, #tpu.memory_space<hbm>>
      tpu.enqueue_dma source(%dma_start3A_17 : memref<2560x32xf32, #tpu.memory_space<hbm>>) target(%arg7 : memref<2560x32xf32, #tpu.memory_space<vmem>>) target_semaphore(%run_scoped3A : memref<!tpu.dma_semaphore, #tpu.memory_space<semaphore_mem>>)
      %dma_wait3A = arith.constant 0 : i32
      %dma_wait3A_18 = tpu.memref_slice %arg2[%add3A_8, %dma_wait3A] : memref<163840x32xf32, #tpu.memory_space<hbm>> -> memref<2560x32xf32, #tpu.memory_space<hbm>>
      %dma_wait3A_19 = arith.constant 0 : i32
      %dma_wait3A_20 = tpu.memref_slice %arg2[%add3A_8, %dma_wait3A_19] : memref<163840x32xf32, #tpu.memory_space<hbm>> -> memref<2560x32xf32, #tpu.memory_space<hbm>>
      tpu.wait_dma2 semaphore(%run_scoped3A : memref<!tpu.dma_semaphore, #tpu.memory_space<semaphore_mem>>) src(%dma_wait3A_20 : memref<2560x32xf32, #tpu.memory_space<hbm>>) dst(%arg7 : memref<2560x32xf32, #tpu.memory_space<vmem>>)
      tpu.yield
    }) : () -> ()
    "tpu.region"() ({
      %run_scoped3A = tpu.sem_alloc : memref<!tpu.dma_semaphore, #tpu.memory_space<semaphore_mem>>
      %dma_start3A = arith.constant 0 : i32
      %dma_start3A_15 = arith.constant 0 : i32
      %dma_start3A_16 = tpu.memref_slice %arg8[%dma_start3A, %dma_start3A_15] : memref<10016x32xf32, #tpu.memory_space<vmem_shared>> -> memref<10016x32xf32, #tpu.memory_space<vmem_shared>>
      tpu.enqueue_indirect_dma source(%arg7 : memref<2560x32xf32, #tpu.memory_space<vmem>>) target(%dma_start3A_16 : memref<10016x32xf32, #tpu.memory_space<vmem_shared>>) offsets(%arg6 : memref<2560xi32, #tpu.memory_space<vmem>>) semaphore(%run_scoped3A : memref<!tpu.dma_semaphore, #tpu.memory_space<semaphore_mem>>) {add = true}
      %dma_wait3A = arith.constant 0 : i32
      %dma_wait3A_17 = arith.constant 0 : i32
      %dma_wait3A_18 = tpu.memref_slice %arg8[%dma_wait3A, %dma_wait3A_17] : memref<10016x32xf32, #tpu.memory_space<vmem_shared>> -> memref<10016x32xf32, #tpu.memory_space<vmem_shared>>
      tpu.wait_indirect_dma semaphore(%run_scoped3A : memref<!tpu.dma_semaphore, #tpu.memory_space<semaphore_mem>>) src(%arg7 : memref<2560x32xf32, #tpu.memory_space<vmem>>) dst(%dma_wait3A_18 : memref<10016x32xf32, #tpu.memory_space<vmem_shared>>)
      tpu.yield
    }) : () -> ()
    %barrier3A_9 = arith.constant 0 : index
    tpu.barrier barrier_id(%barrier3A_9)
    %eq3A_10 = arith.constant 0 : i32
    %eq3A_11 = arith.cmpi eq, %arg1, %eq3A_10 : i32
    %convert_element_type3A_12 = arith.extui %eq3A_11 : i1 to i32
    %cond3A_13 = arith.constant 0 : i32
    %cond3A_14 = arith.cmpi ne, %convert_element_type3A_12, %cond3A_13 : i32
    scf.if %cond3A_14 {
      "tpu.region"() ({
        %run_scoped3A = tpu.sem_alloc : memref<!tpu.dma_semaphore, #tpu.memory_space<semaphore_mem>>
        %dma_start3A = arith.constant 0 : i32
        %dma_start3A_15 = arith.constant 0 : i32
        %dma_start3A_16 = tpu.memref_slice %arg5[%arg0, %dma_start3A, %dma_start3A_15] : memref<2x10000x32xf32, #tpu.memory_space<hbm>> -> memref<1x10000x32xf32, #tpu.memory_space<hbm>>
        %dma_start3A_17 = tpu.memref_squeeze %dma_start3A_16 : memref<1x10000x32xf32, #tpu.memory_space<hbm>> -> memref<10000x32xf32, #tpu.memory_space<hbm>>
        %dma_start3A_18 = arith.constant 0 : i32
        %dma_start3A_19 = arith.constant 0 : i32
        %dma_start3A_20 = tpu.memref_slice %arg8[%dma_start3A_18, %dma_start3A_19] : memref<10016x32xf32, #tpu.memory_space<vmem_shared>> -> memref<10000x32xf32, #tpu.memory_space<vmem_shared>>
        tpu.enqueue_dma source(%dma_start3A_20 : memref<10000x32xf32, #tpu.memory_space<vmem_shared>>) target(%dma_start3A_17 : memref<10000x32xf32, #tpu.memory_space<hbm>>) target_semaphore(%run_scoped3A : memref<!tpu.dma_semaphore, #tpu.memory_space<semaphore_mem>>)
        %dma_wait3A = arith.constant 0 : i32
        %dma_wait3A_21 = arith.constant 0 : i32
        %dma_wait3A_22 = tpu.memref_slice %arg5[%arg0, %dma_wait3A, %dma_wait3A_21] : memref<2x10000x32xf32, #tpu.memory_space<hbm>> -> memref<1x10000x32xf32, #tpu.memory_space<hbm>>
        %dma_wait3A_23 = tpu.memref_squeeze %dma_wait3A_22 : memref<1x10000x32xf32, #tpu.memory_space<hbm>> -> memref<10000x32xf32, #tpu.memory_space<hbm>>
        %dma_wait3A_24 = arith.constant 0 : i32
        %dma_wait3A_25 = arith.constant 0 : i32
        %dma_wait3A_26 = tpu.memref_slice %arg8[%dma_wait3A_24, %dma_wait3A_25] : memref<10016x32xf32, #tpu.memory_space<vmem_shared>> -> memref<10000x32xf32, #tpu.memory_space<vmem_shared>>
        tpu.wait_dma2 semaphore(%run_scoped3A : memref<!tpu.dma_semaphore, #tpu.memory_space<semaphore_mem>>) src(%dma_wait3A_26 : memref<10000x32xf32, #tpu.memory_space<vmem_shared>>) dst(%dma_wait3A_23 : memref<10000x32xf32, #tpu.memory_space<hbm>>)
        tpu.yield
      }) : () -> ()
    } else {
    }
    return
  }
}

module attributes {stable_mosaic.version = 14 : i64} {
  func.func @body(%arg0: memref<2500x512xf32, #tpu.memory_space<vmem>>, %arg1: memref<512x128xf32, #tpu.memory_space<vmem>>, %arg2: memref<1x128xf32, #tpu.memory_space<vmem>>, %arg3: memref<2500x128xf32, #tpu.memory_space<vmem>>) attributes {dimension_semantics = [], scalar_prefetch = 0 : i64, scratch_operands = 0 : i64, tpu.core_type = #tpu.core_type<tc>} {
    %get3A = arith.constant 0 : index
    %get3A_0 = arith.constant 0 : index
    %get3A_1 = vector.load %arg0[%get3A, %get3A_0] : memref<2500x512xf32, #tpu.memory_space<vmem>>, vector<2500x512xf32>
    %get3A_2 = arith.constant 0 : index
    %get3A_3 = arith.constant 0 : index
    %get3A_4 = vector.load %arg1[%get3A_2, %get3A_3] : memref<512x128xf32, #tpu.memory_space<vmem>>, vector<512x128xf32>
    %dot_general3A = arith.constant dense<0.000000e+00> : vector<2500x128xf32>
    %dot_general3A_5 = tpu.matmul %get3A_1, %get3A_4, %dot_general3A {dimension_numbers = #tpu.dot_dimension_numbers<[1], [0], [0], [1], [0, 0, 1, 1], [], []>, transpose_lhs_hint = false} : vector<2500x512xf32>, vector<512x128xf32>, vector<2500x128xf32> -> vector<2500x128xf32>
    %get3A_6 = arith.constant 0 : index
    %get3A_7 = arith.constant 0 : index
    %get3A_8 = vector.load %arg2[%get3A_6, %get3A_7] : memref<1x128xf32, #tpu.memory_space<vmem>>, vector<1x128xf32>
    %add3A = vector.broadcast %get3A_8 : vector<1x128xf32> to vector<2500x128xf32>
    %add3A_9 = arith.addf %dot_general3A_5, %add3A : vector<2500x128xf32>
    %swap3A = arith.constant 0 : index
    %swap3A_10 = arith.constant 0 : index
    %swap3A_11 = vector.load %arg3[%swap3A, %swap3A_10] : memref<2500x128xf32, #tpu.memory_space<vmem>>, vector<2500x128xf32>
    tpu.vector_store %arg3[%swap3A, %swap3A_10], %add3A_9 {strides = array<i32>} : memref<2500x128xf32, #tpu.memory_space<vmem>>, vector<2500x128xf32>,
    return
  }
}

module attributes {stable_mosaic.version = 14 : i64} {
  func.func @body(%arg0: i32, %arg1: memref<4x16x1024xf32, #tpu.memory_space<vmem>>, %arg2: memref<1024x128xf32, #tpu.memory_space<vmem>>, %arg3: memref<128x16xf32, #tpu.memory_space<vmem>>, %arg4: memref<128x1xf32, #tpu.memory_space<vmem>>, %arg5: memref<128x128xf32, #tpu.memory_space<vmem>>, %arg6: memref<128x1xf32, #tpu.memory_space<vmem>>, %arg7: memref<1024x128xbf16, #tpu.memory_space<vmem>>, %arg8: memref<32x32xf32, #tpu.memory_space<vmem>>, %arg9: memref<1024x128xf32, #tpu.memory_space<vmem>>) attributes {dimension_semantics = [#tpu.dimension_semantics<arbitrary>], iteration_bounds = array<i64: 40>, scalar_prefetch = 0 : i64, scratch_operands = 0 : i64, tpu.core_type = #tpu.core_type<tc>, window_params = [{transform_indices = @transform_0, window_bounds = array<i64: 4, 16, 1024>}, {transform_indices = @transform_1, window_bounds = array<i64: 1024, 128>}, {pipeline_mode = #tpu.pipeline_mode<synchronous>, transform_indices = @transform_2, window_bounds = array<i64: 128, 16>}, {pipeline_mode = #tpu.pipeline_mode<synchronous>, transform_indices = @transform_3, window_bounds = array<i64: 128, 1>}, {pipeline_mode = #tpu.pipeline_mode<synchronous>, transform_indices = @transform_4, window_bounds = array<i64: 128, 128>}, {pipeline_mode = #tpu.pipeline_mode<synchronous>, transform_indices = @transform_5, window_bounds = array<i64: 128, 1>}, {pipeline_mode = #tpu.pipeline_mode<synchronous>, transform_indices = @transform_6, window_bounds = array<i64: 1024, 128>}, {pipeline_mode = #tpu.pipeline_mode<synchronous>, transform_indices = @transform_7, window_bounds = array<i64: 32, 32>}, {transform_indices = @transform_8, window_bounds = array<i64: 1024, 128>}]} {
    %get3A = arith.constant 0 : index
    %get3A_0 = arith.constant 0 : index
    %get3A_1 = vector.load %arg2[%get3A, %get3A_0] : memref<1024x128xf32, #tpu.memory_space<vmem>>, vector<1024x128xf32>
    %transpose3A = tpu.transpose %get3A_1, [1, 0] : vector<1024x128xf32> -> vector<128x1024xf32>
    %get3A_2 = arith.constant 0 : index
    %get3A_3 = arith.constant 0 : index
    %get3A_4 = vector.load %arg3[%get3A_2, %get3A_3] : memref<128x16xf32, #tpu.memory_space<vmem>>, vector<128x16xf32>
    %get3A_5 = arith.constant 0 : index
    %get3A_6 = arith.constant 0 : index
    %get3A_7 = arith.constant 0 : index
    %get3A_8 = vector.load %arg1[%get3A_5, %get3A_6, %get3A_7] : memref<4x16x1024xf32, #tpu.memory_space<vmem>>, vector<1x16x1024xf32>
    %get3A_9 = vector.shape_cast %get3A_8 : vector<1x16x1024xf32> to vector<16x1024xf32>
    %dot_general3A = arith.constant dense<0.000000e+00> : vector<128x1024xf32>
    %dot_general3A_10 = tpu.matmul %get3A_4, %get3A_9, %dot_general3A {dimension_numbers = #tpu.dot_dimension_numbers<[1], [0], [0], [1], [0, 0, 1, 1], [], []>, transpose_lhs_hint = false} : vector<128x16xf32>, vector<16x1024xf32>, vector<128x1024xf32> -> vector<128x1024xf32>
    %get3A_11 = arith.constant 0 : index
    %get3A_12 = arith.constant 0 : index
    %get3A_13 = vector.load %arg4[%get3A_11, %get3A_12] : memref<128x1xf32, #tpu.memory_space<vmem>>, vector<128x1xf32>
    %add3A = vector.broadcast %get3A_13 : vector<128x1xf32> to vector<128x1024xf32>
    %add3A_14 = arith.addf %dot_general3A_10, %add3A : vector<128x1024xf32>
    %max3A = arith.constant 0.000000e+00 : f32
    %max3A_15 = vector.broadcast %max3A : f32 to vector<128x1024xf32>
    %max3A_16 = arith.maximumf %add3A_14, %max3A_15 : vector<128x1024xf32>
    %get3A_17 = arith.constant 0 : index
    %get3A_18 = arith.constant 0 : index
    %get3A_19 = vector.load %arg5[%get3A_17, %get3A_18] : memref<128x128xf32, #tpu.memory_space<vmem>>, vector<128x128xf32>
    %dot_general3A_20 = arith.constant dense<0.000000e+00> : vector<128x1024xf32>
    %dot_general3A_21 = tpu.matmul %get3A_19, %max3A_16, %dot_general3A_20 {dimension_numbers = #tpu.dot_dimension_numbers<[1], [0], [0], [1], [0, 0, 1, 1], [], []>, transpose_lhs_hint = false} : vector<128x128xf32>, vector<128x1024xf32>, vector<128x1024xf32> -> vector<128x1024xf32>
    %get3A_22 = arith.constant 0 : index
    %get3A_23 = arith.constant 0 : index
    %get3A_24 = vector.load %arg6[%get3A_22, %get3A_23] : memref<128x1xf32, #tpu.memory_space<vmem>>, vector<128x1xf32>
    %add3A_25 = vector.broadcast %get3A_24 : vector<128x1xf32> to vector<128x1024xf32>
    %add3A_26 = arith.addf %dot_general3A_21, %add3A_25 : vector<128x1024xf32>
    %max3A_27 = arith.constant 0.000000e+00 : f32
    %max3A_28 = vector.broadcast %max3A_27 : f32 to vector<128x1024xf32>
    %max3A_29 = arith.maximumf %add3A_26, %max3A_28 : vector<128x1024xf32>
    %get3A_30 = arith.constant 0 : index
    %get3A_31 = arith.constant 0 : index
    %get3A_32 = vector.load %arg7[%get3A_30, %get3A_31] : memref<1024x128xbf16, #tpu.memory_space<vmem>>, vector<1024x128xbf16>
    %convert_element_type3A = arith.truncf %max3A_29 : vector<128x1024xf32> to vector<128x1024xbf16>
    %dot_general3A_33 = arith.constant dense<0.000000e+00> : vector<1024x1024xf32>
    %dot_general3A_34 = tpu.matmul %get3A_32, %convert_element_type3A, %dot_general3A_33 {dimension_numbers = #tpu.dot_dimension_numbers<[1], [0], [0], [1], [0, 0, 1, 1], [], []>, transpose_lhs_hint = false} : vector<1024x128xbf16>, vector<128x1024xbf16>, vector<1024x1024xf32> -> vector<1024x1024xf32>
    %convert_element_type3A_35 = arith.truncf %dot_general3A_34 : vector<1024x1024xf32> to vector<1024x1024xbf16>
    %get3A_36 = arith.constant 0 : index
    %get3A_37 = arith.constant 0 : index
    %get3A_38 = vector.load %arg8[%get3A_36, %get3A_37] : memref<32x32xf32, #tpu.memory_space<vmem>>, vector<32x32xf32>
    %slice3A = vector.extract_strided_slice %transpose3A {offsets = [0, 0], sizes = [32, 1024], strides = [1, 1]} : vector<128x1024xf32> to vector<32x1024xf32>
    %dot_general3A_39 = arith.constant dense<0.000000e+00> : vector<32x1024xf32>
    %dot_general3A_40 = tpu.matmul %get3A_38, %slice3A, %dot_general3A_39 {dimension_numbers = #tpu.dot_dimension_numbers<[1], [0], [0], [1], [0, 0, 1, 1], [], []>, transpose_lhs_hint = false} : vector<32x32xf32>, vector<32x1024xf32>, vector<32x1024xf32> -> vector<32x1024xf32>
    %slice3A_41 = vector.extract_strided_slice %transpose3A {offsets = [0, 0], sizes = [1, 1024], strides = [1, 1]} : vector<128x1024xf32> to vector<1x1024xf32>
    %slice3A_42 = vector.extract_strided_slice %convert_element_type3A_35 {offsets = [0, 0], sizes = [32, 1024], strides = [1, 1]} : vector<1024x1024xbf16> to vector<32x1024xbf16>
    %convert_element_type3A_43 = arith.extf %slice3A_42 : vector<32x1024xbf16> to vector<32x1024xf32>
    %mul3A = vector.broadcast %slice3A_41 : vector<1x1024xf32> to vector<32x1024xf32>
    %mul3A_44 = arith.mulf %mul3A, %convert_element_type3A_43 : vector<32x1024xf32>
    %add3A_45 = arith.addf %dot_general3A_40, %mul3A_44 : vector<32x1024xf32>
    %slice3A_46 = vector.extract_strided_slice %transpose3A {offsets = [1, 0], sizes = [1, 1024], strides = [1, 1]} : vector<128x1024xf32> to vector<1x1024xf32>
    %slice3A_47 = vector.extract_strided_slice %convert_element_type3A_35 {offsets = [32, 0], sizes = [32, 1024], strides = [1, 1]} : vector<1024x1024xbf16> to vector<32x1024xbf16>
    %convert_element_type3A_48 = arith.extf %slice3A_47 : vector<32x1024xbf16> to vector<32x1024xf32>
    %mul3A_49 = vector.broadcast %slice3A_46 : vector<1x1024xf32> to vector<32x1024xf32>
    %mul3A_50 = arith.mulf %mul3A_49, %convert_element_type3A_48 : vector<32x1024xf32>
    %add3A_51 = arith.addf %add3A_45, %mul3A_50 : vector<32x1024xf32>
    %slice3A_52 = vector.extract_strided_slice %transpose3A {offsets = [2, 0], sizes = [1, 1024], strides = [1, 1]} : vector<128x1024xf32> to vector<1x1024xf32>
    %slice3A_53 = vector.extract_strided_slice %convert_element_type3A_35 {offsets = [64, 0], sizes = [32, 1024], strides = [1, 1]} : vector<1024x1024xbf16> to vector<32x1024xbf16>
    %convert_element_type3A_54 = arith.extf %slice3A_53 : vector<32x1024xbf16> to vector<32x1024xf32>
    %mul3A_55 = vector.broadcast %slice3A_52 : vector<1x1024xf32> to vector<32x1024xf32>
    %mul3A_56 = arith.mulf %mul3A_55, %convert_element_type3A_54 : vector<32x1024xf32>
    %add3A_57 = arith.addf %add3A_51, %mul3A_56 : vector<32x1024xf32>
    %slice3A_58 = vector.extract_strided_slice %transpose3A {offsets = [3, 0], sizes = [1, 1024], strides = [1, 1]} : vector<128x1024xf32> to vector<1x1024xf32>
    %slice3A_59 = vector.extract_strided_slice %convert_element_type3A_35 {offsets = [96, 0], sizes = [32, 1024], strides = [1, 1]} : vector<1024x1024xbf16> to vector<32x1024xbf16>
    %convert_element_type3A_60 = arith.extf %slice3A_59 : vector<32x1024xbf16> to vector<32x1024xf32>
    %mul3A_61 = vector.broadcast %slice3A_58 : vector<1x1024xf32> to vector<32x1024xf32>
    %mul3A_62 = arith.mulf %mul3A_61, %convert_element_type3A_60 : vector<32x1024xf32>
    %add3A_63 = arith.addf %add3A_57, %mul3A_62 : vector<32x1024xf32>
    %slice3A_64 = vector.extract_strided_slice %transpose3A {offsets = [4, 0], sizes = [1, 1024], strides = [1, 1]} : vector<128x1024xf32> to vector<1x1024xf32>
    %slice3A_65 = vector.extract_strided_slice %convert_element_type3A_35 {offsets = [128, 0], sizes = [32, 1024], strides = [1, 1]} : vector<1024x1024xbf16> to vector<32x1024xbf16>
    %convert_element_type3A_66 = arith.extf %slice3A_65 : vector<32x1024xbf16> to vector<32x1024xf32>
    %mul3A_67 = vector.broadcast %slice3A_64 : vector<1x1024xf32> to vector<32x1024xf32>
    %mul3A_68 = arith.mulf %mul3A_67, %convert_element_type3A_66 : vector<32x1024xf32>
    %add3A_69 = arith.addf %add3A_63, %mul3A_68 : vector<32x1024xf32>
    %slice3A_70 = vector.extract_strided_slice %transpose3A {offsets = [5, 0], sizes = [1, 1024], strides = [1, 1]} : vector<128x1024xf32> to vector<1x1024xf32>
    %slice3A_71 = vector.extract_strided_slice %convert_element_type3A_35 {offsets = [160, 0], sizes = [32, 1024], strides = [1, 1]} : vector<1024x1024xbf16> to vector<32x1024xbf16>
    %convert_element_type3A_72 = arith.extf %slice3A_71 : vector<32x1024xbf16> to vector<32x1024xf32>
    %mul3A_73 = vector.broadcast %slice3A_70 : vector<1x1024xf32> to vector<32x1024xf32>
    %mul3A_74 = arith.mulf %mul3A_73, %convert_element_type3A_72 : vector<32x1024xf32>
    %add3A_75 = arith.addf %add3A_69, %mul3A_74 : vector<32x1024xf32>
    %slice3A_76 = vector.extract_strided_slice %transpose3A {offsets = [6, 0], sizes = [1, 1024], strides = [1, 1]} : vector<128x1024xf32> to vector<1x1024xf32>
    %slice3A_77 = vector.extract_strided_slice %convert_element_type3A_35 {offsets = [192, 0], sizes = [32, 1024], strides = [1, 1]} : vector<1024x1024xbf16> to vector<32x1024xbf16>
    %convert_element_type3A_78 = arith.extf %slice3A_77 : vector<32x1024xbf16> to vector<32x1024xf32>
    %mul3A_79 = vector.broadcast %slice3A_76 : vector<1x1024xf32> to vector<32x1024xf32>
    %mul3A_80 = arith.mulf %mul3A_79, %convert_element_type3A_78 : vector<32x1024xf32>
    %add3A_81 = arith.addf %add3A_75, %mul3A_80 : vector<32x1024xf32>
    %slice3A_82 = vector.extract_strided_slice %transpose3A {offsets = [7, 0], sizes = [1, 1024], strides = [1, 1]} : vector<128x1024xf32> to vector<1x1024xf32>
    %slice3A_83 = vector.extract_strided_slice %convert_element_type3A_35 {offsets = [224, 0], sizes = [32, 1024], strides = [1, 1]} : vector<1024x1024xbf16> to vector<32x1024xbf16>
    %convert_element_type3A_84 = arith.extf %slice3A_83 : vector<32x1024xbf16> to vector<32x1024xf32>
    %mul3A_85 = vector.broadcast %slice3A_82 : vector<1x1024xf32> to vector<32x1024xf32>
    %mul3A_86 = arith.mulf %mul3A_85, %convert_element_type3A_84 : vector<32x1024xf32>
    %add3A_87 = arith.addf %add3A_81, %mul3A_86 : vector<32x1024xf32>
    %slice3A_88 = vector.extract_strided_slice %transpose3A {offsets = [8, 0], sizes = [1, 1024], strides = [1, 1]} : vector<128x1024xf32> to vector<1x1024xf32>
    %slice3A_89 = vector.extract_strided_slice %convert_element_type3A_35 {offsets = [256, 0], sizes = [32, 1024], strides = [1, 1]} : vector<1024x1024xbf16> to vector<32x1024xbf16>
    %convert_element_type3A_90 = arith.extf %slice3A_89 : vector<32x1024xbf16> to vector<32x1024xf32>
    %mul3A_91 = vector.broadcast %slice3A_88 : vector<1x1024xf32> to vector<32x1024xf32>
    %mul3A_92 = arith.mulf %mul3A_91, %convert_element_type3A_90 : vector<32x1024xf32>
    %add3A_93 = arith.addf %add3A_87, %mul3A_92 : vector<32x1024xf32>
    %slice3A_94 = vector.extract_strided_slice %transpose3A {offsets = [9, 0], sizes = [1, 1024], strides = [1, 1]} : vector<128x1024xf32> to vector<1x1024xf32>
    %slice3A_95 = vector.extract_strided_slice %convert_element_type3A_35 {offsets = [288, 0], sizes = [32, 1024], strides = [1, 1]} : vector<1024x1024xbf16> to vector<32x1024xbf16>
    %convert_element_type3A_96 = arith.extf %slice3A_95 : vector<32x1024xbf16> to vector<32x1024xf32>
    %mul3A_97 = vector.broadcast %slice3A_94 : vector<1x1024xf32> to vector<32x1024xf32>
    %mul3A_98 = arith.mulf %mul3A_97, %convert_element_type3A_96 : vector<32x1024xf32>
    %add3A_99 = arith.addf %add3A_93, %mul3A_98 : vector<32x1024xf32>
    %slice3A_100 = vector.extract_strided_slice %transpose3A {offsets = [10, 0], sizes = [1, 1024], strides = [1, 1]} : vector<128x1024xf32> to vector<1x1024xf32>
    %slice3A_101 = vector.extract_strided_slice %convert_element_type3A_35 {offsets = [320, 0], sizes = [32, 1024], strides = [1, 1]} : vector<1024x1024xbf16> to vector<32x1024xbf16>
    %convert_element_type3A_102 = arith.extf %slice3A_101 : vector<32x1024xbf16> to vector<32x1024xf32>
    %mul3A_103 = vector.broadcast %slice3A_100 : vector<1x1024xf32> to vector<32x1024xf32>
    %mul3A_104 = arith.mulf %mul3A_103, %convert_element_type3A_102 : vector<32x1024xf32>
    %add3A_105 = arith.addf %add3A_99, %mul3A_104 : vector<32x1024xf32>
    %slice3A_106 = vector.extract_strided_slice %transpose3A {offsets = [11, 0], sizes = [1, 1024], strides = [1, 1]} : vector<128x1024xf32> to vector<1x1024xf32>
    %slice3A_107 = vector.extract_strided_slice %convert_element_type3A_35 {offsets = [352, 0], sizes = [32, 1024], strides = [1, 1]} : vector<1024x1024xbf16> to vector<32x1024xbf16>
    %convert_element_type3A_108 = arith.extf %slice3A_107 : vector<32x1024xbf16> to vector<32x1024xf32>
    %mul3A_109 = vector.broadcast %slice3A_106 : vector<1x1024xf32> to vector<32x1024xf32>
    %mul3A_110 = arith.mulf %mul3A_109, %convert_element_type3A_108 : vector<32x1024xf32>
    %add3A_111 = arith.addf %add3A_105, %mul3A_110 : vector<32x1024xf32>
    %slice3A_112 = vector.extract_strided_slice %transpose3A {offsets = [12, 0], sizes = [1, 1024], strides = [1, 1]} : vector<128x1024xf32> to vector<1x1024xf32>
    %slice3A_113 = vector.extract_strided_slice %convert_element_type3A_35 {offsets = [384, 0], sizes = [32, 1024], strides = [1, 1]} : vector<1024x1024xbf16> to vector<32x1024xbf16>
    %convert_element_type3A_114 = arith.extf %slice3A_113 : vector<32x1024xbf16> to vector<32x1024xf32>
    %mul3A_115 = vector.broadcast %slice3A_112 : vector<1x1024xf32> to vector<32x1024xf32>
    %mul3A_116 = arith.mulf %mul3A_115, %convert_element_type3A_114 : vector<32x1024xf32>
    %add3A_117 = arith.addf %add3A_111, %mul3A_116 : vector<32x1024xf32>
    %slice3A_118 = vector.extract_strided_slice %transpose3A {offsets = [13, 0], sizes = [1, 1024], strides = [1, 1]} : vector<128x1024xf32> to vector<1x1024xf32>
    %slice3A_119 = vector.extract_strided_slice %convert_element_type3A_35 {offsets = [416, 0], sizes = [32, 1024], strides = [1, 1]} : vector<1024x1024xbf16> to vector<32x1024xbf16>
    %convert_element_type3A_120 = arith.extf %slice3A_119 : vector<32x1024xbf16> to vector<32x1024xf32>
    %mul3A_121 = vector.broadcast %slice3A_118 : vector<1x1024xf32> to vector<32x1024xf32>
    %mul3A_122 = arith.mulf %mul3A_121, %convert_element_type3A_120 : vector<32x1024xf32>
    %add3A_123 = arith.addf %add3A_117, %mul3A_122 : vector<32x1024xf32>
    %slice3A_124 = vector.extract_strided_slice %transpose3A {offsets = [14, 0], sizes = [1, 1024], strides = [1, 1]} : vector<128x1024xf32> to vector<1x1024xf32>
    %slice3A_125 = vector.extract_strided_slice %convert_element_type3A_35 {offsets = [448, 0], sizes = [32, 1024], strides = [1, 1]} : vector<1024x1024xbf16> to vector<32x1024xbf16>
    %convert_element_type3A_126 = arith.extf %slice3A_125 : vector<32x1024xbf16> to vector<32x1024xf32>
    %mul3A_127 = vector.broadcast %slice3A_124 : vector<1x1024xf32> to vector<32x1024xf32>
    %mul3A_128 = arith.mulf %mul3A_127, %convert_element_type3A_126 : vector<32x1024xf32>
    %add3A_129 = arith.addf %add3A_123, %mul3A_128 : vector<32x1024xf32>
    %slice3A_130 = vector.extract_strided_slice %transpose3A {offsets = [15, 0], sizes = [1, 1024], strides = [1, 1]} : vector<128x1024xf32> to vector<1x1024xf32>
    %slice3A_131 = vector.extract_strided_slice %convert_element_type3A_35 {offsets = [480, 0], sizes = [32, 1024], strides = [1, 1]} : vector<1024x1024xbf16> to vector<32x1024xbf16>
    %convert_element_type3A_132 = arith.extf %slice3A_131 : vector<32x1024xbf16> to vector<32x1024xf32>
    %mul3A_133 = vector.broadcast %slice3A_130 : vector<1x1024xf32> to vector<32x1024xf32>
    %mul3A_134 = arith.mulf %mul3A_133, %convert_element_type3A_132 : vector<32x1024xf32>
    %add3A_135 = arith.addf %add3A_129, %mul3A_134 : vector<32x1024xf32>
    %slice3A_136 = vector.extract_strided_slice %transpose3A {offsets = [16, 0], sizes = [1, 1024], strides = [1, 1]} : vector<128x1024xf32> to vector<1x1024xf32>
    %slice3A_137 = vector.extract_strided_slice %convert_element_type3A_35 {offsets = [512, 0], sizes = [32, 1024], strides = [1, 1]} : vector<1024x1024xbf16> to vector<32x1024xbf16>
    %convert_element_type3A_138 = arith.extf %slice3A_137 : vector<32x1024xbf16> to vector<32x1024xf32>
    %mul3A_139 = vector.broadcast %slice3A_136 : vector<1x1024xf32> to vector<32x1024xf32>
    %mul3A_140 = arith.mulf %mul3A_139, %convert_element_type3A_138 : vector<32x1024xf32>
    %add3A_141 = arith.addf %add3A_135, %mul3A_140 : vector<32x1024xf32>
    %slice3A_142 = vector.extract_strided_slice %transpose3A {offsets = [17, 0], sizes = [1, 1024], strides = [1, 1]} : vector<128x1024xf32> to vector<1x1024xf32>
    %slice3A_143 = vector.extract_strided_slice %convert_element_type3A_35 {offsets = [544, 0], sizes = [32, 1024], strides = [1, 1]} : vector<1024x1024xbf16> to vector<32x1024xbf16>
    %convert_element_type3A_144 = arith.extf %slice3A_143 : vector<32x1024xbf16> to vector<32x1024xf32>
    %mul3A_145 = vector.broadcast %slice3A_142 : vector<1x1024xf32> to vector<32x1024xf32>
    %mul3A_146 = arith.mulf %mul3A_145, %convert_element_type3A_144 : vector<32x1024xf32>
    %add3A_147 = arith.addf %add3A_141, %mul3A_146 : vector<32x1024xf32>
    %slice3A_148 = vector.extract_strided_slice %transpose3A {offsets = [18, 0], sizes = [1, 1024], strides = [1, 1]} : vector<128x1024xf32> to vector<1x1024xf32>
    %slice3A_149 = vector.extract_strided_slice %convert_element_type3A_35 {offsets = [576, 0], sizes = [32, 1024], strides = [1, 1]} : vector<1024x1024xbf16> to vector<32x1024xbf16>
    %convert_element_type3A_150 = arith.extf %slice3A_149 : vector<32x1024xbf16> to vector<32x1024xf32>
    %mul3A_151 = vector.broadcast %slice3A_148 : vector<1x1024xf32> to vector<32x1024xf32>
    %mul3A_152 = arith.mulf %mul3A_151, %convert_element_type3A_150 : vector<32x1024xf32>
    %add3A_153 = arith.addf %add3A_147, %mul3A_152 : vector<32x1024xf32>
    %slice3A_154 = vector.extract_strided_slice %transpose3A {offsets = [19, 0], sizes = [1, 1024], strides = [1, 1]} : vector<128x1024xf32> to vector<1x1024xf32>
    %slice3A_155 = vector.extract_strided_slice %convert_element_type3A_35 {offsets = [608, 0], sizes = [32, 1024], strides = [1, 1]} : vector<1024x1024xbf16> to vector<32x1024xbf16>
    %convert_element_type3A_156 = arith.extf %slice3A_155 : vector<32x1024xbf16> to vector<32x1024xf32>
    %mul3A_157 = vector.broadcast %slice3A_154 : vector<1x1024xf32> to vector<32x1024xf32>
    %mul3A_158 = arith.mulf %mul3A_157, %convert_element_type3A_156 : vector<32x1024xf32>
    %add3A_159 = arith.addf %add3A_153, %mul3A_158 : vector<32x1024xf32>
    %slice3A_160 = vector.extract_strided_slice %transpose3A {offsets = [20, 0], sizes = [1, 1024], strides = [1, 1]} : vector<128x1024xf32> to vector<1x1024xf32>
    %slice3A_161 = vector.extract_strided_slice %convert_element_type3A_35 {offsets = [640, 0], sizes = [32, 1024], strides = [1, 1]} : vector<1024x1024xbf16> to vector<32x1024xbf16>
    %convert_element_type3A_162 = arith.extf %slice3A_161 : vector<32x1024xbf16> to vector<32x1024xf32>
    %mul3A_163 = vector.broadcast %slice3A_160 : vector<1x1024xf32> to vector<32x1024xf32>
    %mul3A_164 = arith.mulf %mul3A_163, %convert_element_type3A_162 : vector<32x1024xf32>
    %add3A_165 = arith.addf %add3A_159, %mul3A_164 : vector<32x1024xf32>
    %slice3A_166 = vector.extract_strided_slice %transpose3A {offsets = [21, 0], sizes = [1, 1024], strides = [1, 1]} : vector<128x1024xf32> to vector<1x1024xf32>
    %slice3A_167 = vector.extract_strided_slice %convert_element_type3A_35 {offsets = [672, 0], sizes = [32, 1024], strides = [1, 1]} : vector<1024x1024xbf16> to vector<32x1024xbf16>
    %convert_element_type3A_168 = arith.extf %slice3A_167 : vector<32x1024xbf16> to vector<32x1024xf32>
    %mul3A_169 = vector.broadcast %slice3A_166 : vector<1x1024xf32> to vector<32x1024xf32>
    %mul3A_170 = arith.mulf %mul3A_169, %convert_element_type3A_168 : vector<32x1024xf32>
    %add3A_171 = arith.addf %add3A_165, %mul3A_170 : vector<32x1024xf32>
    %slice3A_172 = vector.extract_strided_slice %transpose3A {offsets = [22, 0], sizes = [1, 1024], strides = [1, 1]} : vector<128x1024xf32> to vector<1x1024xf32>
    %slice3A_173 = vector.extract_strided_slice %convert_element_type3A_35 {offsets = [704, 0], sizes = [32, 1024], strides = [1, 1]} : vector<1024x1024xbf16> to vector<32x1024xbf16>
    %convert_element_type3A_174 = arith.extf %slice3A_173 : vector<32x1024xbf16> to vector<32x1024xf32>
    %mul3A_175 = vector.broadcast %slice3A_172 : vector<1x1024xf32> to vector<32x1024xf32>
    %mul3A_176 = arith.mulf %mul3A_175, %convert_element_type3A_174 : vector<32x1024xf32>
    %add3A_177 = arith.addf %add3A_171, %mul3A_176 : vector<32x1024xf32>
    %slice3A_178 = vector.extract_strided_slice %transpose3A {offsets = [23, 0], sizes = [1, 1024], strides = [1, 1]} : vector<128x1024xf32> to vector<1x1024xf32>
    %slice3A_179 = vector.extract_strided_slice %convert_element_type3A_35 {offsets = [736, 0], sizes = [32, 1024], strides = [1, 1]} : vector<1024x1024xbf16> to vector<32x1024xbf16>
    %convert_element_type3A_180 = arith.extf %slice3A_179 : vector<32x1024xbf16> to vector<32x1024xf32>
    %mul3A_181 = vector.broadcast %slice3A_178 : vector<1x1024xf32> to vector<32x1024xf32>
    %mul3A_182 = arith.mulf %mul3A_181, %convert_element_type3A_180 : vector<32x1024xf32>
    %add3A_183 = arith.addf %add3A_177, %mul3A_182 : vector<32x1024xf32>
    %slice3A_184 = vector.extract_strided_slice %transpose3A {offsets = [24, 0], sizes = [1, 1024], strides = [1, 1]} : vector<128x1024xf32> to vector<1x1024xf32>
    %slice3A_185 = vector.extract_strided_slice %convert_element_type3A_35 {offsets = [768, 0], sizes = [32, 1024], strides = [1, 1]} : vector<1024x1024xbf16> to vector<32x1024xbf16>
    %convert_element_type3A_186 = arith.extf %slice3A_185 : vector<32x1024xbf16> to vector<32x1024xf32>
    %mul3A_187 = vector.broadcast %slice3A_184 : vector<1x1024xf32> to vector<32x1024xf32>
    %mul3A_188 = arith.mulf %mul3A_187, %convert_element_type3A_186 : vector<32x1024xf32>
    %add3A_189 = arith.addf %add3A_183, %mul3A_188 : vector<32x1024xf32>
    %slice3A_190 = vector.extract_strided_slice %transpose3A {offsets = [25, 0], sizes = [1, 1024], strides = [1, 1]} : vector<128x1024xf32> to vector<1x1024xf32>
    %slice3A_191 = vector.extract_strided_slice %convert_element_type3A_35 {offsets = [800, 0], sizes = [32, 1024], strides = [1, 1]} : vector<1024x1024xbf16> to vector<32x1024xbf16>
    %convert_element_type3A_192 = arith.extf %slice3A_191 : vector<32x1024xbf16> to vector<32x1024xf32>
    %mul3A_193 = vector.broadcast %slice3A_190 : vector<1x1024xf32> to vector<32x1024xf32>
    %mul3A_194 = arith.mulf %mul3A_193, %convert_element_type3A_192 : vector<32x1024xf32>
    %add3A_195 = arith.addf %add3A_189, %mul3A_194 : vector<32x1024xf32>
    %slice3A_196 = vector.extract_strided_slice %transpose3A {offsets = [26, 0], sizes = [1, 1024], strides = [1, 1]} : vector<128x1024xf32> to vector<1x1024xf32>
    %slice3A_197 = vector.extract_strided_slice %convert_element_type3A_35 {offsets = [832, 0], sizes = [32, 1024], strides = [1, 1]} : vector<1024x1024xbf16> to vector<32x1024xbf16>
    %convert_element_type3A_198 = arith.extf %slice3A_197 : vector<32x1024xbf16> to vector<32x1024xf32>
    %mul3A_199 = vector.broadcast %slice3A_196 : vector<1x1024xf32> to vector<32x1024xf32>
    %mul3A_200 = arith.mulf %mul3A_199, %convert_element_type3A_198 : vector<32x1024xf32>
    %add3A_201 = arith.addf %add3A_195, %mul3A_200 : vector<32x1024xf32>
    %slice3A_202 = vector.extract_strided_slice %transpose3A {offsets = [27, 0], sizes = [1, 1024], strides = [1, 1]} : vector<128x1024xf32> to vector<1x1024xf32>
    %slice3A_203 = vector.extract_strided_slice %convert_element_type3A_35 {offsets = [864, 0], sizes = [32, 1024], strides = [1, 1]} : vector<1024x1024xbf16> to vector<32x1024xbf16>
    %convert_element_type3A_204 = arith.extf %slice3A_203 : vector<32x1024xbf16> to vector<32x1024xf32>
    %mul3A_205 = vector.broadcast %slice3A_202 : vector<1x1024xf32> to vector<32x1024xf32>
    %mul3A_206 = arith.mulf %mul3A_205, %convert_element_type3A_204 : vector<32x1024xf32>
    %add3A_207 = arith.addf %add3A_201, %mul3A_206 : vector<32x1024xf32>
    %slice3A_208 = vector.extract_strided_slice %transpose3A {offsets = [28, 0], sizes = [1, 1024], strides = [1, 1]} : vector<128x1024xf32> to vector<1x1024xf32>
    %slice3A_209 = vector.extract_strided_slice %convert_element_type3A_35 {offsets = [896, 0], sizes = [32, 1024], strides = [1, 1]} : vector<1024x1024xbf16> to vector<32x1024xbf16>
    %convert_element_type3A_210 = arith.extf %slice3A_209 : vector<32x1024xbf16> to vector<32x1024xf32>
    %mul3A_211 = vector.broadcast %slice3A_208 : vector<1x1024xf32> to vector<32x1024xf32>
    %mul3A_212 = arith.mulf %mul3A_211, %convert_element_type3A_210 : vector<32x1024xf32>
    %add3A_213 = arith.addf %add3A_207, %mul3A_212 : vector<32x1024xf32>
    %slice3A_214 = vector.extract_strided_slice %transpose3A {offsets = [29, 0], sizes = [1, 1024], strides = [1, 1]} : vector<128x1024xf32> to vector<1x1024xf32>
    %slice3A_215 = vector.extract_strided_slice %convert_element_type3A_35 {offsets = [928, 0], sizes = [32, 1024], strides = [1, 1]} : vector<1024x1024xbf16> to vector<32x1024xbf16>
    %convert_element_type3A_216 = arith.extf %slice3A_215 : vector<32x1024xbf16> to vector<32x1024xf32>
    %mul3A_217 = vector.broadcast %slice3A_214 : vector<1x1024xf32> to vector<32x1024xf32>
    %mul3A_218 = arith.mulf %mul3A_217, %convert_element_type3A_216 : vector<32x1024xf32>
    %add3A_219 = arith.addf %add3A_213, %mul3A_218 : vector<32x1024xf32>
    %slice3A_220 = vector.extract_strided_slice %transpose3A {offsets = [30, 0], sizes = [1, 1024], strides = [1, 1]} : vector<128x1024xf32> to vector<1x1024xf32>
    %slice3A_221 = vector.extract_strided_slice %convert_element_type3A_35 {offsets = [960, 0], sizes = [32, 1024], strides = [1, 1]} : vector<1024x1024xbf16> to vector<32x1024xbf16>
    %convert_element_type3A_222 = arith.extf %slice3A_221 : vector<32x1024xbf16> to vector<32x1024xf32>
    %mul3A_223 = vector.broadcast %slice3A_220 : vector<1x1024xf32> to vector<32x1024xf32>
    %mul3A_224 = arith.mulf %mul3A_223, %convert_element_type3A_222 : vector<32x1024xf32>
    %add3A_225 = arith.addf %add3A_219, %mul3A_224 : vector<32x1024xf32>
    %slice3A_226 = vector.extract_strided_slice %transpose3A {offsets = [31, 0], sizes = [1, 1024], strides = [1, 1]} : vector<128x1024xf32> to vector<1x1024xf32>
    %slice3A_227 = vector.extract_strided_slice %convert_element_type3A_35 {offsets = [992, 0], sizes = [32, 1024], strides = [1, 1]} : vector<1024x1024xbf16> to vector<32x1024xbf16>
    %convert_element_type3A_228 = arith.extf %slice3A_227 : vector<32x1024xbf16> to vector<32x1024xf32>
    %mul3A_229 = vector.broadcast %slice3A_226 : vector<1x1024xf32> to vector<32x1024xf32>
    %mul3A_230 = arith.mulf %mul3A_229, %convert_element_type3A_228 : vector<32x1024xf32>
    %add3A_231 = arith.addf %add3A_225, %mul3A_230 : vector<32x1024xf32>
    %get3A_232 = arith.constant 0 : index
    %get3A_233 = arith.constant 0 : index
    %get3A_234 = vector.load %arg3[%get3A_232, %get3A_233] : memref<128x16xf32, #tpu.memory_space<vmem>>, vector<128x16xf32>
    %get3A_235 = arith.constant 1 : index
    %get3A_236 = arith.constant 0 : index
    %get3A_237 = arith.constant 0 : index
    %get3A_238 = vector.load %arg1[%get3A_235, %get3A_236, %get3A_237] : memref<4x16x1024xf32, #tpu.memory_space<vmem>>, vector<1x16x1024xf32>
    %get3A_239 = vector.shape_cast %get3A_238 : vector<1x16x1024xf32> to vector<16x1024xf32>
    %dot_general3A_240 = arith.constant dense<0.000000e+00> : vector<128x1024xf32>
    %dot_general3A_241 = tpu.matmul %get3A_234, %get3A_239, %dot_general3A_240 {dimension_numbers = #tpu.dot_dimension_numbers<[1], [0], [0], [1], [0, 0, 1, 1], [], []>, transpose_lhs_hint = false} : vector<128x16xf32>, vector<16x1024xf32>, vector<128x1024xf32> -> vector<128x1024xf32>
    %get3A_242 = arith.constant 0 : index
    %get3A_243 = arith.constant 0 : index
    %get3A_244 = vector.load %arg4[%get3A_242, %get3A_243] : memref<128x1xf32, #tpu.memory_space<vmem>>, vector<128x1xf32>
    %add3A_245 = vector.broadcast %get3A_244 : vector<128x1xf32> to vector<128x1024xf32>
    %add3A_246 = arith.addf %dot_general3A_241, %add3A_245 : vector<128x1024xf32>
    %max3A_247 = arith.constant 0.000000e+00 : f32
    %max3A_248 = vector.broadcast %max3A_247 : f32 to vector<128x1024xf32>
    %max3A_249 = arith.maximumf %add3A_246, %max3A_248 : vector<128x1024xf32>
    %get3A_250 = arith.constant 0 : index
    %get3A_251 = arith.constant 0 : index
    %get3A_252 = vector.load %arg5[%get3A_250, %get3A_251] : memref<128x128xf32, #tpu.memory_space<vmem>>, vector<128x128xf32>
    %dot_general3A_253 = arith.constant dense<0.000000e+00> : vector<128x1024xf32>
    %dot_general3A_254 = tpu.matmul %get3A_252, %max3A_249, %dot_general3A_253 {dimension_numbers = #tpu.dot_dimension_numbers<[1], [0], [0], [1], [0, 0, 1, 1], [], []>, transpose_lhs_hint = false} : vector<128x128xf32>, vector<128x1024xf32>, vector<128x1024xf32> -> vector<128x1024xf32>
    %get3A_255 = arith.constant 0 : index
    %get3A_256 = arith.constant 0 : index
    %get3A_257 = vector.load %arg6[%get3A_255, %get3A_256] : memref<128x1xf32, #tpu.memory_space<vmem>>, vector<128x1xf32>
    %add3A_258 = vector.broadcast %get3A_257 : vector<128x1xf32> to vector<128x1024xf32>
    %add3A_259 = arith.addf %dot_general3A_254, %add3A_258 : vector<128x1024xf32>
    %max3A_260 = arith.constant 0.000000e+00 : f32
    %max3A_261 = vector.broadcast %max3A_260 : f32 to vector<128x1024xf32>
    %max3A_262 = arith.maximumf %add3A_259, %max3A_261 : vector<128x1024xf32>
    %get3A_263 = arith.constant 0 : index
    %get3A_264 = arith.constant 0 : index
    %get3A_265 = vector.load %arg7[%get3A_263, %get3A_264] : memref<1024x128xbf16, #tpu.memory_space<vmem>>, vector<1024x128xbf16>
    %convert_element_type3A_266 = arith.truncf %max3A_262 : vector<128x1024xf32> to vector<128x1024xbf16>
    %dot_general3A_267 = arith.constant dense<0.000000e+00> : vector<1024x1024xf32>
    %dot_general3A_268 = tpu.matmul %get3A_265, %convert_element_type3A_266, %dot_general3A_267 {dimension_numbers = #tpu.dot_dimension_numbers<[1], [0], [0], [1], [0, 0, 1, 1], [], []>, transpose_lhs_hint = false} : vector<1024x128xbf16>, vector<128x1024xbf16>, vector<1024x1024xf32> -> vector<1024x1024xf32>
    %convert_element_type3A_269 = arith.truncf %dot_general3A_268 : vector<1024x1024xf32> to vector<1024x1024xbf16>
    %get3A_270 = arith.constant 0 : index
    %get3A_271 = arith.constant 0 : index
    %get3A_272 = vector.load %arg8[%get3A_270, %get3A_271] : memref<32x32xf32, #tpu.memory_space<vmem>>, vector<32x32xf32>
    %slice3A_273 = vector.extract_strided_slice %transpose3A {offsets = [32, 0], sizes = [32, 1024], strides = [1, 1]} : vector<128x1024xf32> to vector<32x1024xf32>
    %dot_general3A_274 = arith.constant dense<0.000000e+00> : vector<32x1024xf32>
    %dot_general3A_275 = tpu.matmul %get3A_272, %slice3A_273, %dot_general3A_274 {dimension_numbers = #tpu.dot_dimension_numbers<[1], [0], [0], [1], [0, 0, 1, 1], [], []>, transpose_lhs_hint = false} : vector<32x32xf32>, vector<32x1024xf32>, vector<32x1024xf32> -> vector<32x1024xf32>
    %slice3A_276 = vector.extract_strided_slice %transpose3A {offsets = [32, 0], sizes = [1, 1024], strides = [1, 1]} : vector<128x1024xf32> to vector<1x1024xf32>
    %slice3A_277 = vector.extract_strided_slice %convert_element_type3A_269 {offsets = [0, 0], sizes = [32, 1024], strides = [1, 1]} : vector<1024x1024xbf16> to vector<32x1024xbf16>
    %convert_element_type3A_278 = arith.extf %slice3A_277 : vector<32x1024xbf16> to vector<32x1024xf32>
    %mul3A_279 = vector.broadcast %slice3A_276 : vector<1x1024xf32> to vector<32x1024xf32>
    %mul3A_280 = arith.mulf %mul3A_279, %convert_element_type3A_278 : vector<32x1024xf32>
    %add3A_281 = arith.addf %dot_general3A_275, %mul3A_280 : vector<32x1024xf32>
    %slice3A_282 = vector.extract_strided_slice %transpose3A {offsets = [33, 0], sizes = [1, 1024], strides = [1, 1]} : vector<128x1024xf32> to vector<1x1024xf32>
    %slice3A_283 = vector.extract_strided_slice %convert_element_type3A_269 {offsets = [32, 0], sizes = [32, 1024], strides = [1, 1]} : vector<1024x1024xbf16> to vector<32x1024xbf16>
    %convert_element_type3A_284 = arith.extf %slice3A_283 : vector<32x1024xbf16> to vector<32x1024xf32>
    %mul3A_285 = vector.broadcast %slice3A_282 : vector<1x1024xf32> to vector<32x1024xf32>
    %mul3A_286 = arith.mulf %mul3A_285, %convert_element_type3A_284 : vector<32x1024xf32>
    %add3A_287 = arith.addf %add3A_281, %mul3A_286 : vector<32x1024xf32>
    %slice3A_288 = vector.extract_strided_slice %transpose3A {offsets = [34, 0], sizes = [1, 1024], strides = [1, 1]} : vector<128x1024xf32> to vector<1x1024xf32>
    %slice3A_289 = vector.extract_strided_slice %convert_element_type3A_269 {offsets = [64, 0], sizes = [32, 1024], strides = [1, 1]} : vector<1024x1024xbf16> to vector<32x1024xbf16>
    %convert_element_type3A_290 = arith.extf %slice3A_289 : vector<32x1024xbf16> to vector<32x1024xf32>
    %mul3A_291 = vector.broadcast %slice3A_288 : vector<1x1024xf32> to vector<32x1024xf32>
    %mul3A_292 = arith.mulf %mul3A_291, %convert_element_type3A_290 : vector<32x1024xf32>
    %add3A_293 = arith.addf %add3A_287, %mul3A_292 : vector<32x1024xf32>
    %slice3A_294 = vector.extract_strided_slice %transpose3A {offsets = [35, 0], sizes = [1, 1024], strides = [1, 1]} : vector<128x1024xf32> to vector<1x1024xf32>
    %slice3A_295 = vector.extract_strided_slice %convert_element_type3A_269 {offsets = [96, 0], sizes = [32, 1024], strides = [1, 1]} : vector<1024x1024xbf16> to vector<32x1024xbf16>
    %convert_element_type3A_296 = arith.extf %slice3A_295 : vector<32x1024xbf16> to vector<32x1024xf32>
    %mul3A_297 = vector.broadcast %slice3A_294 : vector<1x1024xf32> to vector<32x1024xf32>
    %mul3A_298 = arith.mulf %mul3A_297, %convert_element_type3A_296 : vector<32x1024xf32>
    %add3A_299 = arith.addf %add3A_293, %mul3A_298 : vector<32x1024xf32>
    %slice3A_300 = vector.extract_strided_slice %transpose3A {offsets = [36, 0], sizes = [1, 1024], strides = [1, 1]} : vector<128x1024xf32> to vector<1x1024xf32>
    %slice3A_301 = vector.extract_strided_slice %convert_element_type3A_269 {offsets = [128, 0], sizes = [32, 1024], strides = [1, 1]} : vector<1024x1024xbf16> to vector<32x1024xbf16>
    %convert_element_type3A_302 = arith.extf %slice3A_301 : vector<32x1024xbf16> to vector<32x1024xf32>
    %mul3A_303 = vector.broadcast %slice3A_300 : vector<1x1024xf32> to vector<32x1024xf32>
    %mul3A_304 = arith.mulf %mul3A_303, %convert_element_type3A_302 : vector<32x1024xf32>
    %add3A_305 = arith.addf %add3A_299, %mul3A_304 : vector<32x1024xf32>
    %slice3A_306 = vector.extract_strided_slice %transpose3A {offsets = [37, 0], sizes = [1, 1024], strides = [1, 1]} : vector<128x1024xf32> to vector<1x1024xf32>
    %slice3A_307 = vector.extract_strided_slice %convert_element_type3A_269 {offsets = [160, 0], sizes = [32, 1024], strides = [1, 1]} : vector<1024x1024xbf16> to vector<32x1024xbf16>
    %convert_element_type3A_308 = arith.extf %slice3A_307 : vector<32x1024xbf16> to vector<32x1024xf32>
    %mul3A_309 = vector.broadcast %slice3A_306 : vector<1x1024xf32> to vector<32x1024xf32>
    %mul3A_310 = arith.mulf %mul3A_309, %convert_element_type3A_308 : vector<32x1024xf32>
    %add3A_311 = arith.addf %add3A_305, %mul3A_310 : vector<32x1024xf32>
    %slice3A_312 = vector.extract_strided_slice %transpose3A {offsets = [38, 0], sizes = [1, 1024], strides = [1, 1]} : vector<128x1024xf32> to vector<1x1024xf32>
    %slice3A_313 = vector.extract_strided_slice %convert_element_type3A_269 {offsets = [192, 0], sizes = [32, 1024], strides = [1, 1]} : vector<1024x1024xbf16> to vector<32x1024xbf16>
    %convert_element_type3A_314 = arith.extf %slice3A_313 : vector<32x1024xbf16> to vector<32x1024xf32>
    %mul3A_315 = vector.broadcast %slice3A_312 : vector<1x1024xf32> to vector<32x1024xf32>
    %mul3A_316 = arith.mulf %mul3A_315, %convert_element_type3A_314 : vector<32x1024xf32>
    %add3A_317 = arith.addf %add3A_311, %mul3A_316 : vector<32x1024xf32>
    %slice3A_318 = vector.extract_strided_slice %transpose3A {offsets = [39, 0], sizes = [1, 1024], strides = [1, 1]} : vector<128x1024xf32> to vector<1x1024xf32>
    %slice3A_319 = vector.extract_strided_slice %convert_element_type3A_269 {offsets = [224, 0], sizes = [32, 1024], strides = [1, 1]} : vector<1024x1024xbf16> to vector<32x1024xbf16>
    %convert_element_type3A_320 = arith.extf %slice3A_319 : vector<32x1024xbf16> to vector<32x1024xf32>
    %mul3A_321 = vector.broadcast %slice3A_318 : vector<1x1024xf32> to vector<32x1024xf32>
    %mul3A_322 = arith.mulf %mul3A_321, %convert_element_type3A_320 : vector<32x1024xf32>
    %add3A_323 = arith.addf %add3A_317, %mul3A_322 : vector<32x1024xf32>
    %slice3A_324 = vector.extract_strided_slice %transpose3A {offsets = [40, 0], sizes = [1, 1024], strides = [1, 1]} : vector<128x1024xf32> to vector<1x1024xf32>
    %slice3A_325 = vector.extract_strided_slice %convert_element_type3A_269 {offsets = [256, 0], sizes = [32, 1024], strides = [1, 1]} : vector<1024x1024xbf16> to vector<32x1024xbf16>
    %convert_element_type3A_326 = arith.extf %slice3A_325 : vector<32x1024xbf16> to vector<32x1024xf32>
    %mul3A_327 = vector.broadcast %slice3A_324 : vector<1x1024xf32> to vector<32x1024xf32>
    %mul3A_328 = arith.mulf %mul3A_327, %convert_element_type3A_326 : vector<32x1024xf32>
    %add3A_329 = arith.addf %add3A_323, %mul3A_328 : vector<32x1024xf32>
    %slice3A_330 = vector.extract_strided_slice %transpose3A {offsets = [41, 0], sizes = [1, 1024], strides = [1, 1]} : vector<128x1024xf32> to vector<1x1024xf32>
    %slice3A_331 = vector.extract_strided_slice %convert_element_type3A_269 {offsets = [288, 0], sizes = [32, 1024], strides = [1, 1]} : vector<1024x1024xbf16> to vector<32x1024xbf16>
    %convert_element_type3A_332 = arith.extf %slice3A_331 : vector<32x1024xbf16> to vector<32x1024xf32>
    %mul3A_333 = vector.broadcast %slice3A_330 : vector<1x1024xf32> to vector<32x1024xf32>
    %mul3A_334 = arith.mulf %mul3A_333, %convert_element_type3A_332 : vector<32x1024xf32>
    %add3A_335 = arith.addf %add3A_329, %mul3A_334 : vector<32x1024xf32>
    %slice3A_336 = vector.extract_strided_slice %transpose3A {offsets = [42, 0], sizes = [1, 1024], strides = [1, 1]} : vector<128x1024xf32> to vector<1x1024xf32>
    %slice3A_337 = vector.extract_strided_slice %convert_element_type3A_269 {offsets = [320, 0], sizes = [32, 1024], strides = [1, 1]} : vector<1024x1024xbf16> to vector<32x1024xbf16>
    %convert_element_type3A_338 = arith.extf %slice3A_337 : vector<32x1024xbf16> to vector<32x1024xf32>
    %mul3A_339 = vector.broadcast %slice3A_336 : vector<1x1024xf32> to vector<32x1024xf32>
    %mul3A_340 = arith.mulf %mul3A_339, %convert_element_type3A_338 : vector<32x1024xf32>
    %add3A_341 = arith.addf %add3A_335, %mul3A_340 : vector<32x1024xf32>
    %slice3A_342 = vector.extract_strided_slice %transpose3A {offsets = [43, 0], sizes = [1, 1024], strides = [1, 1]} : vector<128x1024xf32> to vector<1x1024xf32>
    %slice3A_343 = vector.extract_strided_slice %convert_element_type3A_269 {offsets = [352, 0], sizes = [32, 1024], strides = [1, 1]} : vector<1024x1024xbf16> to vector<32x1024xbf16>
    %convert_element_type3A_344 = arith.extf %slice3A_343 : vector<32x1024xbf16> to vector<32x1024xf32>
    %mul3A_345 = vector.broadcast %slice3A_342 : vector<1x1024xf32> to vector<32x1024xf32>
    %mul3A_346 = arith.mulf %mul3A_345, %convert_element_type3A_344 : vector<32x1024xf32>
    %add3A_347 = arith.addf %add3A_341, %mul3A_346 : vector<32x1024xf32>
    %slice3A_348 = vector.extract_strided_slice %transpose3A {offsets = [44, 0], sizes = [1, 1024], strides = [1, 1]} : vector<128x1024xf32> to vector<1x1024xf32>
    %slice3A_349 = vector.extract_strided_slice %convert_element_type3A_269 {offsets = [384, 0], sizes = [32, 1024], strides = [1, 1]} : vector<1024x1024xbf16> to vector<32x1024xbf16>
    %convert_element_type3A_350 = arith.extf %slice3A_349 : vector<32x1024xbf16> to vector<32x1024xf32>
    %mul3A_351 = vector.broadcast %slice3A_348 : vector<1x1024xf32> to vector<32x1024xf32>
    %mul3A_352 = arith.mulf %mul3A_351, %convert_element_type3A_350 : vector<32x1024xf32>
    %add3A_353 = arith.addf %add3A_347, %mul3A_352 : vector<32x1024xf32>
    %slice3A_354 = vector.extract_strided_slice %transpose3A {offsets = [45, 0], sizes = [1, 1024], strides = [1, 1]} : vector<128x1024xf32> to vector<1x1024xf32>
    %slice3A_355 = vector.extract_strided_slice %convert_element_type3A_269 {offsets = [416, 0], sizes = [32, 1024], strides = [1, 1]} : vector<1024x1024xbf16> to vector<32x1024xbf16>
    %convert_element_type3A_356 = arith.extf %slice3A_355 : vector<32x1024xbf16> to vector<32x1024xf32>
    %mul3A_357 = vector.broadcast %slice3A_354 : vector<1x1024xf32> to vector<32x1024xf32>
    %mul3A_358 = arith.mulf %mul3A_357, %convert_element_type3A_356 : vector<32x1024xf32>
    %add3A_359 = arith.addf %add3A_353, %mul3A_358 : vector<32x1024xf32>
    %slice3A_360 = vector.extract_strided_slice %transpose3A {offsets = [46, 0], sizes = [1, 1024], strides = [1, 1]} : vector<128x1024xf32> to vector<1x1024xf32>
    %slice3A_361 = vector.extract_strided_slice %convert_element_type3A_269 {offsets = [448, 0], sizes = [32, 1024], strides = [1, 1]} : vector<1024x1024xbf16> to vector<32x1024xbf16>
    %convert_element_type3A_362 = arith.extf %slice3A_361 : vector<32x1024xbf16> to vector<32x1024xf32>
    %mul3A_363 = vector.broadcast %slice3A_360 : vector<1x1024xf32> to vector<32x1024xf32>
    %mul3A_364 = arith.mulf %mul3A_363, %convert_element_type3A_362 : vector<32x1024xf32>
    %add3A_365 = arith.addf %add3A_359, %mul3A_364 : vector<32x1024xf32>
    %slice3A_366 = vector.extract_strided_slice %transpose3A {offsets = [47, 0], sizes = [1, 1024], strides = [1, 1]} : vector<128x1024xf32> to vector<1x1024xf32>
    %slice3A_367 = vector.extract_strided_slice %convert_element_type3A_269 {offsets = [480, 0], sizes = [32, 1024], strides = [1, 1]} : vector<1024x1024xbf16> to vector<32x1024xbf16>
    %convert_element_type3A_368 = arith.extf %slice3A_367 : vector<32x1024xbf16> to vector<32x1024xf32>
    %mul3A_369 = vector.broadcast %slice3A_366 : vector<1x1024xf32> to vector<32x1024xf32>
    %mul3A_370 = arith.mulf %mul3A_369, %convert_element_type3A_368 : vector<32x1024xf32>
    %add3A_371 = arith.addf %add3A_365, %mul3A_370 : vector<32x1024xf32>
    %slice3A_372 = vector.extract_strided_slice %transpose3A {offsets = [48, 0], sizes = [1, 1024], strides = [1, 1]} : vector<128x1024xf32> to vector<1x1024xf32>
    %slice3A_373 = vector.extract_strided_slice %convert_element_type3A_269 {offsets = [512, 0], sizes = [32, 1024], strides = [1, 1]} : vector<1024x1024xbf16> to vector<32x1024xbf16>
    %convert_element_type3A_374 = arith.extf %slice3A_373 : vector<32x1024xbf16> to vector<32x1024xf32>
    %mul3A_375 = vector.broadcast %slice3A_372 : vector<1x1024xf32> to vector<32x1024xf32>
    %mul3A_376 = arith.mulf %mul3A_375, %convert_element_type3A_374 : vector<32x1024xf32>
    %add3A_377 = arith.addf %add3A_371, %mul3A_376 : vector<32x1024xf32>
    %slice3A_378 = vector.extract_strided_slice %transpose3A {offsets = [49, 0], sizes = [1, 1024], strides = [1, 1]} : vector<128x1024xf32> to vector<1x1024xf32>
    %slice3A_379 = vector.extract_strided_slice %convert_element_type3A_269 {offsets = [544, 0], sizes = [32, 1024], strides = [1, 1]} : vector<1024x1024xbf16> to vector<32x1024xbf16>
    %convert_element_type3A_380 = arith.extf %slice3A_379 : vector<32x1024xbf16> to vector<32x1024xf32>
    %mul3A_381 = vector.broadcast %slice3A_378 : vector<1x1024xf32> to vector<32x1024xf32>
    %mul3A_382 = arith.mulf %mul3A_381, %convert_element_type3A_380 : vector<32x1024xf32>
    %add3A_383 = arith.addf %add3A_377, %mul3A_382 : vector<32x1024xf32>
    %slice3A_384 = vector.extract_strided_slice %transpose3A {offsets = [50, 0], sizes = [1, 1024], strides = [1, 1]} : vector<128x1024xf32> to vector<1x1024xf32>
    %slice3A_385 = vector.extract_strided_slice %convert_element_type3A_269 {offsets = [576, 0], sizes = [32, 1024], strides = [1, 1]} : vector<1024x1024xbf16> to vector<32x1024xbf16>
    %convert_element_type3A_386 = arith.extf %slice3A_385 : vector<32x1024xbf16> to vector<32x1024xf32>
    %mul3A_387 = vector.broadcast %slice3A_384 : vector<1x1024xf32> to vector<32x1024xf32>
    %mul3A_388 = arith.mulf %mul3A_387, %convert_element_type3A_386 : vector<32x1024xf32>
    %add3A_389 = arith.addf %add3A_383, %mul3A_388 : vector<32x1024xf32>
    %slice3A_390 = vector.extract_strided_slice %transpose3A {offsets = [51, 0], sizes = [1, 1024], strides = [1, 1]} : vector<128x1024xf32> to vector<1x1024xf32>
    %slice3A_391 = vector.extract_strided_slice %convert_element_type3A_269 {offsets = [608, 0], sizes = [32, 1024], strides = [1, 1]} : vector<1024x1024xbf16> to vector<32x1024xbf16>
    %convert_element_type3A_392 = arith.extf %slice3A_391 : vector<32x1024xbf16> to vector<32x1024xf32>
    %mul3A_393 = vector.broadcast %slice3A_390 : vector<1x1024xf32> to vector<32x1024xf32>
    %mul3A_394 = arith.mulf %mul3A_393, %convert_element_type3A_392 : vector<32x1024xf32>
    %add3A_395 = arith.addf %add3A_389, %mul3A_394 : vector<32x1024xf32>
    %slice3A_396 = vector.extract_strided_slice %transpose3A {offsets = [52, 0], sizes = [1, 1024], strides = [1, 1]} : vector<128x1024xf32> to vector<1x1024xf32>
    %slice3A_397 = vector.extract_strided_slice %convert_element_type3A_269 {offsets = [640, 0], sizes = [32, 1024], strides = [1, 1]} : vector<1024x1024xbf16> to vector<32x1024xbf16>
    %convert_element_type3A_398 = arith.extf %slice3A_397 : vector<32x1024xbf16> to vector<32x1024xf32>
    %mul3A_399 = vector.broadcast %slice3A_396 : vector<1x1024xf32> to vector<32x1024xf32>
    %mul3A_400 = arith.mulf %mul3A_399, %convert_element_type3A_398 : vector<32x1024xf32>
    %add3A_401 = arith.addf %add3A_395, %mul3A_400 : vector<32x1024xf32>
    %slice3A_402 = vector.extract_strided_slice %transpose3A {offsets = [53, 0], sizes = [1, 1024], strides = [1, 1]} : vector<128x1024xf32> to vector<1x1024xf32>
    %slice3A_403 = vector.extract_strided_slice %convert_element_type3A_269 {offsets = [672, 0], sizes = [32, 1024], strides = [1, 1]} : vector<1024x1024xbf16> to vector<32x1024xbf16>
    %convert_element_type3A_404 = arith.extf %slice3A_403 : vector<32x1024xbf16> to vector<32x1024xf32>
    %mul3A_405 = vector.broadcast %slice3A_402 : vector<1x1024xf32> to vector<32x1024xf32>
    %mul3A_406 = arith.mulf %mul3A_405, %convert_element_type3A_404 : vector<32x1024xf32>
    %add3A_407 = arith.addf %add3A_401, %mul3A_406 : vector<32x1024xf32>
    %slice3A_408 = vector.extract_strided_slice %transpose3A {offsets = [54, 0], sizes = [1, 1024], strides = [1, 1]} : vector<128x1024xf32> to vector<1x1024xf32>
    %slice3A_409 = vector.extract_strided_slice %convert_element_type3A_269 {offsets = [704, 0], sizes = [32, 1024], strides = [1, 1]} : vector<1024x1024xbf16> to vector<32x1024xbf16>
    %convert_element_type3A_410 = arith.extf %slice3A_409 : vector<32x1024xbf16> to vector<32x1024xf32>
    %mul3A_411 = vector.broadcast %slice3A_408 : vector<1x1024xf32> to vector<32x1024xf32>
    %mul3A_412 = arith.mulf %mul3A_411, %convert_element_type3A_410 : vector<32x1024xf32>
    %add3A_413 = arith.addf %add3A_407, %mul3A_412 : vector<32x1024xf32>
    %slice3A_414 = vector.extract_strided_slice %transpose3A {offsets = [55, 0], sizes = [1, 1024], strides = [1, 1]} : vector<128x1024xf32> to vector<1x1024xf32>
    %slice3A_415 = vector.extract_strided_slice %convert_element_type3A_269 {offsets = [736, 0], sizes = [32, 1024], strides = [1, 1]} : vector<1024x1024xbf16> to vector<32x1024xbf16>
    %convert_element_type3A_416 = arith.extf %slice3A_415 : vector<32x1024xbf16> to vector<32x1024xf32>
    %mul3A_417 = vector.broadcast %slice3A_414 : vector<1x1024xf32> to vector<32x1024xf32>
    %mul3A_418 = arith.mulf %mul3A_417, %convert_element_type3A_416 : vector<32x1024xf32>
    %add3A_419 = arith.addf %add3A_413, %mul3A_418 : vector<32x1024xf32>
    %slice3A_420 = vector.extract_strided_slice %transpose3A {offsets = [56, 0], sizes = [1, 1024], strides = [1, 1]} : vector<128x1024xf32> to vector<1x1024xf32>
    %slice3A_421 = vector.extract_strided_slice %convert_element_type3A_269 {offsets = [768, 0], sizes = [32, 1024], strides = [1, 1]} : vector<1024x1024xbf16> to vector<32x1024xbf16>
    %convert_element_type3A_422 = arith.extf %slice3A_421 : vector<32x1024xbf16> to vector<32x1024xf32>
    %mul3A_423 = vector.broadcast %slice3A_420 : vector<1x1024xf32> to vector<32x1024xf32>
    %mul3A_424 = arith.mulf %mul3A_423, %convert_element_type3A_422 : vector<32x1024xf32>
    %add3A_425 = arith.addf %add3A_419, %mul3A_424 : vector<32x1024xf32>
    %slice3A_426 = vector.extract_strided_slice %transpose3A {offsets = [57, 0], sizes = [1, 1024], strides = [1, 1]} : vector<128x1024xf32> to vector<1x1024xf32>
    %slice3A_427 = vector.extract_strided_slice %convert_element_type3A_269 {offsets = [800, 0], sizes = [32, 1024], strides = [1, 1]} : vector<1024x1024xbf16> to vector<32x1024xbf16>
    %convert_element_type3A_428 = arith.extf %slice3A_427 : vector<32x1024xbf16> to vector<32x1024xf32>
    %mul3A_429 = vector.broadcast %slice3A_426 : vector<1x1024xf32> to vector<32x1024xf32>
    %mul3A_430 = arith.mulf %mul3A_429, %convert_element_type3A_428 : vector<32x1024xf32>
    %add3A_431 = arith.addf %add3A_425, %mul3A_430 : vector<32x1024xf32>
    %slice3A_432 = vector.extract_strided_slice %transpose3A {offsets = [58, 0], sizes = [1, 1024], strides = [1, 1]} : vector<128x1024xf32> to vector<1x1024xf32>
    %slice3A_433 = vector.extract_strided_slice %convert_element_type3A_269 {offsets = [832, 0], sizes = [32, 1024], strides = [1, 1]} : vector<1024x1024xbf16> to vector<32x1024xbf16>
    %convert_element_type3A_434 = arith.extf %slice3A_433 : vector<32x1024xbf16> to vector<32x1024xf32>
    %mul3A_435 = vector.broadcast %slice3A_432 : vector<1x1024xf32> to vector<32x1024xf32>
    %mul3A_436 = arith.mulf %mul3A_435, %convert_element_type3A_434 : vector<32x1024xf32>
    %add3A_437 = arith.addf %add3A_431, %mul3A_436 : vector<32x1024xf32>
    %slice3A_438 = vector.extract_strided_slice %transpose3A {offsets = [59, 0], sizes = [1, 1024], strides = [1, 1]} : vector<128x1024xf32> to vector<1x1024xf32>
    %slice3A_439 = vector.extract_strided_slice %convert_element_type3A_269 {offsets = [864, 0], sizes = [32, 1024], strides = [1, 1]} : vector<1024x1024xbf16> to vector<32x1024xbf16>
    %convert_element_type3A_440 = arith.extf %slice3A_439 : vector<32x1024xbf16> to vector<32x1024xf32>
    %mul3A_441 = vector.broadcast %slice3A_438 : vector<1x1024xf32> to vector<32x1024xf32>
    %mul3A_442 = arith.mulf %mul3A_441, %convert_element_type3A_440 : vector<32x1024xf32>
    %add3A_443 = arith.addf %add3A_437, %mul3A_442 : vector<32x1024xf32>
    %slice3A_444 = vector.extract_strided_slice %transpose3A {offsets = [60, 0], sizes = [1, 1024], strides = [1, 1]} : vector<128x1024xf32> to vector<1x1024xf32>
    %slice3A_445 = vector.extract_strided_slice %convert_element_type3A_269 {offsets = [896, 0], sizes = [32, 1024], strides = [1, 1]} : vector<1024x1024xbf16> to vector<32x1024xbf16>
    %convert_element_type3A_446 = arith.extf %slice3A_445 : vector<32x1024xbf16> to vector<32x1024xf32>
    %mul3A_447 = vector.broadcast %slice3A_444 : vector<1x1024xf32> to vector<32x1024xf32>
    %mul3A_448 = arith.mulf %mul3A_447, %convert_element_type3A_446 : vector<32x1024xf32>
    %add3A_449 = arith.addf %add3A_443, %mul3A_448 : vector<32x1024xf32>
    %slice3A_450 = vector.extract_strided_slice %transpose3A {offsets = [61, 0], sizes = [1, 1024], strides = [1, 1]} : vector<128x1024xf32> to vector<1x1024xf32>
    %slice3A_451 = vector.extract_strided_slice %convert_element_type3A_269 {offsets = [928, 0], sizes = [32, 1024], strides = [1, 1]} : vector<1024x1024xbf16> to vector<32x1024xbf16>
    %convert_element_type3A_452 = arith.extf %slice3A_451 : vector<32x1024xbf16> to vector<32x1024xf32>
    %mul3A_453 = vector.broadcast %slice3A_450 : vector<1x1024xf32> to vector<32x1024xf32>
    %mul3A_454 = arith.mulf %mul3A_453, %convert_element_type3A_452 : vector<32x1024xf32>
    %add3A_455 = arith.addf %add3A_449, %mul3A_454 : vector<32x1024xf32>
    %slice3A_456 = vector.extract_strided_slice %transpose3A {offsets = [62, 0], sizes = [1, 1024], strides = [1, 1]} : vector<128x1024xf32> to vector<1x1024xf32>
    %slice3A_457 = vector.extract_strided_slice %convert_element_type3A_269 {offsets = [960, 0], sizes = [32, 1024], strides = [1, 1]} : vector<1024x1024xbf16> to vector<32x1024xbf16>
    %convert_element_type3A_458 = arith.extf %slice3A_457 : vector<32x1024xbf16> to vector<32x1024xf32>
    %mul3A_459 = vector.broadcast %slice3A_456 : vector<1x1024xf32> to vector<32x1024xf32>
    %mul3A_460 = arith.mulf %mul3A_459, %convert_element_type3A_458 : vector<32x1024xf32>
    %add3A_461 = arith.addf %add3A_455, %mul3A_460 : vector<32x1024xf32>
    %slice3A_462 = vector.extract_strided_slice %transpose3A {offsets = [63, 0], sizes = [1, 1024], strides = [1, 1]} : vector<128x1024xf32> to vector<1x1024xf32>
    %slice3A_463 = vector.extract_strided_slice %convert_element_type3A_269 {offsets = [992, 0], sizes = [32, 1024], strides = [1, 1]} : vector<1024x1024xbf16> to vector<32x1024xbf16>
    %convert_element_type3A_464 = arith.extf %slice3A_463 : vector<32x1024xbf16> to vector<32x1024xf32>
    %mul3A_465 = vector.broadcast %slice3A_462 : vector<1x1024xf32> to vector<32x1024xf32>
    %mul3A_466 = arith.mulf %mul3A_465, %convert_element_type3A_464 : vector<32x1024xf32>
    %add3A_467 = arith.addf %add3A_461, %mul3A_466 : vector<32x1024xf32>
    %get3A_468 = arith.constant 0 : index
    %get3A_469 = arith.constant 0 : index
    %get3A_470 = vector.load %arg3[%get3A_468, %get3A_469] : memref<128x16xf32, #tpu.memory_space<vmem>>, vector<128x16xf32>
    %get3A_471 = arith.constant 2 : index
    %get3A_472 = arith.constant 0 : index
    %get3A_473 = arith.constant 0 : index
    %get3A_474 = vector.load %arg1[%get3A_471, %get3A_472, %get3A_473] : memref<4x16x1024xf32, #tpu.memory_space<vmem>>, vector<1x16x1024xf32>
    %get3A_475 = vector.shape_cast %get3A_474 : vector<1x16x1024xf32> to vector<16x1024xf32>
    %dot_general3A_476 = arith.constant dense<0.000000e+00> : vector<128x1024xf32>
    %dot_general3A_477 = tpu.matmul %get3A_470, %get3A_475, %dot_general3A_476 {dimension_numbers = #tpu.dot_dimension_numbers<[1], [0], [0], [1], [0, 0, 1, 1], [], []>, transpose_lhs_hint = false} : vector<128x16xf32>, vector<16x1024xf32>, vector<128x1024xf32> -> vector<128x1024xf32>
    %get3A_478 = arith.constant 0 : index
    %get3A_479 = arith.constant 0 : index
    %get3A_480 = vector.load %arg4[%get3A_478, %get3A_479] : memref<128x1xf32, #tpu.memory_space<vmem>>, vector<128x1xf32>
    %add3A_481 = vector.broadcast %get3A_480 : vector<128x1xf32> to vector<128x1024xf32>
    %add3A_482 = arith.addf %dot_general3A_477, %add3A_481 : vector<128x1024xf32>
    %max3A_483 = arith.constant 0.000000e+00 : f32
    %max3A_484 = vector.broadcast %max3A_483 : f32 to vector<128x1024xf32>
    %max3A_485 = arith.maximumf %add3A_482, %max3A_484 : vector<128x1024xf32>
    %get3A_486 = arith.constant 0 : index
    %get3A_487 = arith.constant 0 : index
    %get3A_488 = vector.load %arg5[%get3A_486, %get3A_487] : memref<128x128xf32, #tpu.memory_space<vmem>>, vector<128x128xf32>
    %dot_general3A_489 = arith.constant dense<0.000000e+00> : vector<128x1024xf32>
    %dot_general3A_490 = tpu.matmul %get3A_488, %max3A_485, %dot_general3A_489 {dimension_numbers = #tpu.dot_dimension_numbers<[1], [0], [0], [1], [0, 0, 1, 1], [], []>, transpose_lhs_hint = false} : vector<128x128xf32>, vector<128x1024xf32>, vector<128x1024xf32> -> vector<128x1024xf32>
    %get3A_491 = arith.constant 0 : index
    %get3A_492 = arith.constant 0 : index
    %get3A_493 = vector.load %arg6[%get3A_491, %get3A_492] : memref<128x1xf32, #tpu.memory_space<vmem>>, vector<128x1xf32>
    %add3A_494 = vector.broadcast %get3A_493 : vector<128x1xf32> to vector<128x1024xf32>
    %add3A_495 = arith.addf %dot_general3A_490, %add3A_494 : vector<128x1024xf32>
    %max3A_496 = arith.constant 0.000000e+00 : f32
    %max3A_497 = vector.broadcast %max3A_496 : f32 to vector<128x1024xf32>
    %max3A_498 = arith.maximumf %add3A_495, %max3A_497 : vector<128x1024xf32>
    %get3A_499 = arith.constant 0 : index
    %get3A_500 = arith.constant 0 : index
    %get3A_501 = vector.load %arg7[%get3A_499, %get3A_500] : memref<1024x128xbf16, #tpu.memory_space<vmem>>, vector<1024x128xbf16>
    %convert_element_type3A_502 = arith.truncf %max3A_498 : vector<128x1024xf32> to vector<128x1024xbf16>
    %dot_general3A_503 = arith.constant dense<0.000000e+00> : vector<1024x1024xf32>
    %dot_general3A_504 = tpu.matmul %get3A_501, %convert_element_type3A_502, %dot_general3A_503 {dimension_numbers = #tpu.dot_dimension_numbers<[1], [0], [0], [1], [0, 0, 1, 1], [], []>, transpose_lhs_hint = false} : vector<1024x128xbf16>, vector<128x1024xbf16>, vector<1024x1024xf32> -> vector<1024x1024xf32>
    %convert_element_type3A_505 = arith.truncf %dot_general3A_504 : vector<1024x1024xf32> to vector<1024x1024xbf16>
    %get3A_506 = arith.constant 0 : index
    %get3A_507 = arith.constant 0 : index
    %get3A_508 = vector.load %arg8[%get3A_506, %get3A_507] : memref<32x32xf32, #tpu.memory_space<vmem>>, vector<32x32xf32>
    %slice3A_509 = vector.extract_strided_slice %transpose3A {offsets = [64, 0], sizes = [32, 1024], strides = [1, 1]} : vector<128x1024xf32> to vector<32x1024xf32>
    %dot_general3A_510 = arith.constant dense<0.000000e+00> : vector<32x1024xf32>
    %dot_general3A_511 = tpu.matmul %get3A_508, %slice3A_509, %dot_general3A_510 {dimension_numbers = #tpu.dot_dimension_numbers<[1], [0], [0], [1], [0, 0, 1, 1], [], []>, transpose_lhs_hint = false} : vector<32x32xf32>, vector<32x1024xf32>, vector<32x1024xf32> -> vector<32x1024xf32>
    %slice3A_512 = vector.extract_strided_slice %transpose3A {offsets = [64, 0], sizes = [1, 1024], strides = [1, 1]} : vector<128x1024xf32> to vector<1x1024xf32>
    %slice3A_513 = vector.extract_strided_slice %convert_element_type3A_505 {offsets = [0, 0], sizes = [32, 1024], strides = [1, 1]} : vector<1024x1024xbf16> to vector<32x1024xbf16>
    %convert_element_type3A_514 = arith.extf %slice3A_513 : vector<32x1024xbf16> to vector<32x1024xf32>
    %mul3A_515 = vector.broadcast %slice3A_512 : vector<1x1024xf32> to vector<32x1024xf32>
    %mul3A_516 = arith.mulf %mul3A_515, %convert_element_type3A_514 : vector<32x1024xf32>
    %add3A_517 = arith.addf %dot_general3A_511, %mul3A_516 : vector<32x1024xf32>
    %slice3A_518 = vector.extract_strided_slice %transpose3A {offsets = [65, 0], sizes = [1, 1024], strides = [1, 1]} : vector<128x1024xf32> to vector<1x1024xf32>
    %slice3A_519 = vector.extract_strided_slice %convert_element_type3A_505 {offsets = [32, 0], sizes = [32, 1024], strides = [1, 1]} : vector<1024x1024xbf16> to vector<32x1024xbf16>
    %convert_element_type3A_520 = arith.extf %slice3A_519 : vector<32x1024xbf16> to vector<32x1024xf32>
    %mul3A_521 = vector.broadcast %slice3A_518 : vector<1x1024xf32> to vector<32x1024xf32>
    %mul3A_522 = arith.mulf %mul3A_521, %convert_element_type3A_520 : vector<32x1024xf32>
    %add3A_523 = arith.addf %add3A_517, %mul3A_522 : vector<32x1024xf32>
    %slice3A_524 = vector.extract_strided_slice %transpose3A {offsets = [66, 0], sizes = [1, 1024], strides = [1, 1]} : vector<128x1024xf32> to vector<1x1024xf32>
    %slice3A_525 = vector.extract_strided_slice %convert_element_type3A_505 {offsets = [64, 0], sizes = [32, 1024], strides = [1, 1]} : vector<1024x1024xbf16> to vector<32x1024xbf16>
    %convert_element_type3A_526 = arith.extf %slice3A_525 : vector<32x1024xbf16> to vector<32x1024xf32>
    %mul3A_527 = vector.broadcast %slice3A_524 : vector<1x1024xf32> to vector<32x1024xf32>
    %mul3A_528 = arith.mulf %mul3A_527, %convert_element_type3A_526 : vector<32x1024xf32>
    %add3A_529 = arith.addf %add3A_523, %mul3A_528 : vector<32x1024xf32>
    %slice3A_530 = vector.extract_strided_slice %transpose3A {offsets = [67, 0], sizes = [1, 1024], strides = [1, 1]} : vector<128x1024xf32> to vector<1x1024xf32>
    %slice3A_531 = vector.extract_strided_slice %convert_element_type3A_505 {offsets = [96, 0], sizes = [32, 1024], strides = [1, 1]} : vector<1024x1024xbf16> to vector<32x1024xbf16>
    %convert_element_type3A_532 = arith.extf %slice3A_531 : vector<32x1024xbf16> to vector<32x1024xf32>
    %mul3A_533 = vector.broadcast %slice3A_530 : vector<1x1024xf32> to vector<32x1024xf32>
    %mul3A_534 = arith.mulf %mul3A_533, %convert_element_type3A_532 : vector<32x1024xf32>
    %add3A_535 = arith.addf %add3A_529, %mul3A_534 : vector<32x1024xf32>
    %slice3A_536 = vector.extract_strided_slice %transpose3A {offsets = [68, 0], sizes = [1, 1024], strides = [1, 1]} : vector<128x1024xf32> to vector<1x1024xf32>
    %slice3A_537 = vector.extract_strided_slice %convert_element_type3A_505 {offsets = [128, 0], sizes = [32, 1024], strides = [1, 1]} : vector<1024x1024xbf16> to vector<32x1024xbf16>
    %convert_element_type3A_538 = arith.extf %slice3A_537 : vector<32x1024xbf16> to vector<32x1024xf32>
    %mul3A_539 = vector.broadcast %slice3A_536 : vector<1x1024xf32> to vector<32x1024xf32>
    %mul3A_540 = arith.mulf %mul3A_539, %convert_element_type3A_538 : vector<32x1024xf32>
    %add3A_541 = arith.addf %add3A_535, %mul3A_540 : vector<32x1024xf32>
    %slice3A_542 = vector.extract_strided_slice %transpose3A {offsets = [69, 0], sizes = [1, 1024], strides = [1, 1]} : vector<128x1024xf32> to vector<1x1024xf32>
    %slice3A_543 = vector.extract_strided_slice %convert_element_type3A_505 {offsets = [160, 0], sizes = [32, 1024], strides = [1, 1]} : vector<1024x1024xbf16> to vector<32x1024xbf16>
    %convert_element_type3A_544 = arith.extf %slice3A_543 : vector<32x1024xbf16> to vector<32x1024xf32>
    %mul3A_545 = vector.broadcast %slice3A_542 : vector<1x1024xf32> to vector<32x1024xf32>
    %mul3A_546 = arith.mulf %mul3A_545, %convert_element_type3A_544 : vector<32x1024xf32>
    %add3A_547 = arith.addf %add3A_541, %mul3A_546 : vector<32x1024xf32>
    %slice3A_548 = vector.extract_strided_slice %transpose3A {offsets = [70, 0], sizes = [1, 1024], strides = [1, 1]} : vector<128x1024xf32> to vector<1x1024xf32>
    %slice3A_549 = vector.extract_strided_slice %convert_element_type3A_505 {offsets = [192, 0], sizes = [32, 1024], strides = [1, 1]} : vector<1024x1024xbf16> to vector<32x1024xbf16>
    %convert_element_type3A_550 = arith.extf %slice3A_549 : vector<32x1024xbf16> to vector<32x1024xf32>
    %mul3A_551 = vector.broadcast %slice3A_548 : vector<1x1024xf32> to vector<32x1024xf32>
    %mul3A_552 = arith.mulf %mul3A_551, %convert_element_type3A_550 : vector<32x1024xf32>
    %add3A_553 = arith.addf %add3A_547, %mul3A_552 : vector<32x1024xf32>
    %slice3A_554 = vector.extract_strided_slice %transpose3A {offsets = [71, 0], sizes = [1, 1024], strides = [1, 1]} : vector<128x1024xf32> to vector<1x1024xf32>
    %slice3A_555 = vector.extract_strided_slice %convert_element_type3A_505 {offsets = [224, 0], sizes = [32, 1024], strides = [1, 1]} : vector<1024x1024xbf16> to vector<32x1024xbf16>
    %convert_element_type3A_556 = arith.extf %slice3A_555 : vector<32x1024xbf16> to vector<32x1024xf32>
    %mul3A_557 = vector.broadcast %slice3A_554 : vector<1x1024xf32> to vector<32x1024xf32>
    %mul3A_558 = arith.mulf %mul3A_557, %convert_element_type3A_556 : vector<32x1024xf32>
    %add3A_559 = arith.addf %add3A_553, %mul3A_558 : vector<32x1024xf32>
    %slice3A_560 = vector.extract_strided_slice %transpose3A {offsets = [72, 0], sizes = [1, 1024], strides = [1, 1]} : vector<128x1024xf32> to vector<1x1024xf32>
    %slice3A_561 = vector.extract_strided_slice %convert_element_type3A_505 {offsets = [256, 0], sizes = [32, 1024], strides = [1, 1]} : vector<1024x1024xbf16> to vector<32x1024xbf16>
    %convert_element_type3A_562 = arith.extf %slice3A_561 : vector<32x1024xbf16> to vector<32x1024xf32>
    %mul3A_563 = vector.broadcast %slice3A_560 : vector<1x1024xf32> to vector<32x1024xf32>
    %mul3A_564 = arith.mulf %mul3A_563, %convert_element_type3A_562 : vector<32x1024xf32>
    %add3A_565 = arith.addf %add3A_559, %mul3A_564 : vector<32x1024xf32>
    %slice3A_566 = vector.extract_strided_slice %transpose3A {offsets = [73, 0], sizes = [1, 1024], strides = [1, 1]} : vector<128x1024xf32> to vector<1x1024xf32>
    %slice3A_567 = vector.extract_strided_slice %convert_element_type3A_505 {offsets = [288, 0], sizes = [32, 1024], strides = [1, 1]} : vector<1024x1024xbf16> to vector<32x1024xbf16>
    %convert_element_type3A_568 = arith.extf %slice3A_567 : vector<32x1024xbf16> to vector<32x1024xf32>
    %mul3A_569 = vector.broadcast %slice3A_566 : vector<1x1024xf32> to vector<32x1024xf32>
    %mul3A_570 = arith.mulf %mul3A_569, %convert_element_type3A_568 : vector<32x1024xf32>
    %add3A_571 = arith.addf %add3A_565, %mul3A_570 : vector<32x1024xf32>
    %slice3A_572 = vector.extract_strided_slice %transpose3A {offsets = [74, 0], sizes = [1, 1024], strides = [1, 1]} : vector<128x1024xf32> to vector<1x1024xf32>
    %slice3A_573 = vector.extract_strided_slice %convert_element_type3A_505 {offsets = [320, 0], sizes = [32, 1024], strides = [1, 1]} : vector<1024x1024xbf16> to vector<32x1024xbf16>
    %convert_element_type3A_574 = arith.extf %slice3A_573 : vector<32x1024xbf16> to vector<32x1024xf32>
    %mul3A_575 = vector.broadcast %slice3A_572 : vector<1x1024xf32> to vector<32x1024xf32>
    %mul3A_576 = arith.mulf %mul3A_575, %convert_element_type3A_574 : vector<32x1024xf32>
    %add3A_577 = arith.addf %add3A_571, %mul3A_576 : vector<32x1024xf32>
    %slice3A_578 = vector.extract_strided_slice %transpose3A {offsets = [75, 0], sizes = [1, 1024], strides = [1, 1]} : vector<128x1024xf32> to vector<1x1024xf32>
    %slice3A_579 = vector.extract_strided_slice %convert_element_type3A_505 {offsets = [352, 0], sizes = [32, 1024], strides = [1, 1]} : vector<1024x1024xbf16> to vector<32x1024xbf16>
    %convert_element_type3A_580 = arith.extf %slice3A_579 : vector<32x1024xbf16> to vector<32x1024xf32>
    %mul3A_581 = vector.broadcast %slice3A_578 : vector<1x1024xf32> to vector<32x1024xf32>
    %mul3A_582 = arith.mulf %mul3A_581, %convert_element_type3A_580 : vector<32x1024xf32>
    %add3A_583 = arith.addf %add3A_577, %mul3A_582 : vector<32x1024xf32>
    %slice3A_584 = vector.extract_strided_slice %transpose3A {offsets = [76, 0], sizes = [1, 1024], strides = [1, 1]} : vector<128x1024xf32> to vector<1x1024xf32>
    %slice3A_585 = vector.extract_strided_slice %convert_element_type3A_505 {offsets = [384, 0], sizes = [32, 1024], strides = [1, 1]} : vector<1024x1024xbf16> to vector<32x1024xbf16>
    %convert_element_type3A_586 = arith.extf %slice3A_585 : vector<32x1024xbf16> to vector<32x1024xf32>
    %mul3A_587 = vector.broadcast %slice3A_584 : vector<1x1024xf32> to vector<32x1024xf32>
    %mul3A_588 = arith.mulf %mul3A_587, %convert_element_type3A_586 : vector<32x1024xf32>
    %add3A_589 = arith.addf %add3A_583, %mul3A_588 : vector<32x1024xf32>
    %slice3A_590 = vector.extract_strided_slice %transpose3A {offsets = [77, 0], sizes = [1, 1024], strides = [1, 1]} : vector<128x1024xf32> to vector<1x1024xf32>
    %slice3A_591 = vector.extract_strided_slice %convert_element_type3A_505 {offsets = [416, 0], sizes = [32, 1024], strides = [1, 1]} : vector<1024x1024xbf16> to vector<32x1024xbf16>
    %convert_element_type3A_592 = arith.extf %slice3A_591 : vector<32x1024xbf16> to vector<32x1024xf32>
    %mul3A_593 = vector.broadcast %slice3A_590 : vector<1x1024xf32> to vector<32x1024xf32>
    %mul3A_594 = arith.mulf %mul3A_593, %convert_element_type3A_592 : vector<32x1024xf32>
    %add3A_595 = arith.addf %add3A_589, %mul3A_594 : vector<32x1024xf32>
    %slice3A_596 = vector.extract_strided_slice %transpose3A {offsets = [78, 0], sizes = [1, 1024], strides = [1, 1]} : vector<128x1024xf32> to vector<1x1024xf32>
    %slice3A_597 = vector.extract_strided_slice %convert_element_type3A_505 {offsets = [448, 0], sizes = [32, 1024], strides = [1, 1]} : vector<1024x1024xbf16> to vector<32x1024xbf16>
    %convert_element_type3A_598 = arith.extf %slice3A_597 : vector<32x1024xbf16> to vector<32x1024xf32>
    %mul3A_599 = vector.broadcast %slice3A_596 : vector<1x1024xf32> to vector<32x1024xf32>
    %mul3A_600 = arith.mulf %mul3A_599, %convert_element_type3A_598 : vector<32x1024xf32>
    %add3A_601 = arith.addf %add3A_595, %mul3A_600 : vector<32x1024xf32>
    %slice3A_602 = vector.extract_strided_slice %transpose3A {offsets = [79, 0], sizes = [1, 1024], strides = [1, 1]} : vector<128x1024xf32> to vector<1x1024xf32>
    %slice3A_603 = vector.extract_strided_slice %convert_element_type3A_505 {offsets = [480, 0], sizes = [32, 1024], strides = [1, 1]} : vector<1024x1024xbf16> to vector<32x1024xbf16>
    %convert_element_type3A_604 = arith.extf %slice3A_603 : vector<32x1024xbf16> to vector<32x1024xf32>
    %mul3A_605 = vector.broadcast %slice3A_602 : vector<1x1024xf32> to vector<32x1024xf32>
    %mul3A_606 = arith.mulf %mul3A_605, %convert_element_type3A_604 : vector<32x1024xf32>
    %add3A_607 = arith.addf %add3A_601, %mul3A_606 : vector<32x1024xf32>
    %slice3A_608 = vector.extract_strided_slice %transpose3A {offsets = [80, 0], sizes = [1, 1024], strides = [1, 1]} : vector<128x1024xf32> to vector<1x1024xf32>
    %slice3A_609 = vector.extract_strided_slice %convert_element_type3A_505 {offsets = [512, 0], sizes = [32, 1024], strides = [1, 1]} : vector<1024x1024xbf16> to vector<32x1024xbf16>
    %convert_element_type3A_610 = arith.extf %slice3A_609 : vector<32x1024xbf16> to vector<32x1024xf32>
    %mul3A_611 = vector.broadcast %slice3A_608 : vector<1x1024xf32> to vector<32x1024xf32>
    %mul3A_612 = arith.mulf %mul3A_611, %convert_element_type3A_610 : vector<32x1024xf32>
    %add3A_613 = arith.addf %add3A_607, %mul3A_612 : vector<32x1024xf32>
    %slice3A_614 = vector.extract_strided_slice %transpose3A {offsets = [81, 0], sizes = [1, 1024], strides = [1, 1]} : vector<128x1024xf32> to vector<1x1024xf32>
    %slice3A_615 = vector.extract_strided_slice %convert_element_type3A_505 {offsets = [544, 0], sizes = [32, 1024], strides = [1, 1]} : vector<1024x1024xbf16> to vector<32x1024xbf16>
    %convert_element_type3A_616 = arith.extf %slice3A_615 : vector<32x1024xbf16> to vector<32x1024xf32>
    %mul3A_617 = vector.broadcast %slice3A_614 : vector<1x1024xf32> to vector<32x1024xf32>
    %mul3A_618 = arith.mulf %mul3A_617, %convert_element_type3A_616 : vector<32x1024xf32>
    %add3A_619 = arith.addf %add3A_613, %mul3A_618 : vector<32x1024xf32>
    %slice3A_620 = vector.extract_strided_slice %transpose3A {offsets = [82, 0], sizes = [1, 1024], strides = [1, 1]} : vector<128x1024xf32> to vector<1x1024xf32>
    %slice3A_621 = vector.extract_strided_slice %convert_element_type3A_505 {offsets = [576, 0], sizes = [32, 1024], strides = [1, 1]} : vector<1024x1024xbf16> to vector<32x1024xbf16>
    %convert_element_type3A_622 = arith.extf %slice3A_621 : vector<32x1024xbf16> to vector<32x1024xf32>
    %mul3A_623 = vector.broadcast %slice3A_620 : vector<1x1024xf32> to vector<32x1024xf32>
    %mul3A_624 = arith.mulf %mul3A_623, %convert_element_type3A_622 : vector<32x1024xf32>
    %add3A_625 = arith.addf %add3A_619, %mul3A_624 : vector<32x1024xf32>
    %slice3A_626 = vector.extract_strided_slice %transpose3A {offsets = [83, 0], sizes = [1, 1024], strides = [1, 1]} : vector<128x1024xf32> to vector<1x1024xf32>
    %slice3A_627 = vector.extract_strided_slice %convert_element_type3A_505 {offsets = [608, 0], sizes = [32, 1024], strides = [1, 1]} : vector<1024x1024xbf16> to vector<32x1024xbf16>
    %convert_element_type3A_628 = arith.extf %slice3A_627 : vector<32x1024xbf16> to vector<32x1024xf32>
    %mul3A_629 = vector.broadcast %slice3A_626 : vector<1x1024xf32> to vector<32x1024xf32>
    %mul3A_630 = arith.mulf %mul3A_629, %convert_element_type3A_628 : vector<32x1024xf32>
    %add3A_631 = arith.addf %add3A_625, %mul3A_630 : vector<32x1024xf32>
    %slice3A_632 = vector.extract_strided_slice %transpose3A {offsets = [84, 0], sizes = [1, 1024], strides = [1, 1]} : vector<128x1024xf32> to vector<1x1024xf32>
    %slice3A_633 = vector.extract_strided_slice %convert_element_type3A_505 {offsets = [640, 0], sizes = [32, 1024], strides = [1, 1]} : vector<1024x1024xbf16> to vector<32x1024xbf16>
    %convert_element_type3A_634 = arith.extf %slice3A_633 : vector<32x1024xbf16> to vector<32x1024xf32>
    %mul3A_635 = vector.broadcast %slice3A_632 : vector<1x1024xf32> to vector<32x1024xf32>
    %mul3A_636 = arith.mulf %mul3A_635, %convert_element_type3A_634 : vector<32x1024xf32>
    %add3A_637 = arith.addf %add3A_631, %mul3A_636 : vector<32x1024xf32>
    %slice3A_638 = vector.extract_strided_slice %transpose3A {offsets = [85, 0], sizes = [1, 1024], strides = [1, 1]} : vector<128x1024xf32> to vector<1x1024xf32>
    %slice3A_639 = vector.extract_strided_slice %convert_element_type3A_505 {offsets = [672, 0], sizes = [32, 1024], strides = [1, 1]} : vector<1024x1024xbf16> to vector<32x1024xbf16>
    %convert_element_type3A_640 = arith.extf %slice3A_639 : vector<32x1024xbf16> to vector<32x1024xf32>
    %mul3A_641 = vector.broadcast %slice3A_638 : vector<1x1024xf32> to vector<32x1024xf32>
    %mul3A_642 = arith.mulf %mul3A_641, %convert_element_type3A_640 : vector<32x1024xf32>
    %add3A_643 = arith.addf %add3A_637, %mul3A_642 : vector<32x1024xf32>
    %slice3A_644 = vector.extract_strided_slice %transpose3A {offsets = [86, 0], sizes = [1, 1024], strides = [1, 1]} : vector<128x1024xf32> to vector<1x1024xf32>
    %slice3A_645 = vector.extract_strided_slice %convert_element_type3A_505 {offsets = [704, 0], sizes = [32, 1024], strides = [1, 1]} : vector<1024x1024xbf16> to vector<32x1024xbf16>
    %convert_element_type3A_646 = arith.extf %slice3A_645 : vector<32x1024xbf16> to vector<32x1024xf32>
    %mul3A_647 = vector.broadcast %slice3A_644 : vector<1x1024xf32> to vector<32x1024xf32>
    %mul3A_648 = arith.mulf %mul3A_647, %convert_element_type3A_646 : vector<32x1024xf32>
    %add3A_649 = arith.addf %add3A_643, %mul3A_648 : vector<32x1024xf32>
    %slice3A_650 = vector.extract_strided_slice %transpose3A {offsets = [87, 0], sizes = [1, 1024], strides = [1, 1]} : vector<128x1024xf32> to vector<1x1024xf32>
    %slice3A_651 = vector.extract_strided_slice %convert_element_type3A_505 {offsets = [736, 0], sizes = [32, 1024], strides = [1, 1]} : vector<1024x1024xbf16> to vector<32x1024xbf16>
    %convert_element_type3A_652 = arith.extf %slice3A_651 : vector<32x1024xbf16> to vector<32x1024xf32>
    %mul3A_653 = vector.broadcast %slice3A_650 : vector<1x1024xf32> to vector<32x1024xf32>
    %mul3A_654 = arith.mulf %mul3A_653, %convert_element_type3A_652 : vector<32x1024xf32>
    %add3A_655 = arith.addf %add3A_649, %mul3A_654 : vector<32x1024xf32>
    %slice3A_656 = vector.extract_strided_slice %transpose3A {offsets = [88, 0], sizes = [1, 1024], strides = [1, 1]} : vector<128x1024xf32> to vector<1x1024xf32>
    %slice3A_657 = vector.extract_strided_slice %convert_element_type3A_505 {offsets = [768, 0], sizes = [32, 1024], strides = [1, 1]} : vector<1024x1024xbf16> to vector<32x1024xbf16>
    %convert_element_type3A_658 = arith.extf %slice3A_657 : vector<32x1024xbf16> to vector<32x1024xf32>
    %mul3A_659 = vector.broadcast %slice3A_656 : vector<1x1024xf32> to vector<32x1024xf32>
    %mul3A_660 = arith.mulf %mul3A_659, %convert_element_type3A_658 : vector<32x1024xf32>
    %add3A_661 = arith.addf %add3A_655, %mul3A_660 : vector<32x1024xf32>
    %slice3A_662 = vector.extract_strided_slice %transpose3A {offsets = [89, 0], sizes = [1, 1024], strides = [1, 1]} : vector<128x1024xf32> to vector<1x1024xf32>
    %slice3A_663 = vector.extract_strided_slice %convert_element_type3A_505 {offsets = [800, 0], sizes = [32, 1024], strides = [1, 1]} : vector<1024x1024xbf16> to vector<32x1024xbf16>
    %convert_element_type3A_664 = arith.extf %slice3A_663 : vector<32x1024xbf16> to vector<32x1024xf32>
    %mul3A_665 = vector.broadcast %slice3A_662 : vector<1x1024xf32> to vector<32x1024xf32>
    %mul3A_666 = arith.mulf %mul3A_665, %convert_element_type3A_664 : vector<32x1024xf32>
    %add3A_667 = arith.addf %add3A_661, %mul3A_666 : vector<32x1024xf32>
    %slice3A_668 = vector.extract_strided_slice %transpose3A {offsets = [90, 0], sizes = [1, 1024], strides = [1, 1]} : vector<128x1024xf32> to vector<1x1024xf32>
    %slice3A_669 = vector.extract_strided_slice %convert_element_type3A_505 {offsets = [832, 0], sizes = [32, 1024], strides = [1, 1]} : vector<1024x1024xbf16> to vector<32x1024xbf16>
    %convert_element_type3A_670 = arith.extf %slice3A_669 : vector<32x1024xbf16> to vector<32x1024xf32>
    %mul3A_671 = vector.broadcast %slice3A_668 : vector<1x1024xf32> to vector<32x1024xf32>
    %mul3A_672 = arith.mulf %mul3A_671, %convert_element_type3A_670 : vector<32x1024xf32>
    %add3A_673 = arith.addf %add3A_667, %mul3A_672 : vector<32x1024xf32>
    %slice3A_674 = vector.extract_strided_slice %transpose3A {offsets = [91, 0], sizes = [1, 1024], strides = [1, 1]} : vector<128x1024xf32> to vector<1x1024xf32>
    %slice3A_675 = vector.extract_strided_slice %convert_element_type3A_505 {offsets = [864, 0], sizes = [32, 1024], strides = [1, 1]} : vector<1024x1024xbf16> to vector<32x1024xbf16>
    %convert_element_type3A_676 = arith.extf %slice3A_675 : vector<32x1024xbf16> to vector<32x1024xf32>
    %mul3A_677 = vector.broadcast %slice3A_674 : vector<1x1024xf32> to vector<32x1024xf32>
    %mul3A_678 = arith.mulf %mul3A_677, %convert_element_type3A_676 : vector<32x1024xf32>
    %add3A_679 = arith.addf %add3A_673, %mul3A_678 : vector<32x1024xf32>
    %slice3A_680 = vector.extract_strided_slice %transpose3A {offsets = [92, 0], sizes = [1, 1024], strides = [1, 1]} : vector<128x1024xf32> to vector<1x1024xf32>
    %slice3A_681 = vector.extract_strided_slice %convert_element_type3A_505 {offsets = [896, 0], sizes = [32, 1024], strides = [1, 1]} : vector<1024x1024xbf16> to vector<32x1024xbf16>
    %convert_element_type3A_682 = arith.extf %slice3A_681 : vector<32x1024xbf16> to vector<32x1024xf32>
    %mul3A_683 = vector.broadcast %slice3A_680 : vector<1x1024xf32> to vector<32x1024xf32>
    %mul3A_684 = arith.mulf %mul3A_683, %convert_element_type3A_682 : vector<32x1024xf32>
    %add3A_685 = arith.addf %add3A_679, %mul3A_684 : vector<32x1024xf32>
    %slice3A_686 = vector.extract_strided_slice %transpose3A {offsets = [93, 0], sizes = [1, 1024], strides = [1, 1]} : vector<128x1024xf32> to vector<1x1024xf32>
    %slice3A_687 = vector.extract_strided_slice %convert_element_type3A_505 {offsets = [928, 0], sizes = [32, 1024], strides = [1, 1]} : vector<1024x1024xbf16> to vector<32x1024xbf16>
    %convert_element_type3A_688 = arith.extf %slice3A_687 : vector<32x1024xbf16> to vector<32x1024xf32>
    %mul3A_689 = vector.broadcast %slice3A_686 : vector<1x1024xf32> to vector<32x1024xf32>
    %mul3A_690 = arith.mulf %mul3A_689, %convert_element_type3A_688 : vector<32x1024xf32>
    %add3A_691 = arith.addf %add3A_685, %mul3A_690 : vector<32x1024xf32>
    %slice3A_692 = vector.extract_strided_slice %transpose3A {offsets = [94, 0], sizes = [1, 1024], strides = [1, 1]} : vector<128x1024xf32> to vector<1x1024xf32>
    %slice3A_693 = vector.extract_strided_slice %convert_element_type3A_505 {offsets = [960, 0], sizes = [32, 1024], strides = [1, 1]} : vector<1024x1024xbf16> to vector<32x1024xbf16>
    %convert_element_type3A_694 = arith.extf %slice3A_693 : vector<32x1024xbf16> to vector<32x1024xf32>
    %mul3A_695 = vector.broadcast %slice3A_692 : vector<1x1024xf32> to vector<32x1024xf32>
    %mul3A_696 = arith.mulf %mul3A_695, %convert_element_type3A_694 : vector<32x1024xf32>
    %add3A_697 = arith.addf %add3A_691, %mul3A_696 : vector<32x1024xf32>
    %slice3A_698 = vector.extract_strided_slice %transpose3A {offsets = [95, 0], sizes = [1, 1024], strides = [1, 1]} : vector<128x1024xf32> to vector<1x1024xf32>
    %slice3A_699 = vector.extract_strided_slice %convert_element_type3A_505 {offsets = [992, 0], sizes = [32, 1024], strides = [1, 1]} : vector<1024x1024xbf16> to vector<32x1024xbf16>
    %convert_element_type3A_700 = arith.extf %slice3A_699 : vector<32x1024xbf16> to vector<32x1024xf32>
    %mul3A_701 = vector.broadcast %slice3A_698 : vector<1x1024xf32> to vector<32x1024xf32>
    %mul3A_702 = arith.mulf %mul3A_701, %convert_element_type3A_700 : vector<32x1024xf32>
    %add3A_703 = arith.addf %add3A_697, %mul3A_702 : vector<32x1024xf32>
    %get3A_704 = arith.constant 0 : index
    %get3A_705 = arith.constant 0 : index
    %get3A_706 = vector.load %arg3[%get3A_704, %get3A_705] : memref<128x16xf32, #tpu.memory_space<vmem>>, vector<128x16xf32>
    %get3A_707 = arith.constant 3 : index
    %get3A_708 = arith.constant 0 : index
    %get3A_709 = arith.constant 0 : index
    %get3A_710 = vector.load %arg1[%get3A_707, %get3A_708, %get3A_709] : memref<4x16x1024xf32, #tpu.memory_space<vmem>>, vector<1x16x1024xf32>
    %get3A_711 = vector.shape_cast %get3A_710 : vector<1x16x1024xf32> to vector<16x1024xf32>
    %dot_general3A_712 = arith.constant dense<0.000000e+00> : vector<128x1024xf32>
    %dot_general3A_713 = tpu.matmul %get3A_706, %get3A_711, %dot_general3A_712 {dimension_numbers = #tpu.dot_dimension_numbers<[1], [0], [0], [1], [0, 0, 1, 1], [], []>, transpose_lhs_hint = false} : vector<128x16xf32>, vector<16x1024xf32>, vector<128x1024xf32> -> vector<128x1024xf32>
    %get3A_714 = arith.constant 0 : index
    %get3A_715 = arith.constant 0 : index
    %get3A_716 = vector.load %arg4[%get3A_714, %get3A_715] : memref<128x1xf32, #tpu.memory_space<vmem>>, vector<128x1xf32>
    %add3A_717 = vector.broadcast %get3A_716 : vector<128x1xf32> to vector<128x1024xf32>
    %add3A_718 = arith.addf %dot_general3A_713, %add3A_717 : vector<128x1024xf32>
    %max3A_719 = arith.constant 0.000000e+00 : f32
    %max3A_720 = vector.broadcast %max3A_719 : f32 to vector<128x1024xf32>
    %max3A_721 = arith.maximumf %add3A_718, %max3A_720 : vector<128x1024xf32>
    %get3A_722 = arith.constant 0 : index
    %get3A_723 = arith.constant 0 : index
    %get3A_724 = vector.load %arg5[%get3A_722, %get3A_723] : memref<128x128xf32, #tpu.memory_space<vmem>>, vector<128x128xf32>
    %dot_general3A_725 = arith.constant dense<0.000000e+00> : vector<128x1024xf32>
    %dot_general3A_726 = tpu.matmul %get3A_724, %max3A_721, %dot_general3A_725 {dimension_numbers = #tpu.dot_dimension_numbers<[1], [0], [0], [1], [0, 0, 1, 1], [], []>, transpose_lhs_hint = false} : vector<128x128xf32>, vector<128x1024xf32>, vector<128x1024xf32> -> vector<128x1024xf32>
    %get3A_727 = arith.constant 0 : index
    %get3A_728 = arith.constant 0 : index
    %get3A_729 = vector.load %arg6[%get3A_727, %get3A_728] : memref<128x1xf32, #tpu.memory_space<vmem>>, vector<128x1xf32>
    %add3A_730 = vector.broadcast %get3A_729 : vector<128x1xf32> to vector<128x1024xf32>
    %add3A_731 = arith.addf %dot_general3A_726, %add3A_730 : vector<128x1024xf32>
    %max3A_732 = arith.constant 0.000000e+00 : f32
    %max3A_733 = vector.broadcast %max3A_732 : f32 to vector<128x1024xf32>
    %max3A_734 = arith.maximumf %add3A_731, %max3A_733 : vector<128x1024xf32>
    %get3A_735 = arith.constant 0 : index
    %get3A_736 = arith.constant 0 : index
    %get3A_737 = vector.load %arg7[%get3A_735, %get3A_736] : memref<1024x128xbf16, #tpu.memory_space<vmem>>, vector<1024x128xbf16>
    %convert_element_type3A_738 = arith.truncf %max3A_734 : vector<128x1024xf32> to vector<128x1024xbf16>
    %dot_general3A_739 = arith.constant dense<0.000000e+00> : vector<1024x1024xf32>
    %dot_general3A_740 = tpu.matmul %get3A_737, %convert_element_type3A_738, %dot_general3A_739 {dimension_numbers = #tpu.dot_dimension_numbers<[1], [0], [0], [1], [0, 0, 1, 1], [], []>, transpose_lhs_hint = false} : vector<1024x128xbf16>, vector<128x1024xbf16>, vector<1024x1024xf32> -> vector<1024x1024xf32>
    %convert_element_type3A_741 = arith.truncf %dot_general3A_740 : vector<1024x1024xf32> to vector<1024x1024xbf16>
    %get3A_742 = arith.constant 0 : index
    %get3A_743 = arith.constant 0 : index
    %get3A_744 = vector.load %arg8[%get3A_742, %get3A_743] : memref<32x32xf32, #tpu.memory_space<vmem>>, vector<32x32xf32>
    %slice3A_745 = vector.extract_strided_slice %transpose3A {offsets = [96, 0], sizes = [32, 1024], strides = [1, 1]} : vector<128x1024xf32> to vector<32x1024xf32>
    %dot_general3A_746 = arith.constant dense<0.000000e+00> : vector<32x1024xf32>
    %dot_general3A_747 = tpu.matmul %get3A_744, %slice3A_745, %dot_general3A_746 {dimension_numbers = #tpu.dot_dimension_numbers<[1], [0], [0], [1], [0, 0, 1, 1], [], []>, transpose_lhs_hint = false} : vector<32x32xf32>, vector<32x1024xf32>, vector<32x1024xf32> -> vector<32x1024xf32>
    %slice3A_748 = vector.extract_strided_slice %transpose3A {offsets = [96, 0], sizes = [1, 1024], strides = [1, 1]} : vector<128x1024xf32> to vector<1x1024xf32>
    %slice3A_749 = vector.extract_strided_slice %convert_element_type3A_741 {offsets = [0, 0], sizes = [32, 1024], strides = [1, 1]} : vector<1024x1024xbf16> to vector<32x1024xbf16>
    %convert_element_type3A_750 = arith.extf %slice3A_749 : vector<32x1024xbf16> to vector<32x1024xf32>
    %mul3A_751 = vector.broadcast %slice3A_748 : vector<1x1024xf32> to vector<32x1024xf32>
    %mul3A_752 = arith.mulf %mul3A_751, %convert_element_type3A_750 : vector<32x1024xf32>
    %add3A_753 = arith.addf %dot_general3A_747, %mul3A_752 : vector<32x1024xf32>
    %slice3A_754 = vector.extract_strided_slice %transpose3A {offsets = [97, 0], sizes = [1, 1024], strides = [1, 1]} : vector<128x1024xf32> to vector<1x1024xf32>
    %slice3A_755 = vector.extract_strided_slice %convert_element_type3A_741 {offsets = [32, 0], sizes = [32, 1024], strides = [1, 1]} : vector<1024x1024xbf16> to vector<32x1024xbf16>
    %convert_element_type3A_756 = arith.extf %slice3A_755 : vector<32x1024xbf16> to vector<32x1024xf32>
    %mul3A_757 = vector.broadcast %slice3A_754 : vector<1x1024xf32> to vector<32x1024xf32>
    %mul3A_758 = arith.mulf %mul3A_757, %convert_element_type3A_756 : vector<32x1024xf32>
    %add3A_759 = arith.addf %add3A_753, %mul3A_758 : vector<32x1024xf32>
    %slice3A_760 = vector.extract_strided_slice %transpose3A {offsets = [98, 0], sizes = [1, 1024], strides = [1, 1]} : vector<128x1024xf32> to vector<1x1024xf32>
    %slice3A_761 = vector.extract_strided_slice %convert_element_type3A_741 {offsets = [64, 0], sizes = [32, 1024], strides = [1, 1]} : vector<1024x1024xbf16> to vector<32x1024xbf16>
    %convert_element_type3A_762 = arith.extf %slice3A_761 : vector<32x1024xbf16> to vector<32x1024xf32>
    %mul3A_763 = vector.broadcast %slice3A_760 : vector<1x1024xf32> to vector<32x1024xf32>
    %mul3A_764 = arith.mulf %mul3A_763, %convert_element_type3A_762 : vector<32x1024xf32>
    %add3A_765 = arith.addf %add3A_759, %mul3A_764 : vector<32x1024xf32>
    %slice3A_766 = vector.extract_strided_slice %transpose3A {offsets = [99, 0], sizes = [1, 1024], strides = [1, 1]} : vector<128x1024xf32> to vector<1x1024xf32>
    %slice3A_767 = vector.extract_strided_slice %convert_element_type3A_741 {offsets = [96, 0], sizes = [32, 1024], strides = [1, 1]} : vector<1024x1024xbf16> to vector<32x1024xbf16>
    %convert_element_type3A_768 = arith.extf %slice3A_767 : vector<32x1024xbf16> to vector<32x1024xf32>
    %mul3A_769 = vector.broadcast %slice3A_766 : vector<1x1024xf32> to vector<32x1024xf32>
    %mul3A_770 = arith.mulf %mul3A_769, %convert_element_type3A_768 : vector<32x1024xf32>
    %add3A_771 = arith.addf %add3A_765, %mul3A_770 : vector<32x1024xf32>
    %slice3A_772 = vector.extract_strided_slice %transpose3A {offsets = [100, 0], sizes = [1, 1024], strides = [1, 1]} : vector<128x1024xf32> to vector<1x1024xf32>
    %slice3A_773 = vector.extract_strided_slice %convert_element_type3A_741 {offsets = [128, 0], sizes = [32, 1024], strides = [1, 1]} : vector<1024x1024xbf16> to vector<32x1024xbf16>
    %convert_element_type3A_774 = arith.extf %slice3A_773 : vector<32x1024xbf16> to vector<32x1024xf32>
    %mul3A_775 = vector.broadcast %slice3A_772 : vector<1x1024xf32> to vector<32x1024xf32>
    %mul3A_776 = arith.mulf %mul3A_775, %convert_element_type3A_774 : vector<32x1024xf32>
    %add3A_777 = arith.addf %add3A_771, %mul3A_776 : vector<32x1024xf32>
    %slice3A_778 = vector.extract_strided_slice %transpose3A {offsets = [101, 0], sizes = [1, 1024], strides = [1, 1]} : vector<128x1024xf32> to vector<1x1024xf32>
    %slice3A_779 = vector.extract_strided_slice %convert_element_type3A_741 {offsets = [160, 0], sizes = [32, 1024], strides = [1, 1]} : vector<1024x1024xbf16> to vector<32x1024xbf16>
    %convert_element_type3A_780 = arith.extf %slice3A_779 : vector<32x1024xbf16> to vector<32x1024xf32>
    %mul3A_781 = vector.broadcast %slice3A_778 : vector<1x1024xf32> to vector<32x1024xf32>
    %mul3A_782 = arith.mulf %mul3A_781, %convert_element_type3A_780 : vector<32x1024xf32>
    %add3A_783 = arith.addf %add3A_777, %mul3A_782 : vector<32x1024xf32>
    %slice3A_784 = vector.extract_strided_slice %transpose3A {offsets = [102, 0], sizes = [1, 1024], strides = [1, 1]} : vector<128x1024xf32> to vector<1x1024xf32>
    %slice3A_785 = vector.extract_strided_slice %convert_element_type3A_741 {offsets = [192, 0], sizes = [32, 1024], strides = [1, 1]} : vector<1024x1024xbf16> to vector<32x1024xbf16>
    %convert_element_type3A_786 = arith.extf %slice3A_785 : vector<32x1024xbf16> to vector<32x1024xf32>
    %mul3A_787 = vector.broadcast %slice3A_784 : vector<1x1024xf32> to vector<32x1024xf32>
    %mul3A_788 = arith.mulf %mul3A_787, %convert_element_type3A_786 : vector<32x1024xf32>
    %add3A_789 = arith.addf %add3A_783, %mul3A_788 : vector<32x1024xf32>
    %slice3A_790 = vector.extract_strided_slice %transpose3A {offsets = [103, 0], sizes = [1, 1024], strides = [1, 1]} : vector<128x1024xf32> to vector<1x1024xf32>
    %slice3A_791 = vector.extract_strided_slice %convert_element_type3A_741 {offsets = [224, 0], sizes = [32, 1024], strides = [1, 1]} : vector<1024x1024xbf16> to vector<32x1024xbf16>
    %convert_element_type3A_792 = arith.extf %slice3A_791 : vector<32x1024xbf16> to vector<32x1024xf32>
    %mul3A_793 = vector.broadcast %slice3A_790 : vector<1x1024xf32> to vector<32x1024xf32>
    %mul3A_794 = arith.mulf %mul3A_793, %convert_element_type3A_792 : vector<32x1024xf32>
    %add3A_795 = arith.addf %add3A_789, %mul3A_794 : vector<32x1024xf32>
    %slice3A_796 = vector.extract_strided_slice %transpose3A {offsets = [104, 0], sizes = [1, 1024], strides = [1, 1]} : vector<128x1024xf32> to vector<1x1024xf32>
    %slice3A_797 = vector.extract_strided_slice %convert_element_type3A_741 {offsets = [256, 0], sizes = [32, 1024], strides = [1, 1]} : vector<1024x1024xbf16> to vector<32x1024xbf16>
    %convert_element_type3A_798 = arith.extf %slice3A_797 : vector<32x1024xbf16> to vector<32x1024xf32>
    %mul3A_799 = vector.broadcast %slice3A_796 : vector<1x1024xf32> to vector<32x1024xf32>
    %mul3A_800 = arith.mulf %mul3A_799, %convert_element_type3A_798 : vector<32x1024xf32>
    %add3A_801 = arith.addf %add3A_795, %mul3A_800 : vector<32x1024xf32>
    %slice3A_802 = vector.extract_strided_slice %transpose3A {offsets = [105, 0], sizes = [1, 1024], strides = [1, 1]} : vector<128x1024xf32> to vector<1x1024xf32>
    %slice3A_803 = vector.extract_strided_slice %convert_element_type3A_741 {offsets = [288, 0], sizes = [32, 1024], strides = [1, 1]} : vector<1024x1024xbf16> to vector<32x1024xbf16>
    %convert_element_type3A_804 = arith.extf %slice3A_803 : vector<32x1024xbf16> to vector<32x1024xf32>
    %mul3A_805 = vector.broadcast %slice3A_802 : vector<1x1024xf32> to vector<32x1024xf32>
    %mul3A_806 = arith.mulf %mul3A_805, %convert_element_type3A_804 : vector<32x1024xf32>
    %add3A_807 = arith.addf %add3A_801, %mul3A_806 : vector<32x1024xf32>
    %slice3A_808 = vector.extract_strided_slice %transpose3A {offsets = [106, 0], sizes = [1, 1024], strides = [1, 1]} : vector<128x1024xf32> to vector<1x1024xf32>
    %slice3A_809 = vector.extract_strided_slice %convert_element_type3A_741 {offsets = [320, 0], sizes = [32, 1024], strides = [1, 1]} : vector<1024x1024xbf16> to vector<32x1024xbf16>
    %convert_element_type3A_810 = arith.extf %slice3A_809 : vector<32x1024xbf16> to vector<32x1024xf32>
    %mul3A_811 = vector.broadcast %slice3A_808 : vector<1x1024xf32> to vector<32x1024xf32>
    %mul3A_812 = arith.mulf %mul3A_811, %convert_element_type3A_810 : vector<32x1024xf32>
    %add3A_813 = arith.addf %add3A_807, %mul3A_812 : vector<32x1024xf32>
    %slice3A_814 = vector.extract_strided_slice %transpose3A {offsets = [107, 0], sizes = [1, 1024], strides = [1, 1]} : vector<128x1024xf32> to vector<1x1024xf32>
    %slice3A_815 = vector.extract_strided_slice %convert_element_type3A_741 {offsets = [352, 0], sizes = [32, 1024], strides = [1, 1]} : vector<1024x1024xbf16> to vector<32x1024xbf16>
    %convert_element_type3A_816 = arith.extf %slice3A_815 : vector<32x1024xbf16> to vector<32x1024xf32>
    %mul3A_817 = vector.broadcast %slice3A_814 : vector<1x1024xf32> to vector<32x1024xf32>
    %mul3A_818 = arith.mulf %mul3A_817, %convert_element_type3A_816 : vector<32x1024xf32>
    %add3A_819 = arith.addf %add3A_813, %mul3A_818 : vector<32x1024xf32>
    %slice3A_820 = vector.extract_strided_slice %transpose3A {offsets = [108, 0], sizes = [1, 1024], strides = [1, 1]} : vector<128x1024xf32> to vector<1x1024xf32>
    %slice3A_821 = vector.extract_strided_slice %convert_element_type3A_741 {offsets = [384, 0], sizes = [32, 1024], strides = [1, 1]} : vector<1024x1024xbf16> to vector<32x1024xbf16>
    %convert_element_type3A_822 = arith.extf %slice3A_821 : vector<32x1024xbf16> to vector<32x1024xf32>
    %mul3A_823 = vector.broadcast %slice3A_820 : vector<1x1024xf32> to vector<32x1024xf32>
    %mul3A_824 = arith.mulf %mul3A_823, %convert_element_type3A_822 : vector<32x1024xf32>
    %add3A_825 = arith.addf %add3A_819, %mul3A_824 : vector<32x1024xf32>
    %slice3A_826 = vector.extract_strided_slice %transpose3A {offsets = [109, 0], sizes = [1, 1024], strides = [1, 1]} : vector<128x1024xf32> to vector<1x1024xf32>
    %slice3A_827 = vector.extract_strided_slice %convert_element_type3A_741 {offsets = [416, 0], sizes = [32, 1024], strides = [1, 1]} : vector<1024x1024xbf16> to vector<32x1024xbf16>
    %convert_element_type3A_828 = arith.extf %slice3A_827 : vector<32x1024xbf16> to vector<32x1024xf32>
    %mul3A_829 = vector.broadcast %slice3A_826 : vector<1x1024xf32> to vector<32x1024xf32>
    %mul3A_830 = arith.mulf %mul3A_829, %convert_element_type3A_828 : vector<32x1024xf32>
    %add3A_831 = arith.addf %add3A_825, %mul3A_830 : vector<32x1024xf32>
    %slice3A_832 = vector.extract_strided_slice %transpose3A {offsets = [110, 0], sizes = [1, 1024], strides = [1, 1]} : vector<128x1024xf32> to vector<1x1024xf32>
    %slice3A_833 = vector.extract_strided_slice %convert_element_type3A_741 {offsets = [448, 0], sizes = [32, 1024], strides = [1, 1]} : vector<1024x1024xbf16> to vector<32x1024xbf16>
    %convert_element_type3A_834 = arith.extf %slice3A_833 : vector<32x1024xbf16> to vector<32x1024xf32>
    %mul3A_835 = vector.broadcast %slice3A_832 : vector<1x1024xf32> to vector<32x1024xf32>
    %mul3A_836 = arith.mulf %mul3A_835, %convert_element_type3A_834 : vector<32x1024xf32>
    %add3A_837 = arith.addf %add3A_831, %mul3A_836 : vector<32x1024xf32>
    %slice3A_838 = vector.extract_strided_slice %transpose3A {offsets = [111, 0], sizes = [1, 1024], strides = [1, 1]} : vector<128x1024xf32> to vector<1x1024xf32>
    %slice3A_839 = vector.extract_strided_slice %convert_element_type3A_741 {offsets = [480, 0], sizes = [32, 1024], strides = [1, 1]} : vector<1024x1024xbf16> to vector<32x1024xbf16>
    %convert_element_type3A_840 = arith.extf %slice3A_839 : vector<32x1024xbf16> to vector<32x1024xf32>
    %mul3A_841 = vector.broadcast %slice3A_838 : vector<1x1024xf32> to vector<32x1024xf32>
    %mul3A_842 = arith.mulf %mul3A_841, %convert_element_type3A_840 : vector<32x1024xf32>
    %add3A_843 = arith.addf %add3A_837, %mul3A_842 : vector<32x1024xf32>
    %slice3A_844 = vector.extract_strided_slice %transpose3A {offsets = [112, 0], sizes = [1, 1024], strides = [1, 1]} : vector<128x1024xf32> to vector<1x1024xf32>
    %slice3A_845 = vector.extract_strided_slice %convert_element_type3A_741 {offsets = [512, 0], sizes = [32, 1024], strides = [1, 1]} : vector<1024x1024xbf16> to vector<32x1024xbf16>
    %convert_element_type3A_846 = arith.extf %slice3A_845 : vector<32x1024xbf16> to vector<32x1024xf32>
    %mul3A_847 = vector.broadcast %slice3A_844 : vector<1x1024xf32> to vector<32x1024xf32>
    %mul3A_848 = arith.mulf %mul3A_847, %convert_element_type3A_846 : vector<32x1024xf32>
    %add3A_849 = arith.addf %add3A_843, %mul3A_848 : vector<32x1024xf32>
    %slice3A_850 = vector.extract_strided_slice %transpose3A {offsets = [113, 0], sizes = [1, 1024], strides = [1, 1]} : vector<128x1024xf32> to vector<1x1024xf32>
    %slice3A_851 = vector.extract_strided_slice %convert_element_type3A_741 {offsets = [544, 0], sizes = [32, 1024], strides = [1, 1]} : vector<1024x1024xbf16> to vector<32x1024xbf16>
    %convert_element_type3A_852 = arith.extf %slice3A_851 : vector<32x1024xbf16> to vector<32x1024xf32>
    %mul3A_853 = vector.broadcast %slice3A_850 : vector<1x1024xf32> to vector<32x1024xf32>
    %mul3A_854 = arith.mulf %mul3A_853, %convert_element_type3A_852 : vector<32x1024xf32>
    %add3A_855 = arith.addf %add3A_849, %mul3A_854 : vector<32x1024xf32>
    %slice3A_856 = vector.extract_strided_slice %transpose3A {offsets = [114, 0], sizes = [1, 1024], strides = [1, 1]} : vector<128x1024xf32> to vector<1x1024xf32>
    %slice3A_857 = vector.extract_strided_slice %convert_element_type3A_741 {offsets = [576, 0], sizes = [32, 1024], strides = [1, 1]} : vector<1024x1024xbf16> to vector<32x1024xbf16>
    %convert_element_type3A_858 = arith.extf %slice3A_857 : vector<32x1024xbf16> to vector<32x1024xf32>
    %mul3A_859 = vector.broadcast %slice3A_856 : vector<1x1024xf32> to vector<32x1024xf32>
    %mul3A_860 = arith.mulf %mul3A_859, %convert_element_type3A_858 : vector<32x1024xf32>
    %add3A_861 = arith.addf %add3A_855, %mul3A_860 : vector<32x1024xf32>
    %slice3A_862 = vector.extract_strided_slice %transpose3A {offsets = [115, 0], sizes = [1, 1024], strides = [1, 1]} : vector<128x1024xf32> to vector<1x1024xf32>
    %slice3A_863 = vector.extract_strided_slice %convert_element_type3A_741 {offsets = [608, 0], sizes = [32, 1024], strides = [1, 1]} : vector<1024x1024xbf16> to vector<32x1024xbf16>
    %convert_element_type3A_864 = arith.extf %slice3A_863 : vector<32x1024xbf16> to vector<32x1024xf32>
    %mul3A_865 = vector.broadcast %slice3A_862 : vector<1x1024xf32> to vector<32x1024xf32>
    %mul3A_866 = arith.mulf %mul3A_865, %convert_element_type3A_864 : vector<32x1024xf32>
    %add3A_867 = arith.addf %add3A_861, %mul3A_866 : vector<32x1024xf32>
    %slice3A_868 = vector.extract_strided_slice %transpose3A {offsets = [116, 0], sizes = [1, 1024], strides = [1, 1]} : vector<128x1024xf32> to vector<1x1024xf32>
    %slice3A_869 = vector.extract_strided_slice %convert_element_type3A_741 {offsets = [640, 0], sizes = [32, 1024], strides = [1, 1]} : vector<1024x1024xbf16> to vector<32x1024xbf16>
    %convert_element_type3A_870 = arith.extf %slice3A_869 : vector<32x1024xbf16> to vector<32x1024xf32>
    %mul3A_871 = vector.broadcast %slice3A_868 : vector<1x1024xf32> to vector<32x1024xf32>
    %mul3A_872 = arith.mulf %mul3A_871, %convert_element_type3A_870 : vector<32x1024xf32>
    %add3A_873 = arith.addf %add3A_867, %mul3A_872 : vector<32x1024xf32>
    %slice3A_874 = vector.extract_strided_slice %transpose3A {offsets = [117, 0], sizes = [1, 1024], strides = [1, 1]} : vector<128x1024xf32> to vector<1x1024xf32>
    %slice3A_875 = vector.extract_strided_slice %convert_element_type3A_741 {offsets = [672, 0], sizes = [32, 1024], strides = [1, 1]} : vector<1024x1024xbf16> to vector<32x1024xbf16>
    %convert_element_type3A_876 = arith.extf %slice3A_875 : vector<32x1024xbf16> to vector<32x1024xf32>
    %mul3A_877 = vector.broadcast %slice3A_874 : vector<1x1024xf32> to vector<32x1024xf32>
    %mul3A_878 = arith.mulf %mul3A_877, %convert_element_type3A_876 : vector<32x1024xf32>
    %add3A_879 = arith.addf %add3A_873, %mul3A_878 : vector<32x1024xf32>
    %slice3A_880 = vector.extract_strided_slice %transpose3A {offsets = [118, 0], sizes = [1, 1024], strides = [1, 1]} : vector<128x1024xf32> to vector<1x1024xf32>
    %slice3A_881 = vector.extract_strided_slice %convert_element_type3A_741 {offsets = [704, 0], sizes = [32, 1024], strides = [1, 1]} : vector<1024x1024xbf16> to vector<32x1024xbf16>
    %convert_element_type3A_882 = arith.extf %slice3A_881 : vector<32x1024xbf16> to vector<32x1024xf32>
    %mul3A_883 = vector.broadcast %slice3A_880 : vector<1x1024xf32> to vector<32x1024xf32>
    %mul3A_884 = arith.mulf %mul3A_883, %convert_element_type3A_882 : vector<32x1024xf32>
    %add3A_885 = arith.addf %add3A_879, %mul3A_884 : vector<32x1024xf32>
    %slice3A_886 = vector.extract_strided_slice %transpose3A {offsets = [119, 0], sizes = [1, 1024], strides = [1, 1]} : vector<128x1024xf32> to vector<1x1024xf32>
    %slice3A_887 = vector.extract_strided_slice %convert_element_type3A_741 {offsets = [736, 0], sizes = [32, 1024], strides = [1, 1]} : vector<1024x1024xbf16> to vector<32x1024xbf16>
    %convert_element_type3A_888 = arith.extf %slice3A_887 : vector<32x1024xbf16> to vector<32x1024xf32>
    %mul3A_889 = vector.broadcast %slice3A_886 : vector<1x1024xf32> to vector<32x1024xf32>
    %mul3A_890 = arith.mulf %mul3A_889, %convert_element_type3A_888 : vector<32x1024xf32>
    %add3A_891 = arith.addf %add3A_885, %mul3A_890 : vector<32x1024xf32>
    %slice3A_892 = vector.extract_strided_slice %transpose3A {offsets = [120, 0], sizes = [1, 1024], strides = [1, 1]} : vector<128x1024xf32> to vector<1x1024xf32>
    %slice3A_893 = vector.extract_strided_slice %convert_element_type3A_741 {offsets = [768, 0], sizes = [32, 1024], strides = [1, 1]} : vector<1024x1024xbf16> to vector<32x1024xbf16>
    %convert_element_type3A_894 = arith.extf %slice3A_893 : vector<32x1024xbf16> to vector<32x1024xf32>
    %mul3A_895 = vector.broadcast %slice3A_892 : vector<1x1024xf32> to vector<32x1024xf32>
    %mul3A_896 = arith.mulf %mul3A_895, %convert_element_type3A_894 : vector<32x1024xf32>
    %add3A_897 = arith.addf %add3A_891, %mul3A_896 : vector<32x1024xf32>
    %slice3A_898 = vector.extract_strided_slice %transpose3A {offsets = [121, 0], sizes = [1, 1024], strides = [1, 1]} : vector<128x1024xf32> to vector<1x1024xf32>
    %slice3A_899 = vector.extract_strided_slice %convert_element_type3A_741 {offsets = [800, 0], sizes = [32, 1024], strides = [1, 1]} : vector<1024x1024xbf16> to vector<32x1024xbf16>
    %convert_element_type3A_900 = arith.extf %slice3A_899 : vector<32x1024xbf16> to vector<32x1024xf32>
    %mul3A_901 = vector.broadcast %slice3A_898 : vector<1x1024xf32> to vector<32x1024xf32>
    %mul3A_902 = arith.mulf %mul3A_901, %convert_element_type3A_900 : vector<32x1024xf32>
    %add3A_903 = arith.addf %add3A_897, %mul3A_902 : vector<32x1024xf32>
    %slice3A_904 = vector.extract_strided_slice %transpose3A {offsets = [122, 0], sizes = [1, 1024], strides = [1, 1]} : vector<128x1024xf32> to vector<1x1024xf32>
    %slice3A_905 = vector.extract_strided_slice %convert_element_type3A_741 {offsets = [832, 0], sizes = [32, 1024], strides = [1, 1]} : vector<1024x1024xbf16> to vector<32x1024xbf16>
    %convert_element_type3A_906 = arith.extf %slice3A_905 : vector<32x1024xbf16> to vector<32x1024xf32>
    %mul3A_907 = vector.broadcast %slice3A_904 : vector<1x1024xf32> to vector<32x1024xf32>
    %mul3A_908 = arith.mulf %mul3A_907, %convert_element_type3A_906 : vector<32x1024xf32>
    %add3A_909 = arith.addf %add3A_903, %mul3A_908 : vector<32x1024xf32>
    %slice3A_910 = vector.extract_strided_slice %transpose3A {offsets = [123, 0], sizes = [1, 1024], strides = [1, 1]} : vector<128x1024xf32> to vector<1x1024xf32>
    %slice3A_911 = vector.extract_strided_slice %convert_element_type3A_741 {offsets = [864, 0], sizes = [32, 1024], strides = [1, 1]} : vector<1024x1024xbf16> to vector<32x1024xbf16>
    %convert_element_type3A_912 = arith.extf %slice3A_911 : vector<32x1024xbf16> to vector<32x1024xf32>
    %mul3A_913 = vector.broadcast %slice3A_910 : vector<1x1024xf32> to vector<32x1024xf32>
    %mul3A_914 = arith.mulf %mul3A_913, %convert_element_type3A_912 : vector<32x1024xf32>
    %add3A_915 = arith.addf %add3A_909, %mul3A_914 : vector<32x1024xf32>
    %slice3A_916 = vector.extract_strided_slice %transpose3A {offsets = [124, 0], sizes = [1, 1024], strides = [1, 1]} : vector<128x1024xf32> to vector<1x1024xf32>
    %slice3A_917 = vector.extract_strided_slice %convert_element_type3A_741 {offsets = [896, 0], sizes = [32, 1024], strides = [1, 1]} : vector<1024x1024xbf16> to vector<32x1024xbf16>
    %convert_element_type3A_918 = arith.extf %slice3A_917 : vector<32x1024xbf16> to vector<32x1024xf32>
    %mul3A_919 = vector.broadcast %slice3A_916 : vector<1x1024xf32> to vector<32x1024xf32>
    %mul3A_920 = arith.mulf %mul3A_919, %convert_element_type3A_918 : vector<32x1024xf32>
    %add3A_921 = arith.addf %add3A_915, %mul3A_920 : vector<32x1024xf32>
    %slice3A_922 = vector.extract_strided_slice %transpose3A {offsets = [125, 0], sizes = [1, 1024], strides = [1, 1]} : vector<128x1024xf32> to vector<1x1024xf32>
    %slice3A_923 = vector.extract_strided_slice %convert_element_type3A_741 {offsets = [928, 0], sizes = [32, 1024], strides = [1, 1]} : vector<1024x1024xbf16> to vector<32x1024xbf16>
    %convert_element_type3A_924 = arith.extf %slice3A_923 : vector<32x1024xbf16> to vector<32x1024xf32>
    %mul3A_925 = vector.broadcast %slice3A_922 : vector<1x1024xf32> to vector<32x1024xf32>
    %mul3A_926 = arith.mulf %mul3A_925, %convert_element_type3A_924 : vector<32x1024xf32>
    %add3A_927 = arith.addf %add3A_921, %mul3A_926 : vector<32x1024xf32>
    %slice3A_928 = vector.extract_strided_slice %transpose3A {offsets = [126, 0], sizes = [1, 1024], strides = [1, 1]} : vector<128x1024xf32> to vector<1x1024xf32>
    %slice3A_929 = vector.extract_strided_slice %convert_element_type3A_741 {offsets = [960, 0], sizes = [32, 1024], strides = [1, 1]} : vector<1024x1024xbf16> to vector<32x1024xbf16>
    %convert_element_type3A_930 = arith.extf %slice3A_929 : vector<32x1024xbf16> to vector<32x1024xf32>
    %mul3A_931 = vector.broadcast %slice3A_928 : vector<1x1024xf32> to vector<32x1024xf32>
    %mul3A_932 = arith.mulf %mul3A_931, %convert_element_type3A_930 : vector<32x1024xf32>
    %add3A_933 = arith.addf %add3A_927, %mul3A_932 : vector<32x1024xf32>
    %slice3A_934 = vector.extract_strided_slice %transpose3A {offsets = [127, 0], sizes = [1, 1024], strides = [1, 1]} : vector<128x1024xf32> to vector<1x1024xf32>
    %slice3A_935 = vector.extract_strided_slice %convert_element_type3A_741 {offsets = [992, 0], sizes = [32, 1024], strides = [1, 1]} : vector<1024x1024xbf16> to vector<32x1024xbf16>
    %convert_element_type3A_936 = arith.extf %slice3A_935 : vector<32x1024xbf16> to vector<32x1024xf32>
    %mul3A_937 = vector.broadcast %slice3A_934 : vector<1x1024xf32> to vector<32x1024xf32>
    %mul3A_938 = arith.mulf %mul3A_937, %convert_element_type3A_936 : vector<32x1024xf32>
    %add3A_939 = arith.addf %add3A_933, %mul3A_938 : vector<32x1024xf32>
    %concatenate3A = tpu.concatenate %add3A_231, %add3A_467, %add3A_703, %add3A_939 in 0 : vector<32x1024xf32>, vector<32x1024xf32>, vector<32x1024xf32>, vector<32x1024xf32> -> vector<128x1024xf32>
    %transpose3A_940 = tpu.transpose %concatenate3A, [1, 0] : vector<128x1024xf32> -> vector<1024x128xf32>
    %swap3A = arith.constant 0 : index
    %swap3A_941 = arith.constant 0 : index
    %swap3A_942 = vector.load %arg9[%swap3A, %swap3A_941] : memref<1024x128xf32, #tpu.memory_space<vmem>>, vector<1024x128xf32>
    tpu.vector_store %arg9[%swap3A, %swap3A_941], %transpose3A_940 {strides = array<i32>} : memref<1024x128xf32, #tpu.memory_space<vmem>>, vector<1024x128xf32>,
    return
  }
  func.func @transform_0(%arg0: i32) -> (i32, i32, i32) {
    %c0_i32 = arith.constant 0 : i32
    %c0_i32_0 = arith.constant 0 : i32
    %c0_i32_1 = arith.constant 0 : i32
    return %c0_i32, %c0_i32_0, %arg0 : i32, i32, i32
  }
  func.func @transform_1(%arg0: i32) -> (i32, i32) {
    %c0_i32 = arith.constant 0 : i32
    %c0_i32_0 = arith.constant 0 : i32
    return %arg0, %c0_i32 : i32, i32
  }
  func.func @transform_2(%arg0: i32) -> (i32, i32) {
    %c0_i32 = arith.constant 0 : i32
    %c0_i32_0 = arith.constant 0 : i32
    %c0_i32_1 = arith.constant 0 : i32
    return %c0_i32, %c0_i32_0 : i32, i32
  }
  func.func @transform_3(%arg0: i32) -> (i32, i32) {
    %c0_i32 = arith.constant 0 : i32
    %c0_i32_0 = arith.constant 0 : i32
    %c0_i32_1 = arith.constant 0 : i32
    return %c0_i32, %c0_i32_0 : i32, i32
  }
  func.func @transform_4(%arg0: i32) -> (i32, i32) {
    %c0_i32 = arith.constant 0 : i32
    %c0_i32_0 = arith.constant 0 : i32
    %c0_i32_1 = arith.constant 0 : i32
    return %c0_i32, %c0_i32_0 : i32, i32
  }
  func.func @transform_5(%arg0: i32) -> (i32, i32) {
    %c0_i32 = arith.constant 0 : i32
    %c0_i32_0 = arith.constant 0 : i32
    %c0_i32_1 = arith.constant 0 : i32
    return %c0_i32, %c0_i32_0 : i32, i32
  }
  func.func @transform_6(%arg0: i32) -> (i32, i32) {
    %c0_i32 = arith.constant 0 : i32
    %c0_i32_0 = arith.constant 0 : i32
    %c0_i32_1 = arith.constant 0 : i32
    return %c0_i32, %c0_i32_0 : i32, i32
  }
  func.func @transform_7(%arg0: i32) -> (i32, i32) {
    %c0_i32 = arith.constant 0 : i32
    %c0_i32_0 = arith.constant 0 : i32
    %c0_i32_1 = arith.constant 0 : i32
    return %c0_i32, %c0_i32_0 : i32, i32
  }
  func.func @transform_8(%arg0: i32) -> (i32, i32) {
    %c0_i32 = arith.constant 0 : i32
    %c0_i32_0 = arith.constant 0 : i32
    return %arg0, %c0_i32 : i32, i32
  }
}

module attributes {stable_mosaic.version = 14 : i64} {
  func.func @body(%arg0: memref<2x2500x128xf32, #tpu.memory_space<vmem>>, %arg1: memref<2x2500x128xf32, #tpu.memory_space<vmem>>, %arg2: memref<2500x128xf32, #tpu.memory_space<vmem>>, %arg3: memref<128x128xf32, #tpu.memory_space<vmem>>, %arg4: memref<1x128xf32, #tpu.memory_space<vmem>>, %arg5: memref<2500x128xf32, #tpu.memory_space<vmem>>) attributes {dimension_semantics = [], scalar_prefetch = 0 : i64, scratch_operands = 0 : i64, tpu.core_type = #tpu.core_type<tc>} {
    %get3A = arith.constant 0 : index
    %get3A_0 = arith.constant 0 : index
    %get3A_1 = arith.constant 0 : index
    %get3A_2 = vector.load %arg0[%get3A, %get3A_0, %get3A_1] : memref<2x2500x128xf32, #tpu.memory_space<vmem>>, vector<1x2500x128xf32>
    %get3A_3 = vector.shape_cast %get3A_2 : vector<1x2500x128xf32> to vector<2500x128xf32>
    %get3A_4 = arith.constant 1 : index
    %get3A_5 = arith.constant 0 : index
    %get3A_6 = arith.constant 0 : index
    %get3A_7 = vector.load %arg0[%get3A_4, %get3A_5, %get3A_6] : memref<2x2500x128xf32, #tpu.memory_space<vmem>>, vector<1x2500x128xf32>
    %get3A_8 = vector.shape_cast %get3A_7 : vector<1x2500x128xf32> to vector<2500x128xf32>
    %add3A = arith.addf %get3A_3, %get3A_8 : vector<2500x128xf32>
    %get3A_9 = arith.constant 0 : index
    %get3A_10 = arith.constant 0 : index
    %get3A_11 = arith.constant 0 : index
    %get3A_12 = vector.load %arg1[%get3A_9, %get3A_10, %get3A_11] : memref<2x2500x128xf32, #tpu.memory_space<vmem>>, vector<1x2500x128xf32>
    %get3A_13 = vector.shape_cast %get3A_12 : vector<1x2500x128xf32> to vector<2500x128xf32>
    %get3A_14 = arith.constant 1 : index
    %get3A_15 = arith.constant 0 : index
    %get3A_16 = arith.constant 0 : index
    %get3A_17 = vector.load %arg1[%get3A_14, %get3A_15, %get3A_16] : memref<2x2500x128xf32, #tpu.memory_space<vmem>>, vector<1x2500x128xf32>
    %get3A_18 = vector.shape_cast %get3A_17 : vector<1x2500x128xf32> to vector<2500x128xf32>
    %add3A_19 = arith.addf %get3A_13, %get3A_18 : vector<2500x128xf32>
    %max3A = arith.constant 1.000000e+00 : f32
    %max3A_20 = vector.broadcast %max3A : f32 to vector<2500x128xf32>
    %max3A_21 = arith.maximumf %add3A_19, %max3A_20 : vector<2500x128xf32>
    %div3A = arith.constant 1.000000e+00 : f32
    %div3A_22 = vector.broadcast %div3A : f32 to vector<2500x128xf32>
    %div3A_23 = arith.divf %div3A_22, %max3A_21 : vector<2500x128xf32>
    %mul3A = arith.mulf %add3A, %div3A_23 : vector<2500x128xf32>
    %get3A_24 = arith.constant 0 : index
    %get3A_25 = arith.constant 0 : index
    %get3A_26 = vector.load %arg2[%get3A_24, %get3A_25] : memref<2500x128xf32, #tpu.memory_space<vmem>>, vector<2500x128xf32>
    %get3A_27 = arith.constant 0 : index
    %get3A_28 = arith.constant 0 : index
    %get3A_29 = vector.load %arg3[%get3A_27, %get3A_28] : memref<128x128xf32, #tpu.memory_space<vmem>>, vector<128x128xf32>
    %dot_general3A = arith.constant dense<0.000000e+00> : vector<2500x128xf32>
    %dot_general3A_30 = tpu.matmul %get3A_26, %get3A_29, %dot_general3A {dimension_numbers = #tpu.dot_dimension_numbers<[1], [0], [0], [1], [0, 0, 1, 1], [], []>, transpose_lhs_hint = false} : vector<2500x128xf32>, vector<128x128xf32>, vector<2500x128xf32> -> vector<2500x128xf32>
    %add3A_31 = arith.addf %mul3A, %dot_general3A_30 : vector<2500x128xf32>
    %get3A_32 = arith.constant 0 : index
    %get3A_33 = arith.constant 0 : index
    %get3A_34 = vector.load %arg4[%get3A_32, %get3A_33] : memref<1x128xf32, #tpu.memory_space<vmem>>, vector<1x128xf32>
    %add3A_35 = vector.broadcast %get3A_34 : vector<1x128xf32> to vector<2500x128xf32>
    %add3A_36 = arith.addf %add3A_31, %add3A_35 : vector<2500x128xf32>
    %max3A_37 = arith.constant 0.000000e+00 : f32
    %max3A_38 = vector.broadcast %max3A_37 : f32 to vector<2500x128xf32>
    %max3A_39 = arith.maximumf %add3A_36, %max3A_38 : vector<2500x128xf32>
    %swap3A = arith.constant 0 : index
    %swap3A_40 = arith.constant 0 : index
    %swap3A_41 = vector.load %arg5[%swap3A, %swap3A_40] : memref<2500x128xf32, #tpu.memory_space<vmem>>, vector<2500x128xf32>
    tpu.vector_store %arg5[%swap3A, %swap3A_40], %max3A_39 {strides = array<i32>} : memref<2500x128xf32, #tpu.memory_space<vmem>>, vector<2500x128xf32>,
    return
  }
}

module attributes {stable_mosaic.version = 14 : i64} {
  func.func @body2(%arg0: memref<2x2500x128xf32, #tpu.memory_space<vmem>>, %arg1: memref<2x2500x128xf32, #tpu.memory_space<vmem>>, %arg2: memref<2500x128xf32, #tpu.memory_space<vmem>>, %arg3: memref<128x128xf32, #tpu.memory_space<vmem>>, %arg4: memref<1x128xf32, #tpu.memory_space<vmem>>, %arg5: memref<128x512xf32, #tpu.memory_space<vmem>>, %arg6: memref<1x512xf32, #tpu.memory_space<vmem>>, %arg7: memref<2500x512xf32, #tpu.memory_space<vmem>>) attributes {dimension_semantics = [], scalar_prefetch = 0 : i64, scratch_operands = 0 : i64, tpu.core_type = #tpu.core_type<tc>} {
    %get3A = arith.constant 0 : index
    %get3A_0 = arith.constant 0 : index
    %get3A_1 = arith.constant 0 : index
    %get3A_2 = vector.load %arg0[%get3A, %get3A_0, %get3A_1] : memref<2x2500x128xf32, #tpu.memory_space<vmem>>, vector<1x2500x128xf32>
    %get3A_3 = vector.shape_cast %get3A_2 : vector<1x2500x128xf32> to vector<2500x128xf32>
    %get3A_4 = arith.constant 1 : index
    %get3A_5 = arith.constant 0 : index
    %get3A_6 = arith.constant 0 : index
    %get3A_7 = vector.load %arg0[%get3A_4, %get3A_5, %get3A_6] : memref<2x2500x128xf32, #tpu.memory_space<vmem>>, vector<1x2500x128xf32>
    %get3A_8 = vector.shape_cast %get3A_7 : vector<1x2500x128xf32> to vector<2500x128xf32>
    %add3A = arith.addf %get3A_3, %get3A_8 : vector<2500x128xf32>
    %get3A_9 = arith.constant 0 : index
    %get3A_10 = arith.constant 0 : index
    %get3A_11 = arith.constant 0 : index
    %get3A_12 = vector.load %arg1[%get3A_9, %get3A_10, %get3A_11] : memref<2x2500x128xf32, #tpu.memory_space<vmem>>, vector<1x2500x128xf32>
    %get3A_13 = vector.shape_cast %get3A_12 : vector<1x2500x128xf32> to vector<2500x128xf32>
    %get3A_14 = arith.constant 1 : index
    %get3A_15 = arith.constant 0 : index
    %get3A_16 = arith.constant 0 : index
    %get3A_17 = vector.load %arg1[%get3A_14, %get3A_15, %get3A_16] : memref<2x2500x128xf32, #tpu.memory_space<vmem>>, vector<1x2500x128xf32>
    %get3A_18 = vector.shape_cast %get3A_17 : vector<1x2500x128xf32> to vector<2500x128xf32>
    %add3A_19 = arith.addf %get3A_13, %get3A_18 : vector<2500x128xf32>
    %max3A = arith.constant 1.000000e+00 : f32
    %max3A_20 = vector.broadcast %max3A : f32 to vector<2500x128xf32>
    %max3A_21 = arith.maximumf %add3A_19, %max3A_20 : vector<2500x128xf32>
    %div3A = arith.constant 1.000000e+00 : f32
    %div3A_22 = vector.broadcast %div3A : f32 to vector<2500x128xf32>
    %div3A_23 = arith.divf %div3A_22, %max3A_21 : vector<2500x128xf32>
    %mul3A = arith.mulf %add3A, %div3A_23 : vector<2500x128xf32>
    %get3A_24 = arith.constant 0 : index
    %get3A_25 = arith.constant 0 : index
    %get3A_26 = vector.load %arg2[%get3A_24, %get3A_25] : memref<2500x128xf32, #tpu.memory_space<vmem>>, vector<2500x128xf32>
    %get3A_27 = arith.constant 0 : index
    %get3A_28 = arith.constant 0 : index
    %get3A_29 = vector.load %arg3[%get3A_27, %get3A_28] : memref<128x128xf32, #tpu.memory_space<vmem>>, vector<128x128xf32>
    %dot_general3A = arith.constant dense<0.000000e+00> : vector<2500x128xf32>
    %dot_general3A_30 = tpu.matmul %get3A_26, %get3A_29, %dot_general3A {dimension_numbers = #tpu.dot_dimension_numbers<[1], [0], [0], [1], [0, 0, 1, 1], [], []>, transpose_lhs_hint = false} : vector<2500x128xf32>, vector<128x128xf32>, vector<2500x128xf32> -> vector<2500x128xf32>
    %add3A_31 = arith.addf %mul3A, %dot_general3A_30 : vector<2500x128xf32>
    %get3A_32 = arith.constant 0 : index
    %get3A_33 = arith.constant 0 : index
    %get3A_34 = vector.load %arg4[%get3A_32, %get3A_33] : memref<1x128xf32, #tpu.memory_space<vmem>>, vector<1x128xf32>
    %add3A_35 = vector.broadcast %get3A_34 : vector<1x128xf32> to vector<2500x128xf32>
    %add3A_36 = arith.addf %add3A_31, %add3A_35 : vector<2500x128xf32>
    %max3A_37 = arith.constant 0.000000e+00 : f32
    %max3A_38 = vector.broadcast %max3A_37 : f32 to vector<2500x128xf32>
    %max3A_39 = arith.maximumf %add3A_36, %max3A_38 : vector<2500x128xf32>
    %get3A_40 = arith.constant 0 : index
    %get3A_41 = arith.constant 0 : index
    %get3A_42 = vector.load %arg5[%get3A_40, %get3A_41] : memref<128x512xf32, #tpu.memory_space<vmem>>, vector<128x512xf32>
    %dot_general3A_43 = arith.constant dense<0.000000e+00> : vector<2500x512xf32>
    %dot_general3A_44 = tpu.matmul %max3A_39, %get3A_42, %dot_general3A_43 {dimension_numbers = #tpu.dot_dimension_numbers<[1], [0], [0], [1], [0, 0, 1, 1], [], []>, transpose_lhs_hint = false} : vector<2500x128xf32>, vector<128x512xf32>, vector<2500x512xf32> -> vector<2500x512xf32>
    %get3A_45 = arith.constant 0 : index
    %get3A_46 = arith.constant 0 : index
    %get3A_47 = vector.load %arg6[%get3A_45, %get3A_46] : memref<1x512xf32, #tpu.memory_space<vmem>>, vector<1x512xf32>
    %add3A_48 = vector.broadcast %get3A_47 : vector<1x512xf32> to vector<2500x512xf32>
    %add3A_49 = arith.addf %dot_general3A_44, %add3A_48 : vector<2500x512xf32>
    %swap3A = arith.constant 0 : index
    %swap3A_50 = arith.constant 0 : index
    %swap3A_51 = vector.load %arg7[%swap3A, %swap3A_50] : memref<2500x512xf32, #tpu.memory_space<vmem>>, vector<2500x512xf32>
    tpu.vector_store %arg7[%swap3A, %swap3A_50], %add3A_49 {strides = array<i32>} : memref<2500x512xf32, #tpu.memory_space<vmem>>, vector<2500x512xf32>,
    return
  }
}

</mosaic_0001>

<sc_bundles>
// kernel: kernel.12.cloned.1.call-start
scs
__scs_entry_jumppad:
0x0: {  	(pc) =	sbr.rel $0x88, $3  }
0x1: {  	(tag) =	ssettag $0x0;
	lr =	simm.s32 $0x1  }
0x2: {  	[smem:$0x3F92] =	sst lr;
	_ =	strace $0xD0000000  }
0x3: {  	_ = 	snop  }
0x4: {  	_ = 	snop  }
0x5: {  	_ = 	snop  }
0x6: {  	_ = 	snop  }
0x7: {  	_ = 	snop  }
__scs_overlays_trampoline_lowered:
0x8: {  	[smem:$0x3FA1] =	sst s0  }
0x9: {  	[smem:$0x3FA2] =	sst s1  }
0xa: {  	[smem:$0x3FA3] =	sst s2  }
0xb: {  	[smem:$0x3FA4] =	sst s3  }
0xc: {  	[smem:$0x3FA5] =	sst s4  }
0xd: {  	[smem:$0x3FA6] =	sst s5  }
0xe: {  	[smem:$0x3FA7] =	sst s6  }
0xf: {  	[smem:$0x3FA8] =	sst s7  }
0x10: {  	[smem:$0x3FA9] =	sst s8  }
0x11: {  	[smem:$0x3FAA] =	sst s9;
	s0 =	simm.s32 @!p0 $0x0  }
0x12: {  	s1 =	sld [smem:$0x3F90];
	s0 =	simm.s32 @p0 $0x1  }
0x13: {  	[smem:$0x3FAB] =	sst s0;
	s0 =	simm.s32 @!p1 $0x0  }
0x14: {  	s2 =	sld [smem:$0x3F8F];
	s0 =	simm.s32 @p1 $0x1  }
0x15: {  	[smem:$0x3FAC] =	sst s0;
	s0 =	simm.s32 @!p2 $0x0  }
0x16: {  	s3 =	sld [smem:$0x3FDB];
	s0 =	simm.s32 @p2 $0x1  }
0x17: {  	s4 =	simm.s32 $0x1BF5;
	[smem:$0x3FAE] =	sst s0  }
0x18: {  	s0 =	sld [smem:$0x3F91];
	_ =	swait.ge [sflag:s4], $0x0  }
0x19: {  	s7 =	sld [smem:$0x3F92]  }
0x1a: {  	s8 =	sadd.s32 $0xFFFFE003, lr  }
0x1b: {  	s9 =	sadd.s32 $0xFFFFFEF7, lr;
	s5 =	simm.s32 $0xFFFFFFFF;
	p2 =	slt.u32 s8, $0xFFFFF086  }
0x1c: {  	p1 =	slt.u32 s9, $0xF7A;
	s5 =	simm.s32 @!p2 $0x0  }
0x1d: {  	s5 =	simm.s32 @p1 $0x1;
	p0 =	seq.s32 s7, s2  }
0x1e: {  	s7 =	smul.u32 @!p0 $0xF7A, s2;
	p2 =	seq.s32 @!p0 s5, $0x0  }
0x1f: {  	s9 =	smul.u32 $0xF7A, s1;
	s8 =	simm.s32 @!p0 $0x1BF5;
	p2 =	por !p2, p0  }
0x20: {  	[sflag:s8] =	ssyncset.s32 @!p0 $0xFFFFF086;
	s6 =	sadd.s32 @!p0 s3, s7;
	s7 =	simm.s32 @!p0 $0x108  }
0x21: {  	s3 =	sadd.s32 s3, s9;
	s6 =	sadd.s32 @!p0 $0x88, s6;
	s7 =	simm.s32 @p2 $0x1082  }
0x22: {  	[simem:s7], [sflag:s8] =	dma.local @!p0 [hbm:s6], $0xF7A  }
0x23: {  	s9 =	sor.u32 $0xD0000000, s2;
	s6 =	simm.s32 $0x108;
	_ =	swait.ge @!p0 [sflag:s8], $0x0  }
0x24: {  	s3 =	sadd.s32 $0x88, s3;
	s6 =	simm.s32 @!p1 $0x1082;
	[sflag:s4] =	ssyncset.s32 $0xFFFFF086  }
0x25: {  	[simem:s6], [sflag:s4] =	dma.local [hbm:s3], $0xF7A  }
0x26: {  	[smem:$0x3F92] =	sst s1;
	(tag) =	ssettag s2;
	_ =	strace s9  }
0x27: {  	s1 =	sld [smem:$0x3FA2]  }
0x28: {  	s2 =	sld [smem:$0x3FA3]  }
0x29: {  	s4 =	sld [smem:$0x3FA5]  }
0x2a: {  	p0 =	seq.s32 s5, $0x0;
	s5 =	sld [smem:$0x3FA6]  }
0x2b: {  	s6 =	sld [smem:$0x3FA7]  }
0x2c: {  	s7 =	sld [smem:$0x3FA8]  }
0x2d: {  	s3 =	simm.s32 $0x108;
	s8 =	sld [smem:$0x3FA9]  }
0x2e: {  	s3 =	simm.s32 @!p0 $0x1082;
	s9 =	sld [smem:$0x3FAA]  }
0x2f: {  	lr =	sadd.s32 s0, s3;
	s0 =	sld [smem:$0x3FA1]  }
0x30: {  	s3 =	sld [smem:$0x3FA4]  }
0x31: {  	[smem:$0x3FAD] =	sst s10  }
0x32: {  	s10 =	sld [smem:$0x3FAB];
	_ =	sdelay $0x3  }
0x33: {  	p0 =	seq.s32 s10, $0x1;
	s10 =	sld [smem:$0x3FAD];
	_ =	sdelay $0x3  }
0x34: {  	[smem:$0x3FAD] =	sst s10  }
0x35: {  	s10 =	sld [smem:$0x3FAC];
	_ =	sdelay $0x3  }
0x36: {  	p1 =	seq.s32 s10, $0x1;
	s10 =	sld [smem:$0x3FAD];
	_ =	sdelay $0x3  }
0x37: {  	[smem:$0x3FAD] =	sst s10  }
0x38: {  	s10 =	sld [smem:$0x3FAE]  }
0x39: {  	_ = 	snop;
	(pc) =	sbr.ind lr, $3  }
0x3a: {  	_ = 	snop  }
0x3b: {  	_ = 	snop  }
0x3c: {  	p2 =	seq.s32 s10, $0x1;
	s10 =	sld [smem:$0x3FAD]  }
0x3d: {  	_ =	shalt  }
0x3e: {  	_ =	shalt  }
0x3f: {  	_ =	shalt  }
0x40: {  	_ =	shalt  }
0x41: {  	_ =	shalt  }
0x42: {  	_ =	shalt  }
0x43: {  	_ =	shalt  }
0x44: {  	_ =	shalt  }
0x45: {  	_ =	shalt  }
0x46: {  	_ =	shalt  }
0x47: {  	_ =	shalt  }
0x48: {  	_ =	shalt  }
0x49: {  	_ =	shalt  }
0x4a: {  	_ =	shalt  }
0x4b: {  	_ =	shalt  }
0x4c: {  	_ =	shalt  }
0x4d: {  	_ =	shalt  }
0x4e: {  	_ =	shalt  }
0x4f: {  	_ =	shalt  }
0x50: {  	_ =	shalt  }
0x51: {  	_ =	shalt  }
0x52: {  	_ =	shalt  }
0x53: {  	_ =	shalt  }
0x54: {  	_ =	shalt  }
0x55: {  	_ =	shalt  }
0x56: {  	_ =	shalt  }
0x57: {  	_ =	shalt  }
0x58: {  	_ =	shalt  }
0x59: {  	_ =	shalt  }
0x5a: {  	_ =	shalt  }
0x5b: {  	_ =	shalt  }
0x5c: {  	_ =	shalt  }
0x5d: {  	_ =	shalt  }
0x5e: {  	_ =	shalt  }
0x5f: {  	_ =	shalt  }
0x60: {  	_ =	shalt  }
0x61: {  	_ =	shalt  }
0x62: {  	_ =	shalt  }
0x63: {  	_ =	shalt  }
0x64: {  	_ =	shalt  }
0x65: {  	_ =	shalt  }
0x66: {  	_ =	shalt  }
0x67: {  	_ =	shalt  }
0x68: {  	_ =	shalt  }
0x69: {  	_ =	shalt  }
0x6a: {  	_ =	shalt  }
0x6b: {  	_ =	shalt  }
0x6c: {  	_ =	shalt  }
0x6d: {  	_ =	shalt  }
0x6e: {  	_ =	shalt  }
0x6f: {  	_ =	shalt  }
0x70: {  	_ =	shalt  }
0x71: {  	_ =	shalt  }
0x72: {  	_ =	shalt  }
0x73: {  	_ =	shalt  }
0x74: {  	_ =	shalt  }
0x75: {  	_ =	shalt  }
0x76: {  	_ =	shalt  }
0x77: {  	_ =	shalt  }
0x78: {  	_ =	shalt  }
0x79: {  	_ =	shalt  }
0x7a: {  	_ =	shalt  }
0x7b: {  	_ =	shalt  }
0x7c: {  	_ =	shalt  }
0x7d: {  	_ =	shalt  }
0x7e: {  	_ =	shalt  }
0x7f: {  	_ =	shalt  }
0x80: {  	_ =	shalt  }
0x81: {  	_ =	shalt  }
0x82: {  	_ =	shalt  }
0x83: {  	_ =	shalt  }
0x84: {  	_ =	shalt  }
0x85: {  	_ =	shalt  }
0x86: {  	_ =	shalt  }
0x87: {  	_ =	shalt  }
.Lfunc_end0:
.L_simem_size_0:
called_computation_lowered:
.L_overlay_start_0:
0x88: {  	s2 =	sld [smem:$0x3FD9]  }
0x89: {  	s3 =	sld [smem:$0x3FFE];
	_ =	sdelay $0x1  }
0x8a: {  	s1 =	srdreg.scid  }
0x8b: {  	s0 =	sand.u32 $0x1, s1  }
0x8c: {  	s17 =	sshll.u32 s0, $0xA;
	s2 =	sadd.s32 s3, s2  }
0x8d: {  	s2 =	sadd.s32 s2, s17  }
0x8e: {  	[smem:$0x3FB9] =	sst s2  }
0x8f: {  	_ = 	snop  }
0x90: {  	(tm) =	ssettm $0x1  }
0x91: {  	s18 =	sld [smem:$0x3FFB];
	_ =	sdelay $0x3  }
0x92: {  	_ =	strace s18  }
0x93: {  	s2 =	sld [smem:$0x3FFC];
	_ =	sdelay $0x3  }
0x94: {  	_ =	strace s2  }
0x95: {  	s2 =	sld [smem:$0x3FFD];
	_ =	sdelay $0x3  }
0x96: {  	_ =	strace s2  }
0x97: {  	_ =	strace $0x8FFFFFFF  }
0x98: {  	s19 =	sld [smem:$0x3FDB];
	_ =	sdelay $0x1  }
0x99: {  	s20 =	simm.s32 $_scs_section_size  }
0x9a: {  	s4 =	simm.s32 $_size__tile_overlayer_lowered;
	s5 =	simm.s32 $_tile_overlayer_lowered  }
0x9b: {  	s6 =	simm.s32 $0x1BFF;
	s21 =	sshll.u32 s5, $0x1;
	s3 =	sadd.s32 s20, s19  }
0x9c: {  	s22 =	simm.s32 $0x0;
	s4 =	sshll.u32 s4, $0x1;
	s5 =	sadd.s32 s21, s3  }
0x9d: {  	[timem:s22], [sflag:s6] =	dma.local [hbm:s5], s4  }
0x9e: {  	_ =	swait.ge [sflag:s6], s4  }
0x9f: {  	s4 =	ssub.s32 $0x0, s4;
	[sflag:s6] =	ssyncset.done $0x0  }
0xa0: {  	[sflag:s6] =	ssyncadd.s32 s4;
	_ =	sdelay $0x1  }
0xa1: {  	s23 =	simm.s32 $0x1B8B  }
0xa2: {  	_ =	swait.ge [sflag:s23], $0x1  }
0xa3: {  	[sflag:s23] =	ssyncset.done $0x0  }
0xa4: {  	[sflag:s23] =	ssyncadd.s32 $0xFFFFFFFF  }
0xa5: {  	s4 =	sld [smem:$0x0]  }
0xa6: {  	s5 =	sand.u32 $0xFFFFFFFE, s1  }
0xa7: {  	p0 =	sne.s32 s1, s5  }
0xa8: {  	s5 =	sshll.u32 @p0 s5, $0xE  }
0xa9: {  	s5 =	sadd.s32 @p0 $0x11B8D, s5;
	s6 =	sshll.u32 @p0 s4, $0x11  }
0xaa: {  	s5 =	sor.u32 @p0 s6, s5  }
0xab: {  	[sflag:s5] =	ssyncadd.remote.s32 @p0 $0x1;
	_ =	sdelay $0x1  }
0xac: {  	s5 =	simm.s32 @p0 $0x1B8D  }
0xad: {  	_ =	swait.eq @p0 [sflag:s5], $0x1  }
0xae: {  	[sflag:s5] =	ssyncadd.s32 @p0 $0xFFFFFFFF  }
0xaf: {  	s6 =	sshll.u32 @!p0 s1, $0xE  }
0xb0: {  	s6 =	sor.u32 @!p0 $0x4000, s6;
	s5 =	simm.s32 @!p0 $0x1B8D  }
0xb1: {  	s4 =	sshll.u32 @!p0 s4, $0x11;
	s6 =	sadd.s32 @!p0 $0x11B8D, s6;
	_ =	swait.eq @!p0 [sflag:s5], $0x1  }
0xb2: {  	s4 =	sor.u32 @!p0 s4, s6;
	[sflag:s5] =	ssyncadd.s32 @!p0 $0xFFFFFFFF  }
0xb3: {  	s25 =	simm.s32 $0x1B8E;
	s24 =	sld [smem:$0x3FFE];
	[sflag:s4] =	ssyncadd.remote.s32 @!p0 $0x1  }
0xb4: {  	s26 =	simm.s32 $execute0_lowered;
	[smem:$0x3FD2] =	sst s25  }
0xb5: {  	s5 =	sshll.u32 s26, $0x1;
	_ =	strace $0x80000049;
	[dreg:$0x1] =	wrdreg $0xFFFFFFFF  }
0xb6: {  	s28 =	simm.s32 $_size_execute0_lowered;
	s3 =	sadd.s32 s3, s5;
	[dreg:$0x0] =	wrdreg $0x0  }
0xb7: {  	s5 =	sshll.u32 s28, $0x1;
	[dreg:$0x2] =	wrdreg s3  }
0xb8: {  	[dreg:$0x3] =	wrdreg s5  }
0xb9: {  	[dreg:$0x4] =	wrdreg $0xC0  }
0xba: {  	_ =	task [dreg:s22], $0x5FFFF  }
0xbb: {  	[dreg:$0x1] =	wrdreg $0xFFFFFFFF  }
0xbc: {  	[dreg:$0x0] =	wrdreg $0x60  }
0xbd: {  	[dreg:$0x2] =	wrdreg s24  }
0xbe: {  	[dreg:$0x3] =	wrdreg $0x14A000  }
0xbf: {  	[dreg:$0x4] =	wrdreg $0x9  }
0xc0: {  	_ =	task.clear_ibuf [dreg:s22], $0x5FFFF;
	_ =	strace $0x90000049  }
0xc1: {  	s29 =	simm.s32 $0x9;
	_ =	strace $0x8000004B  }
0xc2: {  	_ =	swait.ge [sflag:s29], $0x1  }
0xc3: {  	[sflag:s29] =	ssyncadd.s32 $0xFFFFFFFF  }
0xc4: {  	_ =	strace $0x9000004B  }
0xc5: {  	_ =	sfence  }
0xc6: {  	s30 =	sld [smem:$0x0];
	_ =	sdelay $0x2  }
0xc7: {  	s31 =	sshll.u32 s1, $0xD;
	s1 =	sshrl.u32 s1, $0x2  }
0xc8: {  	s4 =	sand.u32 $0x4000, s31;
	s1 =	sadd.s32 s1, s30  }
0xc9: {  	s0 =	sor.u32 s4, s0;
	s1 =	sshll.u32 s1, $0x11  }
0xca: {  	s0 =	sor.u32 s1, s0  }
0xcb: {  	s0 =	sadd.s32 $0x8F2B, s0  }
0xcc: {  	[sflag:s0] =	ssyncadd.remote.s32 $0x1  }
0xcd: {  	_ =	sfence.sel $0xFFFF  }
0xce: {  	[dreg:$0x0] =	wrdreg $0xFFFFFFFF;
	(pc) =	sbr.abs _section_cstart, $3  }
0xcf: {  	[dreg:$0x1] =	wrdreg $0xFFFFFFFF  }
0xd0: {  	_ =	task.clear_ibuf [dreg:s22], $0x2FFFF;
	_ =	strace $0x9FFFFFFF  }
0xd1: {  	(tm) =	ssettm $0x7FFFFFFF  }
tec
execute0_lowered:
.L_overlay_start_1:
0x0: {  	(tag) =	ssettag $0x1  }
0x1: {  	s0 =	srdreg.scid  }
0x2: {  	s5 =	sand.u32 $0x1, s0  }
0x3: {  	s7 =	ssub.s32 $0x2, s5  }
0x4: {  	s3 =	stileid.u32;
	s4 =	rddreg [dreg:$0x0];
	s8 =	sshrl.u32 s7, $0x1  }
0x5: {  	s1 =	rddreg [dreg:$0x1];
	s2 =	simm.s32 $0x0;
	s7 =	ssub.s32 s7, s8  }
0x6: {  	p1 =	por $0x0, $0x0;
	s31 =	sshll.u32 s3, $0x1;
	s7 =	smax.u32 s7, $0x1  }
0x7: {  	s6 =	sor.u32 s5, s31;
	s5 =	smul.u32 $0x9C40, s5;
	s13 =	sadd.s32 $0xFFFFFFFF, s7  }
0x8: {  	s0 =	rddreg [dreg:$0x2];
	s6 =	smul.u32 $0x1400, s6;
	p2 =	sne.s32 s13, $0x0  }
.Ltmp0:
0x9: {  	[smem:$0x7FF] =	sst s2;
	s9 =	sadd.s32 $0xC1C00, s4;
	(pc) =	sbr.rel @!p2 .LBB2_3-.Ltmp0, $4  }
0xa: {  	s10 =	sadd.s32 $0xB7E00, s4;
	p0 =	sne.s32 s3, $0x0;
	s6 =	sshrl.u32 s6, $0x3  }
0xb: {  	_ =	strace $0x8000004A;
	s6 =	sadd.s32 s6, s4;
	s4 =	sadd.s32 s5, s4  }
0xc: {  	s7 =	simm.s32 $0xA00;
	s8 =	sadd.s32 $0xB2E00, s6;
	s5 =	sadd.s32 $0xB2F40, s6  }
0xd: {  	s3 =	sadd.s32 $0xC4400, s4;
	s4 =	sshrl.u32 @!p0 s1, $0x3;
	s6 =	simm.s32 $0x1  }
0xe: {  	s12 =	simm.s32 @!p0 $0x1C01;
	s11 =	simm.s32 @!p0 $0x1  }
0xf: {  	[spmem:s4], [sflag:s12] =	dma.local @!p0 [hbm:s10], $0x9C80  }
0x10: {  	_ =	swait.ge @!p0 [sflag:s11], $0x9C80  }
0x11: {  	[sflag:s11] =	ssyncset.done @!p0 $0x0  }
0x12: {  	[sflag:s11] =	ssyncadd.s32 @!p0 $0xFFFF6380  }
0x13: {  	[tilespmem:s7], [sflag:$0x1] =	stream.linear.gather [hbm4b:s9+s2], $0x14000, $0x38;
	[tilespmem:$0x19840] =	vst v63  }
0x14: {  	_ =	swait.ge [sflag:s6], $0x14000  }
0x15: {  	[sflag:s6] =	ssyncset.done $0x0  }
0x16: {  	[sflag:s6] =	ssyncadd.s32 $0xFFFEC000  }
0x17: {  	[bflag:$0x0] =	sbarrier.arrive $0xFFFF  }
0x18: {  	[tilespmem:s2], [sflag:$0x1] =	stream.linear.gather [hbm4b:s8+s2], $0xA00, $0x38;
	[tilespmem:$0x19840] =	vst v63  }
0x19: {  	_ =	swait.ge [sflag:s6], $0xA00  }
0x1a: {  	[sflag:s6] =	ssyncset.done $0x0  }
0x1b: {  	[sflag:s6] =	ssyncadd.s32 $0xFFFFF600  }
0x1c: {  	[spmem:s1] =	stream.indirect.scatter.add.f32 [tilespmem:s7], [sflag:$0x1], $0x20, s2, s7, $0xb8;
	[tilespmem:$0x19840] =	vst v63  }
0x1d: {  	_ =	swait.ge [sflag:s6], $0x14000  }
0x1e: {  	[sflag:s6] =	ssyncset.done $0x0  }
0x1f: {  	[sflag:s6] =	ssyncadd.s32 $0xFFFEC000  }
0x20: {  	[tilespmem:s2], [sflag:$0x1] =	stream.linear.gather [hbm4b:s5+s2], $0xA00, $0x38;
	[tilespmem:$0x19840] =	vst v63  }
0x21: {  	_ =	swait.ge [sflag:s6], $0xA00  }
0x22: {  	[sflag:s6] =	ssyncset.done $0x0  }
0x23: {  	[sflag:s6] =	ssyncadd.s32 $0xFFFFF600  }
0x24: {  	[spmem:s1] =	stream.indirect.scatter.add.f32 [tilespmem:s7], [sflag:$0x1], $0x20, s2, s7, $0xb8;
	[tilespmem:$0x19840] =	vst v63  }
0x25: {  	s13 =	sadd.s32 $0xFFFFFFFF, s13;
	_ =	swait.ge [sflag:s6], $0x14000  }
0x26: {  	p2 =	sne.s32 s13, $0x0;
	[sflag:s6] =	ssyncset.done $0x0  }
.Ltmp1:
0x27: {  	[sflag:s6] =	ssyncadd.s32 $0xFFFEC000;
	(pc) =	sbr.rel @!p2 .LBB2_3-.Ltmp1, $4  }
0x28: {  	[bflag:$0x0] =	sbarrier.arrive $0xFFFF  }
0x29: {  	[hbm:s3], [sflag:s12] =	dma.local @!p0 [spmem:s4], $0x9C40  }
0x2a: {  	_ =	swait.ge @!p0 [sflag:s11], $0x9C40  }
0x2b: {  	p1 =	por $0x1, $0x1;
	[sflag:s11] =	ssyncset.done @!p0 $0x0  }
.LBB2_2:
0x2c: {  	[sflag:s11] =	ssyncadd.s32 @!p0 $0xFFFF63C0  }
0x2d: {  	[spmem:s4], [sflag:s12] =	dma.local @!p0 [hbm:s10], $0x9C80  }
0x2e: {  	s13 =	sadd.s32 $0xFFFFFFFF, s13;
	_ =	swait.ge @!p0 [sflag:s11], $0x9C80  }
0x2f: {  	p2 =	sne.s32 s13, $0x0;
	[sflag:s11] =	ssyncset.done @!p0 $0x0  }
0x30: {  	[sflag:s11] =	ssyncadd.s32 @!p0 $0xFFFF6380  }
0x31: {  	[tilespmem:s7], [sflag:$0x1] =	stream.linear.gather [hbm4b:s9+s2], $0x14000, $0x38;
	[tilespmem:$0x19840] =	vst v63  }
0x32: {  	_ =	swait.ge [sflag:s6], $0x14000  }
0x33: {  	[sflag:s6] =	ssyncset.done $0x0  }
0x34: {  	[sflag:s6] =	ssyncadd.s32 $0xFFFEC000  }
0x35: {  	[bflag:$0x0] =	sbarrier.arrive $0xFFFF  }
0x36: {  	[tilespmem:s2], [sflag:$0x1] =	stream.linear.gather [hbm4b:s8+s2], $0xA00, $0x38;
	[tilespmem:$0x19840] =	vst v63  }
0x37: {  	_ =	swait.ge [sflag:s6], $0xA00  }
0x38: {  	[sflag:s6] =	ssyncset.done $0x0  }
0x39: {  	[sflag:s6] =	ssyncadd.s32 $0xFFFFF600  }
0x3a: {  	[spmem:s1] =	stream.indirect.scatter.add.f32 [tilespmem:s7], [sflag:$0x1], $0x20, s2, s7, $0xb8;
	[tilespmem:$0x19840] =	vst v63  }
0x3b: {  	_ =	swait.ge [sflag:s6], $0x14000  }
0x3c: {  	[sflag:s6] =	ssyncset.done $0x0  }
0x3d: {  	[sflag:s6] =	ssyncadd.s32 $0xFFFEC000  }
0x3e: {  	[tilespmem:s2], [sflag:$0x1] =	stream.linear.gather [hbm4b:s5+s2], $0xA00, $0x38;
	[tilespmem:$0x19840] =	vst v63  }
0x3f: {  	_ =	swait.ge [sflag:s6], $0xA00  }
0x40: {  	[sflag:s6] =	ssyncset.done $0x0  }
0x41: {  	[sflag:s6] =	ssyncadd.s32 $0xFFFFF600  }
0x42: {  	[spmem:s1] =	stream.indirect.scatter.add.f32 [tilespmem:s7], [sflag:$0x1], $0x20, s2, s7, $0xb8;
	[tilespmem:$0x19840] =	vst v63  }
0x43: {  	_ =	swait.ge [sflag:s6], $0x14000  }
0x44: {  	[sflag:s6] =	ssyncset.done $0x0  }
.Ltmp2:
0x45: {  	[sflag:s6] =	ssyncadd.s32 $0xFFFEC000;
	(pc) =	sbr.rel @p2 .LBB2_2-.Ltmp2, $4  }
0x46: {  	[bflag:$0x0] =	sbarrier.arrive $0xFFFF  }
0x47: {  	[hbm:s3], [sflag:s12] =	dma.local @!p0 [spmem:s4], $0x9C40  }
0x48: {  	_ =	swait.ge @!p0 [sflag:s11], $0x9C40  }
0x49: {  	[sflag:s11] =	ssyncset.done @!p0 $0x0  }
.LBB2_3:
0x4a: {  	p1 =	por p0, !p1  }
0x4b: {  	s12 =	simm.s32 @!p0 $0x1C01;
	s13 =	simm.s32 @!p0 $0x1;
	[sflag:s11] =	ssyncadd.s32 @!p1 $0xFFFF63C0  }
0x4c: {  	[spmem:s4], [sflag:s12] =	dma.local @!p0 [hbm:s10], $0x9C80  }
0x4d: {  	_ =	swait.ge @!p0 [sflag:s13], $0x9C80  }
0x4e: {  	[sflag:s13] =	ssyncset.done @!p0 $0x0  }
0x4f: {  	[sflag:s13] =	ssyncadd.s32 @!p0 $0xFFFF6380  }
0x50: {  	[tilespmem:s7], [sflag:$0x1] =	stream.linear.gather [hbm4b:s9+s2], $0x14000, $0x38;
	[tilespmem:$0x19840] =	vst v63  }
0x51: {  	_ =	swait.ge [sflag:s6], $0x14000  }
0x52: {  	[sflag:s6] =	ssyncset.done $0x0  }
0x53: {  	[sflag:s6] =	ssyncadd.s32 $0xFFFEC000  }
0x54: {  	[bflag:$0x0] =	sbarrier.arrive $0xFFFF  }
0x55: {  	[tilespmem:s2], [sflag:$0x1] =	stream.linear.gather [hbm4b:s8+s2], $0xA00, $0x38;
	[tilespmem:$0x19840] =	vst v63  }
0x56: {  	_ =	swait.ge [sflag:s6], $0xA00  }
0x57: {  	[sflag:s6] =	ssyncset.done $0x0  }
0x58: {  	[sflag:s6] =	ssyncadd.s32 $0xFFFFF600  }
0x59: {  	[spmem:s1] =	stream.indirect.scatter.add.f32 [tilespmem:s7], [sflag:$0x1], $0x20, s2, s7, $0xb8;
	[tilespmem:$0x19840] =	vst v63  }
0x5a: {  	_ =	swait.ge [sflag:s6], $0x14000  }
0x5b: {  	[sflag:s6] =	ssyncset.done $0x0  }
0x5c: {  	[sflag:s6] =	ssyncadd.s32 $0xFFFEC000  }
0x5d: {  	[tilespmem:s2], [sflag:$0x1] =	stream.linear.gather [hbm4b:s5+s2], $0xA00, $0x38;
	[tilespmem:$0x19840] =	vst v63  }
0x5e: {  	_ =	swait.ge [sflag:s6], $0xA00  }
0x5f: {  	[sflag:s6] =	ssyncset.done $0x0  }
0x60: {  	[sflag:s6] =	ssyncadd.s32 $0xFFFFF600  }
0x61: {  	[spmem:s1] =	stream.indirect.scatter.add.f32 [tilespmem:s7], [sflag:$0x1], $0x20, s2, s7, $0xb8;
	[tilespmem:$0x19840] =	vst v63  }
0x62: {  	_ =	swait.ge [sflag:s6], $0x14000  }
0x63: {  	[sflag:s6] =	ssyncset.done $0x0  }
0x64: {  	[sflag:s6] =	ssyncadd.s32 $0xFFFEC000  }
0x65: {  	[bflag:$0x0] =	sbarrier.arrive $0xFFFF  }
0x66: {  	[hbm:s3], [sflag:s12] =	dma.local @!p0 [spmem:s4], $0x9C40  }
0x67: {  	_ =	swait.ge @!p0 [sflag:s13], $0x9C40  }
0x68: {  	[sflag:s13] =	ssyncset.done @!p0 $0x0  }
0x69: {  	[sflag:s13] =	ssyncadd.s32 @!p0 $0xFFFF63C0  }
0x6a: {  	_ =	sfence.sel $0x180000  }
0x6b: {  	[bflag:$0x0] =	sbarrier.arrive $0xFFFF  }
0x6c: {  	_ =	strace $0x9000004A  }
0x6d: {  	s0 =	sadd.s32 @!p0 $0x100000, s0;
	[bflag:$0x2] =	sbarrier.arrive $0xFFFF  }
0x6e: {  	[sflag:s0] =	ssyncadd.tile.s32 @!p0 $0x1;
	_ =	shalt  }
.Lfunc_end2:
_tile_overlayer_lowered:
.L_overlay_start_2:
0x6f: {  	(tag) =	ssettag $0x2  }
0x70: {  	s0 =	rddreg [dreg:$0x0];
	s2 =	stileid.u32  }
0x71: {  	s1 =	rddreg [dreg:$0x1];
	p0 =	sne.s32 s2, $0x0  }
0x72: {  	s3 =	rddreg [dreg:$0x2];
	[bflag:$0x3] =	sbarrier.arrive $0xFFFF;
	s2 =	simm.s32 @!p0 $0x1C01  }
0x73: {  	[timem:s3], [sflag:s2] =	dma.local @!p0 [hbm:s0], s1  }
0x74: {  	s0 =	simm.s32 @!p0 $0x1  }
0x75: {  	_ =	swait.ge @!p0 [sflag:s0], s1  }
0x76: {  	s1 =	ssub.s32 @!p0 $0x0, s1;
	[sflag:s0] =	ssyncset.done @!p0 $0x0  }
0x77: {  	[sflag:s0] =	ssyncadd.s32 @!p0 s1  }
0x78: {  	[bflag:$0x3] =	sbarrier.arrive $0xFFFF  }
0x79: {  	_ =	shalt  }

// kernel: kernel.15.cloned.1.call-start
scs
__scs_entry_jumppad:
0x0: {  	(pc) =	sbr.rel $0x88, $3  }
0x1: {  	(tag) =	ssettag $0x0;
	lr =	simm.s32 $0x1  }
0x2: {  	[smem:$0x3F92] =	sst lr;
	_ =	strace $0xD0000000  }
0x3: {  	_ = 	snop  }
0x4: {  	_ = 	snop  }
0x5: {  	_ = 	snop  }
0x6: {  	_ = 	snop  }
0x7: {  	_ = 	snop  }
__scs_overlays_trampoline_lowered:
0x8: {  	[smem:$0x3FA1] =	sst s0  }
0x9: {  	[smem:$0x3FA2] =	sst s1  }
0xa: {  	[smem:$0x3FA3] =	sst s2  }
0xb: {  	[smem:$0x3FA4] =	sst s3  }
0xc: {  	[smem:$0x3FA5] =	sst s4  }
0xd: {  	[smem:$0x3FA6] =	sst s5  }
0xe: {  	[smem:$0x3FA7] =	sst s6  }
0xf: {  	[smem:$0x3FA8] =	sst s7  }
0x10: {  	[smem:$0x3FA9] =	sst s8  }
0x11: {  	[smem:$0x3FAA] =	sst s9;
	s0 =	simm.s32 @!p0 $0x0  }
0x12: {  	s1 =	sld [smem:$0x3F90];
	s0 =	simm.s32 @p0 $0x1  }
0x13: {  	[smem:$0x3FAB] =	sst s0;
	s0 =	simm.s32 @!p1 $0x0  }
0x14: {  	s2 =	sld [smem:$0x3F8F];
	s0 =	simm.s32 @p1 $0x1  }
0x15: {  	[smem:$0x3FAC] =	sst s0;
	s0 =	simm.s32 @!p2 $0x0  }
0x16: {  	s3 =	sld [smem:$0x3FDB];
	s0 =	simm.s32 @p2 $0x1  }
0x17: {  	s4 =	simm.s32 $0x1BF5;
	[smem:$0x3FAE] =	sst s0  }
0x18: {  	s0 =	sld [smem:$0x3F91];
	_ =	swait.ge [sflag:s4], $0x0  }
0x19: {  	s7 =	sld [smem:$0x3F92]  }
0x1a: {  	s8 =	sadd.s32 $0xFFFFE003, lr  }
0x1b: {  	s9 =	sadd.s32 $0xFFFFFEF7, lr;
	s5 =	simm.s32 $0xFFFFFFFF;
	p2 =	slt.u32 s8, $0xFFFFF086  }
0x1c: {  	p1 =	slt.u32 s9, $0xF7A;
	s5 =	simm.s32 @!p2 $0x0  }
0x1d: {  	s5 =	simm.s32 @p1 $0x1;
	p0 =	seq.s32 s7, s2  }
0x1e: {  	s7 =	smul.u32 @!p0 $0xF7A, s2;
	p2 =	seq.s32 @!p0 s5, $0x0  }
0x1f: {  	s9 =	smul.u32 $0xF7A, s1;
	s8 =	simm.s32 @!p0 $0x1BF5;
	p2 =	por !p2, p0  }
0x20: {  	[sflag:s8] =	ssyncset.s32 @!p0 $0xFFFFF086;
	s6 =	sadd.s32 @!p0 s3, s7;
	s7 =	simm.s32 @!p0 $0x108  }
0x21: {  	s3 =	sadd.s32 s3, s9;
	s6 =	sadd.s32 @!p0 $0x88, s6;
	s7 =	simm.s32 @p2 $0x1082  }
0x22: {  	[simem:s7], [sflag:s8] =	dma.local @!p0 [hbm:s6], $0xF7A  }
0x23: {  	s9 =	sor.u32 $0xD0000000, s2;
	s6 =	simm.s32 $0x108;
	_ =	swait.ge @!p0 [sflag:s8], $0x0  }
0x24: {  	s3 =	sadd.s32 $0x88, s3;
	s6 =	simm.s32 @!p1 $0x1082;
	[sflag:s4] =	ssyncset.s32 $0xFFFFF086  }
0x25: {  	[simem:s6], [sflag:s4] =	dma.local [hbm:s3], $0xF7A  }
0x26: {  	[smem:$0x3F92] =	sst s1;
	(tag) =	ssettag s2;
	_ =	strace s9  }
0x27: {  	s1 =	sld [smem:$0x3FA2]  }
0x28: {  	s2 =	sld [smem:$0x3FA3]  }
0x29: {  	s4 =	sld [smem:$0x3FA5]  }
0x2a: {  	p0 =	seq.s32 s5, $0x0;
	s5 =	sld [smem:$0x3FA6]  }
0x2b: {  	s6 =	sld [smem:$0x3FA7]  }
0x2c: {  	s7 =	sld [smem:$0x3FA8]  }
0x2d: {  	s3 =	simm.s32 $0x108;
	s8 =	sld [smem:$0x3FA9]  }
0x2e: {  	s3 =	simm.s32 @!p0 $0x1082;
	s9 =	sld [smem:$0x3FAA]  }
0x2f: {  	lr =	sadd.s32 s0, s3;
	s0 =	sld [smem:$0x3FA1]  }
0x30: {  	s3 =	sld [smem:$0x3FA4]  }
0x31: {  	[smem:$0x3FAD] =	sst s10  }
0x32: {  	s10 =	sld [smem:$0x3FAB];
	_ =	sdelay $0x3  }
0x33: {  	p0 =	seq.s32 s10, $0x1;
	s10 =	sld [smem:$0x3FAD];
	_ =	sdelay $0x3  }
0x34: {  	[smem:$0x3FAD] =	sst s10  }
0x35: {  	s10 =	sld [smem:$0x3FAC];
	_ =	sdelay $0x3  }
0x36: {  	p1 =	seq.s32 s10, $0x1;
	s10 =	sld [smem:$0x3FAD];
	_ =	sdelay $0x3  }
0x37: {  	[smem:$0x3FAD] =	sst s10  }
0x38: {  	s10 =	sld [smem:$0x3FAE]  }
0x39: {  	_ = 	snop;
	(pc) =	sbr.ind lr, $3  }
0x3a: {  	_ = 	snop  }
0x3b: {  	_ = 	snop  }
0x3c: {  	p2 =	seq.s32 s10, $0x1;
	s10 =	sld [smem:$0x3FAD]  }
0x3d: {  	_ =	shalt  }
0x3e: {  	_ =	shalt  }
0x3f: {  	_ =	shalt  }
0x40: {  	_ =	shalt  }
0x41: {  	_ =	shalt  }
0x42: {  	_ =	shalt  }
0x43: {  	_ =	shalt  }
0x44: {  	_ =	shalt  }
0x45: {  	_ =	shalt  }
0x46: {  	_ =	shalt  }
0x47: {  	_ =	shalt  }
0x48: {  	_ =	shalt  }
0x49: {  	_ =	shalt  }
0x4a: {  	_ =	shalt  }
0x4b: {  	_ =	shalt  }
0x4c: {  	_ =	shalt  }
0x4d: {  	_ =	shalt  }
0x4e: {  	_ =	shalt  }
0x4f: {  	_ =	shalt  }
0x50: {  	_ =	shalt  }
0x51: {  	_ =	shalt  }
0x52: {  	_ =	shalt  }
0x53: {  	_ =	shalt  }
0x54: {  	_ =	shalt  }
0x55: {  	_ =	shalt  }
0x56: {  	_ =	shalt  }
0x57: {  	_ =	shalt  }
0x58: {  	_ =	shalt  }
0x59: {  	_ =	shalt  }
0x5a: {  	_ =	shalt  }
0x5b: {  	_ =	shalt  }
0x5c: {  	_ =	shalt  }
0x5d: {  	_ =	shalt  }
0x5e: {  	_ =	shalt  }
0x5f: {  	_ =	shalt  }
0x60: {  	_ =	shalt  }
0x61: {  	_ =	shalt  }
0x62: {  	_ =	shalt  }
0x63: {  	_ =	shalt  }
0x64: {  	_ =	shalt  }
0x65: {  	_ =	shalt  }
0x66: {  	_ =	shalt  }
0x67: {  	_ =	shalt  }
0x68: {  	_ =	shalt  }
0x69: {  	_ =	shalt  }
0x6a: {  	_ =	shalt  }
0x6b: {  	_ =	shalt  }
0x6c: {  	_ =	shalt  }
0x6d: {  	_ =	shalt  }
0x6e: {  	_ =	shalt  }
0x6f: {  	_ =	shalt  }
0x70: {  	_ =	shalt  }
0x71: {  	_ =	shalt  }
0x72: {  	_ =	shalt  }
0x73: {  	_ =	shalt  }
0x74: {  	_ =	shalt  }
0x75: {  	_ =	shalt  }
0x76: {  	_ =	shalt  }
0x77: {  	_ =	shalt  }
0x78: {  	_ =	shalt  }
0x79: {  	_ =	shalt  }
0x7a: {  	_ =	shalt  }
0x7b: {  	_ =	shalt  }
0x7c: {  	_ =	shalt  }
0x7d: {  	_ =	shalt  }
0x7e: {  	_ =	shalt  }
0x7f: {  	_ =	shalt  }
0x80: {  	_ =	shalt  }
0x81: {  	_ =	shalt  }
0x82: {  	_ =	shalt  }
0x83: {  	_ =	shalt  }
0x84: {  	_ =	shalt  }
0x85: {  	_ =	shalt  }
0x86: {  	_ =	shalt  }
0x87: {  	_ =	shalt  }
.Lfunc_end0:
.L_simem_size_0:
called_computation.1_lowered:
.L_overlay_start_0:
0x88: {  	s2 =	sld [smem:$0x3FD9]  }
0x89: {  	s3 =	sld [smem:$0x3FFE];
	_ =	sdelay $0x1  }
0x8a: {  	s1 =	srdreg.scid  }
0x8b: {  	s0 =	sand.u32 $0x1, s1  }
0x8c: {  	s16 =	sshll.u32 s0, $0xA;
	s2 =	sadd.s32 s3, s2  }
0x8d: {  	s2 =	sadd.s32 s2, s16  }
0x8e: {  	[smem:$0x3FB9] =	sst s2  }
0x8f: {  	_ = 	snop  }
0x90: {  	(tm) =	ssettm $0x1  }
0x91: {  	s17 =	sld [smem:$0x3FFB];
	_ =	sdelay $0x3  }
0x92: {  	_ =	strace s17  }
0x93: {  	s2 =	sld [smem:$0x3FFC];
	_ =	sdelay $0x3  }
0x94: {  	_ =	strace s2  }
0x95: {  	s2 =	sld [smem:$0x3FFD];
	_ =	sdelay $0x3  }
0x96: {  	_ =	strace s2  }
0x97: {  	_ =	strace $0x8FFFFFFF  }
0x98: {  	s18 =	sld [smem:$0x3FDB];
	_ =	sdelay $0x1  }
0x99: {  	s19 =	simm.s32 $_scs_section_size  }
0x9a: {  	s4 =	simm.s32 $_size__tile_overlayer_lowered;
	s5 =	simm.s32 $_tile_overlayer_lowered  }
0x9b: {  	s22 =	simm.s32 $0x1BFF;
	s21 =	sshll.u32 s5, $0x1;
	s2 =	sadd.s32 s19, s18  }
0x9c: {  	s6 =	simm.s32 $0x0;
	s20 =	sshll.u32 s4, $0x1;
	s4 =	sadd.s32 s21, s2  }
0x9d: {  	[timem:s6], [sflag:s22] =	dma.local [hbm:s4], s20  }
0x9e: {  	_ =	swait.ge [sflag:s22], s20  }
0x9f: {  	s3 =	ssub.s32 $0x0, s20;
	[sflag:s22] =	ssyncset.done $0x0  }
0xa0: {  	[sflag:s22] =	ssyncadd.s32 s3;
	_ =	sdelay $0x1  }
0xa1: {  	s23 =	simm.s32 $0x1B8B  }
0xa2: {  	_ =	swait.ge [sflag:s23], $0x1  }
0xa3: {  	[sflag:s23] =	ssyncset.done $0x0  }
0xa4: {  	s25 =	simm.s32 $0x1B8E;
	s24 =	sld [smem:$0x3FFE];
	[sflag:s23] =	ssyncadd.s32 $0xFFFFFFFF  }
0xa5: {  	s26 =	simm.s32 $execute0_lowered;
	[smem:$0x3FD2] =	sst s25  }
0xa6: {  	s4 =	sshll.u32 s26, $0x1;
	_ =	strace $0x80000046;
	[dreg:$0x1] =	wrdreg $0xFFFFFFFF  }
0xa7: {  	s28 =	simm.s32 $_size_execute0_lowered;
	s2 =	sadd.s32 s2, s4;
	[dreg:$0x0] =	wrdreg $0x0  }
0xa8: {  	s4 =	sshll.u32 s28, $0x1;
	[dreg:$0x2] =	wrdreg s2  }
0xa9: {  	[dreg:$0x3] =	wrdreg s4  }
0xaa: {  	[dreg:$0x4] =	wrdreg $0xC0  }
0xab: {  	_ =	task [dreg:s6], $0x5FFFF  }
0xac: {  	[dreg:$0x1] =	wrdreg $0xFFFFFFFF  }
0xad: {  	[dreg:$0x0] =	wrdreg $0x60  }
0xae: {  	[dreg:$0x2] =	wrdreg s24  }
0xaf: {  	[dreg:$0x3] =	wrdreg $0xA  }
0xb0: {  	_ =	task.clear_ibuf [dreg:s6], $0x4FFFF;
	_ =	strace $0x90000046  }
0xb1: {  	s29 =	simm.s32 $0xA;
	_ =	strace $0x80000048  }
0xb2: {  	_ =	swait.ge [sflag:s29], $0x1  }
0xb3: {  	[sflag:s29] =	ssyncadd.s32 $0xFFFFFFFF  }
0xb4: {  	_ =	strace $0x90000048  }
0xb5: {  	_ =	sfence  }
0xb6: {  	s30 =	sld [smem:$0x0];
	_ =	sdelay $0x2  }
0xb7: {  	s31 =	sshll.u32 s1, $0xD;
	s1 =	sshrl.u32 s1, $0x2  }
0xb8: {  	s3 =	sand.u32 $0x4000, s31;
	s1 =	sadd.s32 s1, s30  }
0xb9: {  	s0 =	sor.u32 s3, s0;
	s1 =	sshll.u32 s1, $0x11  }
0xba: {  	s0 =	sor.u32 s1, s0  }
0xbb: {  	s0 =	sadd.s32 $0x8F2B, s0  }
0xbc: {  	[sflag:s0] =	ssyncadd.remote.s32 $0x1  }
0xbd: {  	_ =	sfence.sel $0xFFFF  }
0xbe: {  	[dreg:$0x0] =	wrdreg $0xFFFFFFFF;
	(pc) =	sbr.abs _section_cstart, $3  }
0xbf: {  	[dreg:$0x1] =	wrdreg $0xFFFFFFFF  }
0xc0: {  	_ =	task.clear_ibuf [dreg:s6], $0x2FFFF;
	_ =	strace $0x9FFFFFFF  }
0xc1: {  	(tm) =	ssettm $0x7FFFFFFF  }
tec
execute0_lowered:
.L_overlay_start_1:
0x0: {  	(tag) =	ssettag $0x1  }
0x1: {  	s1 =	srdreg.scid;
	s0 =	stileid.u32  }
0x2: {  	s20 =	sand.u32 $0x1, s1;
	s28 =	sshll.u32 s0, $0x1  }
0x3: {  	s9 =	rddreg [dreg:$0x0];
	s10 =	sor.u32 s20, s28  }
0x4: {  	s2 =	simm.s32 $0x0;
	s1 =	rddreg [dreg:$0x1];
	s16 =	smul.u32 $0x1400, s10  }
0x5: {  	[smem:$0x7FF] =	sst s2  }
0x6: {  	s17 =	sadd.s32 $0x4000, s9;
	s3 =	sshrl.u32 s16, $0x3;
	s13 =	sadd.s32 $0x400, s16  }
0x7: {  	_ =	strace $0x80000047;
	s3 =	sadd.s32 s17, s3;
	s4 =	sshrl.u32 s13, $0x3  }
0x8: {  	[tilespmem:s2], [sflag:$0x1] =	stream.linear.gather [hbm4b:s3+s2], $0x400, $0x38;
	[tilespmem:$0x10800] =	vst v63  }
0x9: {  	s5 =	simm.s32 $0x400;
	s6 =	simm.s32 $0x1;
	s4 =	sadd.s32 s17, s4  }
0xa: {  	[tilespmem:s5], [sflag:$0x2] =	stream.linear.gather [hbm4b:s4+s2], $0x400, $0x38;
	[tilespmem:$0x10800] =	vst v63  }
0xb: {  	_ =	swait.ge [sflag:s6], $0x400  }
0xc: {  	[sflag:s6] =	ssyncset.done $0x0  }
0xd: {  	s8 =	simm.s32 $0x800;
	s7 =	sadd.s32 $0x9000, s9;
	[sflag:s6] =	ssyncadd.s32 $0xFFFFFC00  }
0xe: {  	[tilespmem:s8], [sflag:$0x1] =	stream.indirect.gather [hbm4b:s7+s5], $0x20, s2, s5, $0xb8;
	[tilespmem:$0x10800] =	vst v63  }
0xf: {  	s10 =	smul.u32 $0x5000, s10;
	_ =	swait.ge [sflag:s6], $0x8000  }
0x10: {  	s21 =	sadd.s32 $0x12E00, s9;
	s18 =	sadd.s32 $0x800, s16;
	[sflag:s6] =	ssyncset.done $0x0  }
0x11: {  	s9 =	sadd.s32 s21, s10;
	s29 =	sshrl.u32 s18, $0x3;
	[sflag:s6] =	ssyncadd.s32 $0xFFFF8000  }
0x12: {  	[hbm4b:s9+s2] =	stream.linear.scatter [tilespmem:s8], [sflag:$0x3], $0x8000, $0x38;
	[tilespmem:$0x10800] =	vst v63  }
0x13: {  	s11 =	simm.s32 $0x2;
	s10 =	sadd.s32 s17, s29  }
0x14: {  	[tilespmem:s2], [sflag:$0x1] =	stream.linear.gather [hbm4b:s10+s2], $0x400, $0x38;
	[tilespmem:$0x10800] =	vst v63  }
0x15: {  	_ =	swait.ge [sflag:s11], $0x400  }
0x16: {  	[sflag:s11] =	ssyncset.done $0x0  }
0x17: {  	s12 =	simm.s32 $0x8800;
	[sflag:s11] =	ssyncadd.s32 $0xFFFFFC00  }
0x18: {  	[tilespmem:s12], [sflag:$0x2] =	stream.indirect.gather [hbm4b:s7+s5], $0x20, s5, s5, $0xb8;
	[tilespmem:$0x10800] =	vst v63  }
0x19: {  	_ =	swait.ge [sflag:s11], $0x8000  }
0x1a: {  	s19 =	sadd.s32 $0xC00, s16;
	s13 =	sshll.u32 s13, $0x2;
	[sflag:s11] =	ssyncset.done $0x0  }
0x1b: {  	s14 =	sshrl.u32 s19, $0x3;
	s13 =	sadd.s32 s21, s13;
	[sflag:s11] =	ssyncadd.s32 $0xFFFF8000  }
0x1c: {  	[hbm4b:s13+s2] =	stream.linear.scatter [tilespmem:s12], [sflag:$0x4], $0x8000, $0x38;
	[tilespmem:$0x10800] =	vst v63  }
0x1d: {  	s14 =	sadd.s32 s17, s14  }
0x1e: {  	[tilespmem:s5], [sflag:$0x2] =	stream.linear.gather [hbm4b:s14+s2], $0x400, $0x38;
	[tilespmem:$0x10800] =	vst v63  }
0x1f: {  	_ =	swait.ge [sflag:s6], $0x400  }
0x20: {  	[sflag:s6] =	ssyncset.done $0x0  }
0x21: {  	s15 =	simm.s32 $0x3;
	[sflag:s6] =	ssyncadd.s32 $0xFFFFFC00  }
0x22: {  	_ =	swait.ge [sflag:s15], $0x8000  }
0x23: {  	[sflag:s15] =	ssyncset.done $0x0  }
0x24: {  	[sflag:s15] =	ssyncadd.s32 $0xFFFF8000  }
0x25: {  	[tilespmem:s8], [sflag:$0x1] =	stream.indirect.gather [hbm4b:s7+s5], $0x20, s2, s5, $0xb8;
	[tilespmem:$0x10800] =	vst v63  }
0x26: {  	_ =	swait.ge [sflag:s6], $0x8000  }
0x27: {  	s22 =	sadd.s32 $0x1000, s16;
	s18 =	sshll.u32 s18, $0x2;
	[sflag:s6] =	ssyncset.done $0x0  }
0x28: {  	s30 =	sshrl.u32 s22, $0x3;
	s16 =	sadd.s32 s21, s18;
	[sflag:s6] =	ssyncadd.s32 $0xFFFF8000  }
0x29: {  	[hbm4b:s16+s2] =	stream.linear.scatter [tilespmem:s8], [sflag:$0x3], $0x8000, $0x38;
	[tilespmem:$0x10800] =	vst v63  }
0x2a: {  	s17 =	sadd.s32 s17, s30  }
0x2b: {  	[tilespmem:s2], [sflag:$0x1] =	stream.linear.gather [hbm4b:s17+s2], $0x400, $0x38;
	[tilespmem:$0x10800] =	vst v63  }
0x2c: {  	_ =	swait.ge [sflag:s11], $0x400  }
0x2d: {  	[sflag:s11] =	ssyncset.done $0x0  }
0x2e: {  	s18 =	simm.s32 $0x4;
	[sflag:s11] =	ssyncadd.s32 $0xFFFFFC00  }
0x2f: {  	_ =	swait.ge [sflag:s18], $0x8000  }
0x30: {  	[sflag:s18] =	ssyncset.done $0x0  }
0x31: {  	[sflag:s18] =	ssyncadd.s32 $0xFFFF8000  }
0x32: {  	[tilespmem:s12], [sflag:$0x2] =	stream.indirect.gather [hbm4b:s7+s5], $0x20, s5, s5, $0xb8;
	[tilespmem:$0x10800] =	vst v63  }
0x33: {  	_ =	swait.ge [sflag:s11], $0x8000  }
0x34: {  	s19 =	sshll.u32 s19, $0x2;
	[sflag:s11] =	ssyncset.done $0x0  }
0x35: {  	s19 =	sadd.s32 s21, s19;
	[sflag:s11] =	ssyncadd.s32 $0xFFFF8000  }
0x36: {  	[hbm4b:s19+s2] =	stream.linear.scatter [tilespmem:s12], [sflag:$0x4], $0x8000, $0x38;
	[tilespmem:$0x10800] =	vst v63  }
0x37: {  	_ =	swait.ge [sflag:s6], $0x400  }
0x38: {  	[sflag:s6] =	ssyncset.done $0x0  }
0x39: {  	[sflag:s6] =	ssyncadd.s32 $0xFFFFFC00  }
0x3a: {  	_ =	swait.ge [sflag:s15], $0x8000  }
0x3b: {  	s23 =	ssub.s32 $0x2, s20;
	[sflag:s15] =	ssyncset.done $0x0  }
0x3c: {  	s31 =	sshrl.u32 s23, $0x1;
	s22 =	sshll.u32 s22, $0x2;
	[sflag:s15] =	ssyncadd.s32 $0xFFFF8000  }
0x3d: {  	[tilespmem:s8], [sflag:$0x1] =	stream.indirect.gather [hbm4b:s7+s5], $0x20, s2, s5, $0xb8;
	[tilespmem:$0x10800] =	vst v63  }
0x3e: {  	s20 =	sadd.s32 s21, s22;
	s21 =	ssub.s32 s23, s31;
	_ =	swait.ge [sflag:s6], $0x8000  }
0x3f: {  	s21 =	smax.u32 s21, $0x1;
	[sflag:s6] =	ssyncset.done $0x0  }
0x40: {  	p0 =	sne.s32 s21, $0x1;
	[sflag:s6] =	ssyncadd.s32 $0xFFFF8000  }
0x41: {  	[hbm4b:s20+s2] =	stream.linear.scatter [tilespmem:s8], [sflag:$0x3], $0x8000, $0x38;
	[tilespmem:$0x10800] =	vst v63  }
.Ltmp0:
0x42: {  	_ =	swait.ge [sflag:s18], $0x8000;
	(pc) =	sbr.rel @!p0 .LBB2_2-.Ltmp0, $4  }
0x43: {  	[sflag:s18] =	ssyncset.done $0x0  }
0x44: {  	[sflag:s18] =	ssyncadd.s32 $0xFFFF8000  }
0x45: {  	_ =	swait.ge [sflag:s15], $0x8000  }
0x46: {  	s21 =	sadd.s32 $0xFFFFFFFF, s21;
	[sflag:s15] =	ssyncset.done $0x0  }
.LBB2_1:
0x47: {  	p0 =	sne.s32 s21, $0x1;
	s21 =	sadd.s32 $0xFFFFFFFF, s21;
	[sflag:s15] =	ssyncadd.s32 $0xFFFF8000  }
0x48: {  	[tilespmem:s2], [sflag:$0x1] =	stream.linear.gather [hbm4b:s3+s2], $0x400, $0x38;
	[tilespmem:$0x10800] =	vst v63  }
0x49: {  	_ = 	snop  }
0x4a: {  	[tilespmem:s5], [sflag:$0x2] =	stream.linear.gather [hbm4b:s4+s2], $0x400, $0x38;
	[tilespmem:$0x10800] =	vst v63  }
0x4b: {  	_ =	swait.ge [sflag:s6], $0x400  }
0x4c: {  	[sflag:s6] =	ssyncset.done $0x0  }
0x4d: {  	[sflag:s6] =	ssyncadd.s32 $0xFFFFFC00  }
0x4e: {  	[tilespmem:s8], [sflag:$0x1] =	stream.indirect.gather [hbm4b:s7+s5], $0x20, s2, s5, $0xb8;
	[tilespmem:$0x10800] =	vst v63  }
0x4f: {  	_ =	swait.ge [sflag:s6], $0x8000  }
0x50: {  	[sflag:s6] =	ssyncset.done $0x0  }
0x51: {  	[sflag:s6] =	ssyncadd.s32 $0xFFFF8000  }
0x52: {  	[hbm4b:s9+s2] =	stream.linear.scatter [tilespmem:s8], [sflag:$0x3], $0x8000, $0x38;
	[tilespmem:$0x10800] =	vst v63  }
0x53: {  	_ = 	snop  }
0x54: {  	[tilespmem:s2], [sflag:$0x1] =	stream.linear.gather [hbm4b:s10+s2], $0x400, $0x38;
	[tilespmem:$0x10800] =	vst v63  }
0x55: {  	_ =	swait.ge [sflag:s11], $0x400  }
0x56: {  	[sflag:s11] =	ssyncset.done $0x0  }
0x57: {  	[sflag:s11] =	ssyncadd.s32 $0xFFFFFC00  }
0x58: {  	[tilespmem:s12], [sflag:$0x2] =	stream.indirect.gather [hbm4b:s7+s5], $0x20, s5, s5, $0xb8;
	[tilespmem:$0x10800] =	vst v63  }
0x59: {  	_ =	swait.ge [sflag:s11], $0x8000  }
0x5a: {  	[sflag:s11] =	ssyncset.done $0x0  }
0x5b: {  	[sflag:s11] =	ssyncadd.s32 $0xFFFF8000  }
0x5c: {  	[hbm4b:s13+s2] =	stream.linear.scatter [tilespmem:s12], [sflag:$0x4], $0x8000, $0x38;
	[tilespmem:$0x10800] =	vst v63  }
0x5d: {  	_ = 	snop  }
0x5e: {  	[tilespmem:s5], [sflag:$0x2] =	stream.linear.gather [hbm4b:s14+s2], $0x400, $0x38;
	[tilespmem:$0x10800] =	vst v63  }
0x5f: {  	_ =	swait.ge [sflag:s6], $0x400  }
0x60: {  	[sflag:s6] =	ssyncset.done $0x0  }
0x61: {  	[sflag:s6] =	ssyncadd.s32 $0xFFFFFC00  }
0x62: {  	_ =	swait.ge [sflag:s15], $0x8000  }
0x63: {  	[sflag:s15] =	ssyncset.done $0x0  }
0x64: {  	[sflag:s15] =	ssyncadd.s32 $0xFFFF8000  }
0x65: {  	[tilespmem:s8], [sflag:$0x1] =	stream.indirect.gather [hbm4b:s7+s5], $0x20, s2, s5, $0xb8;
	[tilespmem:$0x10800] =	vst v63  }
0x66: {  	_ =	swait.ge [sflag:s6], $0x8000  }
0x67: {  	[sflag:s6] =	ssyncset.done $0x0  }
0x68: {  	[sflag:s6] =	ssyncadd.s32 $0xFFFF8000  }
0x69: {  	[hbm4b:s16+s2] =	stream.linear.scatter [tilespmem:s8], [sflag:$0x3], $0x8000, $0x38;
	[tilespmem:$0x10800] =	vst v63  }
0x6a: {  	_ = 	snop  }
0x6b: {  	[tilespmem:s2], [sflag:$0x1] =	stream.linear.gather [hbm4b:s17+s2], $0x400, $0x38;
	[tilespmem:$0x10800] =	vst v63  }
0x6c: {  	_ =	swait.ge [sflag:s11], $0x400  }
0x6d: {  	[sflag:s11] =	ssyncset.done $0x0  }
0x6e: {  	[sflag:s11] =	ssyncadd.s32 $0xFFFFFC00  }
0x6f: {  	_ =	swait.ge [sflag:s18], $0x8000  }
0x70: {  	[sflag:s18] =	ssyncset.done $0x0  }
0x71: {  	[sflag:s18] =	ssyncadd.s32 $0xFFFF8000  }
0x72: {  	[tilespmem:s12], [sflag:$0x2] =	stream.indirect.gather [hbm4b:s7+s5], $0x20, s5, s5, $0xb8;
	[tilespmem:$0x10800] =	vst v63  }
0x73: {  	_ =	swait.ge [sflag:s11], $0x8000  }
0x74: {  	[sflag:s11] =	ssyncset.done $0x0  }
0x75: {  	[sflag:s11] =	ssyncadd.s32 $0xFFFF8000  }
0x76: {  	[hbm4b:s19+s2] =	stream.linear.scatter [tilespmem:s12], [sflag:$0x4], $0x8000, $0x38;
	[tilespmem:$0x10800] =	vst v63  }
0x77: {  	_ =	swait.ge [sflag:s6], $0x400  }
0x78: {  	[sflag:s6] =	ssyncset.done $0x0  }
0x79: {  	[sflag:s6] =	ssyncadd.s32 $0xFFFFFC00  }
0x7a: {  	_ =	swait.ge [sflag:s15], $0x8000  }
0x7b: {  	[sflag:s15] =	ssyncset.done $0x0  }
0x7c: {  	[sflag:s15] =	ssyncadd.s32 $0xFFFF8000  }
0x7d: {  	[tilespmem:s8], [sflag:$0x1] =	stream.indirect.gather [hbm4b:s7+s5], $0x20, s2, s5, $0xb8;
	[tilespmem:$0x10800] =	vst v63  }
0x7e: {  	_ =	swait.ge [sflag:s6], $0x8000  }
0x7f: {  	[sflag:s6] =	ssyncset.done $0x0  }
0x80: {  	[sflag:s6] =	ssyncadd.s32 $0xFFFF8000  }
0x81: {  	[hbm4b:s20+s2] =	stream.linear.scatter [tilespmem:s8], [sflag:$0x3], $0x8000, $0x38;
	[tilespmem:$0x10800] =	vst v63  }
.Ltmp1:
0x82: {  	_ =	swait.ge [sflag:s18], $0x8000;
	(pc) =	sbr.rel @p0 .LBB2_1-.Ltmp1, $4  }
0x83: {  	[sflag:s18] =	ssyncset.done $0x0  }
0x84: {  	[sflag:s18] =	ssyncadd.s32 $0xFFFF8000  }
0x85: {  	_ =	swait.ge [sflag:s15], $0x8000  }
0x86: {  	[sflag:s15] =	ssyncset.done $0x0  }
.LBB2_2:
0x87: {  	[sflag:s15] =	ssyncadd.s32 $0xFFFF8000  }
0x88: {  	_ =	sfence.sel $0x180000  }
0x89: {  	[bflag:$0x0] =	sbarrier.arrive $0xFFFF  }
0x8a: {  	p0 =	sne.s32 s0, $0x0;
	_ =	strace $0x90000047  }
0x8b: {  	s0 =	sadd.s32 @!p0 $0x100000, s1;
	[bflag:$0x2] =	sbarrier.arrive $0xFFFF  }
0x8c: {  	[sflag:s0] =	ssyncadd.tile.s32 @!p0 $0x1;
	_ =	shalt  }
.Lfunc_end2:
_tile_overlayer_lowered:
.L_overlay_start_2:
0x8d: {  	(tag) =	ssettag $0x2  }
0x8e: {  	s0 =	rddreg [dreg:$0x0];
	s2 =	stileid.u32  }
0x8f: {  	s1 =	rddreg [dreg:$0x1];
	p0 =	sne.s32 s2, $0x0  }
0x90: {  	s3 =	rddreg [dreg:$0x2];
	[bflag:$0x3] =	sbarrier.arrive $0xFFFF;
	s2 =	simm.s32 @!p0 $0x1C05  }
0x91: {  	[timem:s3], [sflag:s2] =	dma.local @!p0 [hbm:s0], s1  }
0x92: {  	s0 =	simm.s32 @!p0 $0x5  }
0x93: {  	_ =	swait.ge @!p0 [sflag:s0], s1  }
0x94: {  	s1 =	ssub.s32 @!p0 $0x0, s1;
	[sflag:s0] =	ssyncset.done @!p0 $0x0  }
0x95: {  	[sflag:s0] =	ssyncadd.s32 @!p0 s1  }
0x96: {  	[bflag:$0x3] =	sbarrier.arrive $0xFFFF  }
0x97: {  	_ =	shalt  }

// kernel: kernel.18.cloned.1.call-start
scs
__scs_entry_jumppad:
0x0: {  	(pc) =	sbr.rel $0x88, $3  }
0x1: {  	(tag) =	ssettag $0x0;
	lr =	simm.s32 $0x1  }
0x2: {  	[smem:$0x3F92] =	sst lr;
	_ =	strace $0xD0000000  }
0x3: {  	_ = 	snop  }
0x4: {  	_ = 	snop  }
0x5: {  	_ = 	snop  }
0x6: {  	_ = 	snop  }
0x7: {  	_ = 	snop  }
__scs_overlays_trampoline_lowered:
0x8: {  	[smem:$0x3FA1] =	sst s0  }
0x9: {  	[smem:$0x3FA2] =	sst s1  }
0xa: {  	[smem:$0x3FA3] =	sst s2  }
0xb: {  	[smem:$0x3FA4] =	sst s3  }
0xc: {  	[smem:$0x3FA5] =	sst s4  }
0xd: {  	[smem:$0x3FA6] =	sst s5  }
0xe: {  	[smem:$0x3FA7] =	sst s6  }
0xf: {  	[smem:$0x3FA8] =	sst s7  }
0x10: {  	[smem:$0x3FA9] =	sst s8  }
0x11: {  	[smem:$0x3FAA] =	sst s9;
	s0 =	simm.s32 @!p0 $0x0  }
0x12: {  	s1 =	sld [smem:$0x3F90];
	s0 =	simm.s32 @p0 $0x1  }
0x13: {  	[smem:$0x3FAB] =	sst s0;
	s0 =	simm.s32 @!p1 $0x0  }
0x14: {  	s2 =	sld [smem:$0x3F8F];
	s0 =	simm.s32 @p1 $0x1  }
0x15: {  	[smem:$0x3FAC] =	sst s0;
	s0 =	simm.s32 @!p2 $0x0  }
0x16: {  	s3 =	sld [smem:$0x3FDB];
	s0 =	simm.s32 @p2 $0x1  }
0x17: {  	s4 =	simm.s32 $0x1BF5;
	[smem:$0x3FAE] =	sst s0  }
0x18: {  	s0 =	sld [smem:$0x3F91];
	_ =	swait.ge [sflag:s4], $0x0  }
0x19: {  	s7 =	sld [smem:$0x3F92]  }
0x1a: {  	s8 =	sadd.s32 $0xFFFFE003, lr  }
0x1b: {  	s9 =	sadd.s32 $0xFFFFFEF7, lr;
	s5 =	simm.s32 $0xFFFFFFFF;
	p2 =	slt.u32 s8, $0xFFFFF086  }
0x1c: {  	p1 =	slt.u32 s9, $0xF7A;
	s5 =	simm.s32 @!p2 $0x0  }
0x1d: {  	s5 =	simm.s32 @p1 $0x1;
	p0 =	seq.s32 s7, s2  }
0x1e: {  	s7 =	smul.u32 @!p0 $0xF7A, s2;
	p2 =	seq.s32 @!p0 s5, $0x0  }
0x1f: {  	s9 =	smul.u32 $0xF7A, s1;
	s8 =	simm.s32 @!p0 $0x1BF5;
	p2 =	por !p2, p0  }
0x20: {  	[sflag:s8] =	ssyncset.s32 @!p0 $0xFFFFF086;
	s6 =	sadd.s32 @!p0 s3, s7;
	s7 =	simm.s32 @!p0 $0x108  }
0x21: {  	s3 =	sadd.s32 s3, s9;
	s6 =	sadd.s32 @!p0 $0x88, s6;
	s7 =	simm.s32 @p2 $0x1082  }
0x22: {  	[simem:s7], [sflag:s8] =	dma.local @!p0 [hbm:s6], $0xF7A  }
0x23: {  	s9 =	sor.u32 $0xD0000000, s2;
	s6 =	simm.s32 $0x108;
	_ =	swait.ge @!p0 [sflag:s8], $0x0  }
0x24: {  	s3 =	sadd.s32 $0x88, s3;
	s6 =	simm.s32 @!p1 $0x1082;
	[sflag:s4] =	ssyncset.s32 $0xFFFFF086  }
0x25: {  	[simem:s6], [sflag:s4] =	dma.local [hbm:s3], $0xF7A  }
0x26: {  	[smem:$0x3F92] =	sst s1;
	(tag) =	ssettag s2;
	_ =	strace s9  }
0x27: {  	s1 =	sld [smem:$0x3FA2]  }
0x28: {  	s2 =	sld [smem:$0x3FA3]  }
0x29: {  	s4 =	sld [smem:$0x3FA5]  }
0x2a: {  	p0 =	seq.s32 s5, $0x0;
	s5 =	sld [smem:$0x3FA6]  }
0x2b: {  	s6 =	sld [smem:$0x3FA7]  }
0x2c: {  	s7 =	sld [smem:$0x3FA8]  }
0x2d: {  	s3 =	simm.s32 $0x108;
	s8 =	sld [smem:$0x3FA9]  }
0x2e: {  	s3 =	simm.s32 @!p0 $0x1082;
	s9 =	sld [smem:$0x3FAA]  }
0x2f: {  	lr =	sadd.s32 s0, s3;
	s0 =	sld [smem:$0x3FA1]  }
0x30: {  	s3 =	sld [smem:$0x3FA4]  }
0x31: {  	[smem:$0x3FAD] =	sst s10  }
0x32: {  	s10 =	sld [smem:$0x3FAB];
	_ =	sdelay $0x3  }
0x33: {  	p0 =	seq.s32 s10, $0x1;
	s10 =	sld [smem:$0x3FAD];
	_ =	sdelay $0x3  }
0x34: {  	[smem:$0x3FAD] =	sst s10  }
0x35: {  	s10 =	sld [smem:$0x3FAC];
	_ =	sdelay $0x3  }
0x36: {  	p1 =	seq.s32 s10, $0x1;
	s10 =	sld [smem:$0x3FAD];
	_ =	sdelay $0x3  }
0x37: {  	[smem:$0x3FAD] =	sst s10  }
0x38: {  	s10 =	sld [smem:$0x3FAE]  }
0x39: {  	_ = 	snop;
	(pc) =	sbr.ind lr, $3  }
0x3a: {  	_ = 	snop  }
0x3b: {  	_ = 	snop  }
0x3c: {  	p2 =	seq.s32 s10, $0x1;
	s10 =	sld [smem:$0x3FAD]  }
0x3d: {  	_ =	shalt  }
0x3e: {  	_ =	shalt  }
0x3f: {  	_ =	shalt  }
0x40: {  	_ =	shalt  }
0x41: {  	_ =	shalt  }
0x42: {  	_ =	shalt  }
0x43: {  	_ =	shalt  }
0x44: {  	_ =	shalt  }
0x45: {  	_ =	shalt  }
0x46: {  	_ =	shalt  }
0x47: {  	_ =	shalt  }
0x48: {  	_ =	shalt  }
0x49: {  	_ =	shalt  }
0x4a: {  	_ =	shalt  }
0x4b: {  	_ =	shalt  }
0x4c: {  	_ =	shalt  }
0x4d: {  	_ =	shalt  }
0x4e: {  	_ =	shalt  }
0x4f: {  	_ =	shalt  }
0x50: {  	_ =	shalt  }
0x51: {  	_ =	shalt  }
0x52: {  	_ =	shalt  }
0x53: {  	_ =	shalt  }
0x54: {  	_ =	shalt  }
0x55: {  	_ =	shalt  }
0x56: {  	_ =	shalt  }
0x57: {  	_ =	shalt  }
0x58: {  	_ =	shalt  }
0x59: {  	_ =	shalt  }
0x5a: {  	_ =	shalt  }
0x5b: {  	_ =	shalt  }
0x5c: {  	_ =	shalt  }
0x5d: {  	_ =	shalt  }
0x5e: {  	_ =	shalt  }
0x5f: {  	_ =	shalt  }
0x60: {  	_ =	shalt  }
0x61: {  	_ =	shalt  }
0x62: {  	_ =	shalt  }
0x63: {  	_ =	shalt  }
0x64: {  	_ =	shalt  }
0x65: {  	_ =	shalt  }
0x66: {  	_ =	shalt  }
0x67: {  	_ =	shalt  }
0x68: {  	_ =	shalt  }
0x69: {  	_ =	shalt  }
0x6a: {  	_ =	shalt  }
0x6b: {  	_ =	shalt  }
0x6c: {  	_ =	shalt  }
0x6d: {  	_ =	shalt  }
0x6e: {  	_ =	shalt  }
0x6f: {  	_ =	shalt  }
0x70: {  	_ =	shalt  }
0x71: {  	_ =	shalt  }
0x72: {  	_ =	shalt  }
0x73: {  	_ =	shalt  }
0x74: {  	_ =	shalt  }
0x75: {  	_ =	shalt  }
0x76: {  	_ =	shalt  }
0x77: {  	_ =	shalt  }
0x78: {  	_ =	shalt  }
0x79: {  	_ =	shalt  }
0x7a: {  	_ =	shalt  }
0x7b: {  	_ =	shalt  }
0x7c: {  	_ =	shalt  }
0x7d: {  	_ =	shalt  }
0x7e: {  	_ =	shalt  }
0x7f: {  	_ =	shalt  }
0x80: {  	_ =	shalt  }
0x81: {  	_ =	shalt  }
0x82: {  	_ =	shalt  }
0x83: {  	_ =	shalt  }
0x84: {  	_ =	shalt  }
0x85: {  	_ =	shalt  }
0x86: {  	_ =	shalt  }
0x87: {  	_ =	shalt  }
.Lfunc_end0:
.L_simem_size_0:
called_computation.2_lowered:
.L_overlay_start_0:
0x88: {  	s2 =	sld [smem:$0x3FD9]  }
0x89: {  	s3 =	sld [smem:$0x3FFE];
	_ =	sdelay $0x1  }
0x8a: {  	s1 =	srdreg.scid  }
0x8b: {  	s0 =	sand.u32 $0x1, s1  }
0x8c: {  	s17 =	sshll.u32 s0, $0xA;
	s2 =	sadd.s32 s3, s2  }
0x8d: {  	s2 =	sadd.s32 s2, s17  }
0x8e: {  	[smem:$0x3FB9] =	sst s2  }
0x8f: {  	_ = 	snop  }
0x90: {  	s18 =	sld [smem:$0x3FD0];
	(tm) =	ssettm $0x1  }
0x91: {  	s19 =	sld [smem:$0x3FFB];
	_ =	sdelay $0x3  }
0x92: {  	_ =	strace s19  }
0x93: {  	s2 =	sld [smem:$0x3FFC];
	_ =	sdelay $0x3  }
0x94: {  	_ =	strace s2  }
0x95: {  	s2 =	sld [smem:$0x3FFD];
	_ =	sdelay $0x3  }
0x96: {  	_ =	strace s2  }
0x97: {  	_ =	strace $0x8FFFFFFF  }
0x98: {  	s20 =	sld [smem:$0x3FDB];
	_ =	sdelay $0x1  }
0x99: {  	s4 =	simm.s32 $_scs_section_size  }
0x9a: {  	s5 =	simm.s32 $_size__tile_overlayer_lowered;
	s6 =	simm.s32 $_tile_overlayer_lowered  }
0x9b: {  	s7 =	simm.s32 $0x1BFF;
	s21 =	sshll.u32 s6, $0x1;
	s4 =	sadd.s32 s4, s20  }
0x9c: {  	s22 =	simm.s32 $0x0;
	s5 =	sshll.u32 s5, $0x1;
	s6 =	sadd.s32 s21, s4  }
0x9d: {  	[timem:s22], [sflag:s7] =	dma.local [hbm:s6], s5  }
0x9e: {  	_ =	swait.ge [sflag:s7], s5  }
0x9f: {  	s5 =	ssub.s32 $0x0, s5;
	[sflag:s7] =	ssyncset.done $0x0  }
0xa0: {  	[sflag:s7] =	ssyncadd.s32 s5;
	_ =	sdelay $0x1  }
0xa1: {  	s23 =	simm.s32 $0x1B8B  }
0xa2: {  	_ =	swait.ge [sflag:s23], $0x1  }
0xa3: {  	[sflag:s23] =	ssyncset.done $0x0  }
0xa4: {  	[sflag:s23] =	ssyncadd.s32 $0xFFFFFFFF  }
0xa5: {  	s5 =	sld [smem:$0x0]  }
0xa6: {  	s6 =	sand.u32 $0xFFFFFFFE, s1  }
0xa7: {  	p0 =	sne.s32 s1, s6  }
0xa8: {  	s6 =	sshll.u32 @p0 s6, $0xE  }
0xa9: {  	s6 =	sadd.s32 @p0 $0x11B8D, s6;
	s7 =	sshll.u32 @p0 s5, $0x11  }
0xaa: {  	s6 =	sor.u32 @p0 s7, s6  }
0xab: {  	[sflag:s6] =	ssyncadd.remote.s32 @p0 $0x1;
	_ =	sdelay $0x1  }
0xac: {  	s6 =	simm.s32 @p0 $0x1B8D  }
0xad: {  	_ =	swait.eq @p0 [sflag:s6], $0x1  }
0xae: {  	[sflag:s6] =	ssyncadd.s32 @p0 $0xFFFFFFFF  }
0xaf: {  	s7 =	sshll.u32 @!p0 s1, $0xE  }
0xb0: {  	s7 =	sor.u32 @!p0 $0x4000, s7;
	s6 =	simm.s32 @!p0 $0x1B8D  }
0xb1: {  	s5 =	sshll.u32 @!p0 s5, $0x11;
	s7 =	sadd.s32 @!p0 $0x11B8D, s7;
	_ =	swait.eq @!p0 [sflag:s6], $0x1  }
0xb2: {  	s5 =	sor.u32 @!p0 s5, s7;
	[sflag:s6] =	ssyncadd.s32 @!p0 $0xFFFFFFFF  }
0xb3: {  	s25 =	simm.s32 $0x1B8E;
	s24 =	sld [smem:$0x3FFE];
	[sflag:s5] =	ssyncadd.remote.s32 @!p0 $0x1  }
0xb4: {  	s26 =	simm.s32 $execute0_lowered;
	[smem:$0x3FD2] =	sst s25  }
0xb5: {  	s6 =	sshll.u32 s26, $0x1;
	_ =	strace $0x8000004C;
	[dreg:$0x1] =	wrdreg $0xFFFFFFFF  }
0xb6: {  	s28 =	simm.s32 $_size_execute0_lowered;
	s4 =	sadd.s32 s4, s6;
	[dreg:$0x0] =	wrdreg $0x0  }
0xb7: {  	s6 =	sshll.u32 s28, $0x1;
	[dreg:$0x2] =	wrdreg s4  }
0xb8: {  	[dreg:$0x3] =	wrdreg s6  }
0xb9: {  	[dreg:$0x4] =	wrdreg $0xC0  }
0xba: {  	_ =	task [dreg:s22], $0x5FFFF  }
0xbb: {  	[dreg:$0x1] =	wrdreg $0xFFFFFFFF  }
0xbc: {  	[dreg:$0x0] =	wrdreg $0x60  }
0xbd: {  	[dreg:$0x2] =	wrdreg s24  }
0xbe: {  	[dreg:$0x3] =	wrdreg s18  }
0xbf: {  	[dreg:$0x4] =	wrdreg $0x14A000  }
0xc0: {  	[dreg:$0x5] =	wrdreg $0xA  }
0xc1: {  	_ =	task.clear_ibuf [dreg:s22], $0x6FFFF;
	_ =	strace $0x9000004C  }
0xc2: {  	s29 =	simm.s32 $0xA;
	_ =	strace $0x8000004E  }
0xc3: {  	_ =	swait.ge [sflag:s29], $0x1  }
0xc4: {  	[sflag:s29] =	ssyncadd.s32 $0xFFFFFFFF  }
0xc5: {  	_ =	strace $0x9000004E  }
0xc6: {  	_ =	sfence  }
0xc7: {  	s30 =	sld [smem:$0x0];
	_ =	sdelay $0x2  }
0xc8: {  	s31 =	sshll.u32 s1, $0xD;
	s1 =	sshrl.u32 s1, $0x2  }
0xc9: {  	s4 =	sand.u32 $0x4000, s31;
	s1 =	sadd.s32 s1, s30  }
0xca: {  	s0 =	sor.u32 s4, s0;
	s1 =	sshll.u32 s1, $0x11  }
0xcb: {  	s0 =	sor.u32 s1, s0  }
0xcc: {  	s0 =	sadd.s32 $0x8F2B, s0  }
0xcd: {  	[sflag:s0] =	ssyncadd.remote.s32 $0x1  }
0xce: {  	_ =	sfence.sel $0xFFFF  }
0xcf: {  	[dreg:$0x0] =	wrdreg $0xFFFFFFFF;
	(pc) =	sbr.abs _section_cstart, $3  }
0xd0: {  	[dreg:$0x1] =	wrdreg $0xFFFFFFFF  }
0xd1: {  	_ =	task.clear_ibuf [dreg:s22], $0x2FFFF;
	_ =	strace $0x9FFFFFFF  }
0xd2: {  	(tm) =	ssettm $0x7FFFFFFF  }
0xd3: {  	_ =	shalt  }
tec
execute0_lowered:
.L_overlay_start_1:
0x0: {  	(tag) =	ssettag $0x1  }
0x1: {  	s5 =	srdreg.scid;
	s8 =	stileid.u32  }
0x2: {  	s3 =	rddreg [dreg:$0x0];
	s5 =	sand.u32 $0x1, s5;
	s6 =	sshll.u32 s8, $0x1  }
0x3: {  	s4 =	rddreg [dreg:$0x1];
	s7 =	sadd.s32 $0xD7E00, s3;
	s6 =	sor.u32 s5, s6  }
0x4: {  	s12 =	sadd.s32 $0xB2E00, s3;
	s30 =	ssub.s32 $0x2, s5;
	s10 =	smul.u32 $0x1400, s6  }
0x5: {  	s9 =	sadd.s32 $0xB7E00, s3;
	s11 =	sshrl.u32 s30, $0x1;
	s6 =	smul.u32 $0x5000, s6  }
0x6: {  	s3 =	ssub.s32 s30, s11;
	s13 =	sadd.s32 $0xA00, s10;
	s10 =	sshrl.u32 s10, $0x3  }
0x7: {  	s3 =	smax.u32 s3, $0x1;
	s14 =	sshrl.u32 s13, $0x3;
	s11 =	sadd.s32 s12, s10  }
0x8: {  	s10 =	sadd.s32 s7, s6;
	s6 =	sadd.s32 s12, s14;
	s14 =	sadd.s32 $0xFFFFFFFF, s3  }
0x9: {  	s1 =	rddreg [dreg:$0x2];
	p2 =	sne.s32 s14, $0x0  }
.Ltmp0:
0xa: {  	s0 =	rddreg [dreg:$0x3];
	s2 =	simm.s32 $0x0;
	(pc) =	sbr.rel @!p2 .LBB2_3-.Ltmp0, $4  }
0xb: {  	p1 =	por $0x0, $0x0;
	[smem:$0x7FF] =	sst s2  }
0xc: {  	p0 =	sne.s32 s8, $0x0;
	s5 =	smul.u32 $0x9C40, s5;
	s31 =	sshll.u32 s13, $0x2  }
0xd: {  	s8 =	simm.s32 $0xA00;
	_ =	strace $0x8000004D;
	s7 =	sadd.s32 s7, s31  }
0xe: {  	s3 =	sadd.s32 s4, s5;
	s4 =	sshrl.u32 @!p0 s1, $0x3;
	s5 =	simm.s32 $0x1  }
0xf: {  	s13 =	simm.s32 @!p0 $0x1C01;
	s12 =	simm.s32 @!p0 $0x1  }
0x10: {  	[spmem:s4], [sflag:s13] =	dma.local @!p0 [hbm:s9], $0x9C80  }
0x11: {  	_ =	swait.ge @!p0 [sflag:s12], $0x9C80  }
0x12: {  	[sflag:s12] =	ssyncset.done @!p0 $0x0  }
0x13: {  	[sflag:s12] =	ssyncadd.s32 @!p0 $0xFFFF6380  }
0x14: {  	[bflag:$0x0] =	sbarrier.arrive $0xFFFF  }
0x15: {  	[tilespmem:s2], [sflag:$0x1] =	stream.linear.gather [hbm4b:s11+s2], $0xA00, $0x38;
	[tilespmem:$0x19840] =	vst v63  }
0x16: {  	_ =	swait.ge [sflag:s5], $0xA00  }
0x17: {  	[sflag:s5] =	ssyncset.done $0x0  }
0x18: {  	[sflag:s5] =	ssyncadd.s32 $0xFFFFF600  }
0x19: {  	[tilespmem:s8], [sflag:$0x1] =	stream.linear.gather [hbm4b:s10+s2], $0x14000, $0x38;
	[tilespmem:$0x19840] =	vst v63  }
0x1a: {  	_ =	swait.ge [sflag:s5], $0x14000  }
0x1b: {  	[sflag:s5] =	ssyncset.done $0x0  }
0x1c: {  	[sflag:s5] =	ssyncadd.s32 $0xFFFEC000  }
0x1d: {  	[spmem:s1] =	stream.indirect.scatter.add.f32 [tilespmem:s8], [sflag:$0x1], $0x20, s2, s8, $0xb8;
	[tilespmem:$0x19840] =	vst v63  }
0x1e: {  	_ =	swait.ge [sflag:s5], $0x14000  }
0x1f: {  	[sflag:s5] =	ssyncset.done $0x0  }
0x20: {  	[sflag:s5] =	ssyncadd.s32 $0xFFFEC000  }
0x21: {  	[tilespmem:s2], [sflag:$0x1] =	stream.linear.gather [hbm4b:s6+s2], $0xA00, $0x38;
	[tilespmem:$0x19840] =	vst v63  }
0x22: {  	_ =	swait.ge [sflag:s5], $0xA00  }
0x23: {  	[sflag:s5] =	ssyncset.done $0x0  }
0x24: {  	[sflag:s5] =	ssyncadd.s32 $0xFFFFF600  }
0x25: {  	[tilespmem:s8], [sflag:$0x1] =	stream.linear.gather [hbm4b:s7+s2], $0x14000, $0x38;
	[tilespmem:$0x19840] =	vst v63  }
0x26: {  	_ =	swait.ge [sflag:s5], $0x14000  }
0x27: {  	[sflag:s5] =	ssyncset.done $0x0  }
0x28: {  	[sflag:s5] =	ssyncadd.s32 $0xFFFEC000  }
0x29: {  	[spmem:s1] =	stream.indirect.scatter.add.f32 [tilespmem:s8], [sflag:$0x1], $0x20, s2, s8, $0xb8;
	[tilespmem:$0x19840] =	vst v63  }
0x2a: {  	s14 =	sadd.s32 $0xFFFFFFFF, s14;
	_ =	swait.ge [sflag:s5], $0x14000  }
0x2b: {  	p2 =	sne.s32 s14, $0x0;
	[sflag:s5] =	ssyncset.done $0x0  }
.Ltmp1:
0x2c: {  	[sflag:s5] =	ssyncadd.s32 $0xFFFEC000;
	(pc) =	sbr.rel @!p2 .LBB2_3-.Ltmp1, $4  }
0x2d: {  	[bflag:$0x0] =	sbarrier.arrive $0xFFFF  }
0x2e: {  	[hbm:s3], [sflag:s13] =	dma.local @!p0 [spmem:s4], $0x9C40  }
0x2f: {  	_ =	swait.ge @!p0 [sflag:s12], $0x9C40  }
0x30: {  	p1 =	por $0x1, $0x1;
	[sflag:s12] =	ssyncset.done @!p0 $0x0  }
.LBB2_2:
0x31: {  	[sflag:s12] =	ssyncadd.s32 @!p0 $0xFFFF63C0  }
0x32: {  	[spmem:s4], [sflag:s13] =	dma.local @!p0 [hbm:s9], $0x9C80  }
0x33: {  	s14 =	sadd.s32 $0xFFFFFFFF, s14;
	_ =	swait.ge @!p0 [sflag:s12], $0x9C80  }
0x34: {  	p2 =	sne.s32 s14, $0x0;
	[sflag:s12] =	ssyncset.done @!p0 $0x0  }
0x35: {  	[sflag:s12] =	ssyncadd.s32 @!p0 $0xFFFF6380  }
0x36: {  	[bflag:$0x0] =	sbarrier.arrive $0xFFFF  }
0x37: {  	[tilespmem:s2], [sflag:$0x1] =	stream.linear.gather [hbm4b:s11+s2], $0xA00, $0x38;
	[tilespmem:$0x19840] =	vst v63  }
0x38: {  	_ =	swait.ge [sflag:s5], $0xA00  }
0x39: {  	[sflag:s5] =	ssyncset.done $0x0  }
0x3a: {  	[sflag:s5] =	ssyncadd.s32 $0xFFFFF600  }
0x3b: {  	[tilespmem:s8], [sflag:$0x1] =	stream.linear.gather [hbm4b:s10+s2], $0x14000, $0x38;
	[tilespmem:$0x19840] =	vst v63  }
0x3c: {  	_ =	swait.ge [sflag:s5], $0x14000  }
0x3d: {  	[sflag:s5] =	ssyncset.done $0x0  }
0x3e: {  	[sflag:s5] =	ssyncadd.s32 $0xFFFEC000  }
0x3f: {  	[spmem:s1] =	stream.indirect.scatter.add.f32 [tilespmem:s8], [sflag:$0x1], $0x20, s2, s8, $0xb8;
	[tilespmem:$0x19840] =	vst v63  }
0x40: {  	_ =	swait.ge [sflag:s5], $0x14000  }
0x41: {  	[sflag:s5] =	ssyncset.done $0x0  }
0x42: {  	[sflag:s5] =	ssyncadd.s32 $0xFFFEC000  }
0x43: {  	[tilespmem:s2], [sflag:$0x1] =	stream.linear.gather [hbm4b:s6+s2], $0xA00, $0x38;
	[tilespmem:$0x19840] =	vst v63  }
0x44: {  	_ =	swait.ge [sflag:s5], $0xA00  }
0x45: {  	[sflag:s5] =	ssyncset.done $0x0  }
0x46: {  	[sflag:s5] =	ssyncadd.s32 $0xFFFFF600  }
0x47: {  	[tilespmem:s8], [sflag:$0x1] =	stream.linear.gather [hbm4b:s7+s2], $0x14000, $0x38;
	[tilespmem:$0x19840] =	vst v63  }
0x48: {  	_ =	swait.ge [sflag:s5], $0x14000  }
0x49: {  	[sflag:s5] =	ssyncset.done $0x0  }
0x4a: {  	[sflag:s5] =	ssyncadd.s32 $0xFFFEC000  }
0x4b: {  	[spmem:s1] =	stream.indirect.scatter.add.f32 [tilespmem:s8], [sflag:$0x1], $0x20, s2, s8, $0xb8;
	[tilespmem:$0x19840] =	vst v63  }
0x4c: {  	_ =	swait.ge [sflag:s5], $0x14000  }
0x4d: {  	[sflag:s5] =	ssyncset.done $0x0  }
.Ltmp2:
0x4e: {  	[sflag:s5] =	ssyncadd.s32 $0xFFFEC000;
	(pc) =	sbr.rel @p2 .LBB2_2-.Ltmp2, $4  }
0x4f: {  	[bflag:$0x0] =	sbarrier.arrive $0xFFFF  }
0x50: {  	[hbm:s3], [sflag:s13] =	dma.local @!p0 [spmem:s4], $0x9C40  }
0x51: {  	_ =	swait.ge @!p0 [sflag:s12], $0x9C40  }
0x52: {  	[sflag:s12] =	ssyncset.done @!p0 $0x0  }
.LBB2_3:
0x53: {  	p1 =	por p0, !p1  }
0x54: {  	s13 =	simm.s32 @!p0 $0x1C01;
	s14 =	simm.s32 @!p0 $0x1;
	[sflag:s12] =	ssyncadd.s32 @!p1 $0xFFFF63C0  }
0x55: {  	[spmem:s4], [sflag:s13] =	dma.local @!p0 [hbm:s9], $0x9C80  }
0x56: {  	_ =	swait.ge @!p0 [sflag:s14], $0x9C80  }
0x57: {  	[sflag:s14] =	ssyncset.done @!p0 $0x0  }
0x58: {  	[sflag:s14] =	ssyncadd.s32 @!p0 $0xFFFF6380  }
0x59: {  	[bflag:$0x0] =	sbarrier.arrive $0xFFFF  }
0x5a: {  	[tilespmem:s2], [sflag:$0x1] =	stream.linear.gather [hbm4b:s11+s2], $0xA00, $0x38;
	[tilespmem:$0x19840] =	vst v63  }
0x5b: {  	_ =	swait.ge [sflag:s5], $0xA00  }
0x5c: {  	[sflag:s5] =	ssyncset.done $0x0  }
0x5d: {  	[sflag:s5] =	ssyncadd.s32 $0xFFFFF600  }
0x5e: {  	[tilespmem:s8], [sflag:$0x1] =	stream.linear.gather [hbm4b:s10+s2], $0x14000, $0x38;
	[tilespmem:$0x19840] =	vst v63  }
0x5f: {  	_ =	swait.ge [sflag:s5], $0x14000  }
0x60: {  	[sflag:s5] =	ssyncset.done $0x0  }
0x61: {  	[sflag:s5] =	ssyncadd.s32 $0xFFFEC000  }
0x62: {  	[spmem:s1] =	stream.indirect.scatter.add.f32 [tilespmem:s8], [sflag:$0x1], $0x20, s2, s8, $0xb8;
	[tilespmem:$0x19840] =	vst v63  }
0x63: {  	_ =	swait.ge [sflag:s5], $0x14000  }
0x64: {  	[sflag:s5] =	ssyncset.done $0x0  }
0x65: {  	[sflag:s5] =	ssyncadd.s32 $0xFFFEC000  }
0x66: {  	[tilespmem:s2], [sflag:$0x1] =	stream.linear.gather [hbm4b:s6+s2], $0xA00, $0x38;
	[tilespmem:$0x19840] =	vst v63  }
0x67: {  	_ =	swait.ge [sflag:s5], $0xA00  }
0x68: {  	[sflag:s5] =	ssyncset.done $0x0  }
0x69: {  	[sflag:s5] =	ssyncadd.s32 $0xFFFFF600  }
0x6a: {  	[tilespmem:s8], [sflag:$0x1] =	stream.linear.gather [hbm4b:s7+s2], $0x14000, $0x38;
	[tilespmem:$0x19840] =	vst v63  }
0x6b: {  	_ =	swait.ge [sflag:s5], $0x14000  }
0x6c: {  	[sflag:s5] =	ssyncset.done $0x0  }
0x6d: {  	[sflag:s5] =	ssyncadd.s32 $0xFFFEC000  }
0x6e: {  	[spmem:s1] =	stream.indirect.scatter.add.f32 [tilespmem:s8], [sflag:$0x1], $0x20, s2, s8, $0xb8;
	[tilespmem:$0x19840] =	vst v63  }
0x6f: {  	_ =	swait.ge [sflag:s5], $0x14000  }
0x70: {  	[sflag:s5] =	ssyncset.done $0x0  }
0x71: {  	[sflag:s5] =	ssyncadd.s32 $0xFFFEC000  }
0x72: {  	[bflag:$0x0] =	sbarrier.arrive $0xFFFF  }
0x73: {  	[hbm:s3], [sflag:s13] =	dma.local @!p0 [spmem:s4], $0x9C40  }
0x74: {  	_ =	swait.ge @!p0 [sflag:s14], $0x9C40  }
0x75: {  	[sflag:s14] =	ssyncset.done @!p0 $0x0  }
0x76: {  	[sflag:s14] =	ssyncadd.s32 @!p0 $0xFFFF63C0  }
0x77: {  	_ =	sfence.sel $0x180000  }
0x78: {  	[bflag:$0x0] =	sbarrier.arrive $0xFFFF  }
0x79: {  	_ =	strace $0x9000004D  }
0x7a: {  	s0 =	sadd.s32 @!p0 $0x100000, s0;
	[bflag:$0x2] =	sbarrier.arrive $0xFFFF  }
0x7b: {  	[sflag:s0] =	ssyncadd.tile.s32 @!p0 $0x1;
	_ =	shalt  }
.Lfunc_end2:
_tile_overlayer_lowered:
.L_overlay_start_2:
0x7c: {  	(tag) =	ssettag $0x2  }
0x7d: {  	s0 =	rddreg [dreg:$0x0];
	s2 =	stileid.u32  }
0x7e: {  	s1 =	rddreg [dreg:$0x1];
	p0 =	sne.s32 s2, $0x0  }
0x7f: {  	s3 =	rddreg [dreg:$0x2];
	[bflag:$0x3] =	sbarrier.arrive $0xFFFF;
	s2 =	simm.s32 @!p0 $0x1C01  }
0x80: {  	[timem:s3], [sflag:s2] =	dma.local @!p0 [hbm:s0], s1  }
0x81: {  	s0 =	simm.s32 @!p0 $0x1  }
0x82: {  	_ =	swait.ge @!p0 [sflag:s0], s1  }
0x83: {  	s1 =	ssub.s32 @!p0 $0x0, s1;
	[sflag:s0] =	ssyncset.done @!p0 $0x0  }
0x84: {  	[sflag:s0] =	ssyncadd.s32 @!p0 s1  }
0x85: {  	[bflag:$0x3] =	sbarrier.arrive $0xFFFF  }
0x86: {  	_ =	shalt  }

// kernel: kernel.21.cloned.1.call-start
scs
__scs_entry_jumppad:
0x0: {  	(pc) =	sbr.rel $0x88, $3  }
0x1: {  	(tag) =	ssettag $0x0;
	lr =	simm.s32 $0x1  }
0x2: {  	[smem:$0x3F92] =	sst lr;
	_ =	strace $0xD0000000  }
0x3: {  	_ = 	snop  }
0x4: {  	_ = 	snop  }
0x5: {  	_ = 	snop  }
0x6: {  	_ = 	snop  }
0x7: {  	_ = 	snop  }
__scs_overlays_trampoline_lowered:
0x8: {  	[smem:$0x3FA1] =	sst s0  }
0x9: {  	[smem:$0x3FA2] =	sst s1  }
0xa: {  	[smem:$0x3FA3] =	sst s2  }
0xb: {  	[smem:$0x3FA4] =	sst s3  }
0xc: {  	[smem:$0x3FA5] =	sst s4  }
0xd: {  	[smem:$0x3FA6] =	sst s5  }
0xe: {  	[smem:$0x3FA7] =	sst s6  }
0xf: {  	[smem:$0x3FA8] =	sst s7  }
0x10: {  	[smem:$0x3FA9] =	sst s8  }
0x11: {  	[smem:$0x3FAA] =	sst s9;
	s0 =	simm.s32 @!p0 $0x0  }
0x12: {  	s1 =	sld [smem:$0x3F90];
	s0 =	simm.s32 @p0 $0x1  }
0x13: {  	[smem:$0x3FAB] =	sst s0;
	s0 =	simm.s32 @!p1 $0x0  }
0x14: {  	s2 =	sld [smem:$0x3F8F];
	s0 =	simm.s32 @p1 $0x1  }
0x15: {  	[smem:$0x3FAC] =	sst s0;
	s0 =	simm.s32 @!p2 $0x0  }
0x16: {  	s3 =	sld [smem:$0x3FDB];
	s0 =	simm.s32 @p2 $0x1  }
0x17: {  	s4 =	simm.s32 $0x1BF5;
	[smem:$0x3FAE] =	sst s0  }
0x18: {  	s0 =	sld [smem:$0x3F91];
	_ =	swait.ge [sflag:s4], $0x0  }
0x19: {  	s7 =	sld [smem:$0x3F92]  }
0x1a: {  	s8 =	sadd.s32 $0xFFFFE003, lr  }
0x1b: {  	s9 =	sadd.s32 $0xFFFFFEF7, lr;
	s5 =	simm.s32 $0xFFFFFFFF;
	p2 =	slt.u32 s8, $0xFFFFF086  }
0x1c: {  	p1 =	slt.u32 s9, $0xF7A;
	s5 =	simm.s32 @!p2 $0x0  }
0x1d: {  	s5 =	simm.s32 @p1 $0x1;
	p0 =	seq.s32 s7, s2  }
0x1e: {  	s7 =	smul.u32 @!p0 $0xF7A, s2;
	p2 =	seq.s32 @!p0 s5, $0x0  }
0x1f: {  	s9 =	smul.u32 $0xF7A, s1;
	s8 =	simm.s32 @!p0 $0x1BF5;
	p2 =	por !p2, p0  }
0x20: {  	[sflag:s8] =	ssyncset.s32 @!p0 $0xFFFFF086;
	s6 =	sadd.s32 @!p0 s3, s7;
	s7 =	simm.s32 @!p0 $0x108  }
0x21: {  	s3 =	sadd.s32 s3, s9;
	s6 =	sadd.s32 @!p0 $0x88, s6;
	s7 =	simm.s32 @p2 $0x1082  }
0x22: {  	[simem:s7], [sflag:s8] =	dma.local @!p0 [hbm:s6], $0xF7A  }
0x23: {  	s9 =	sor.u32 $0xD0000000, s2;
	s6 =	simm.s32 $0x108;
	_ =	swait.ge @!p0 [sflag:s8], $0x0  }
0x24: {  	s3 =	sadd.s32 $0x88, s3;
	s6 =	simm.s32 @!p1 $0x1082;
	[sflag:s4] =	ssyncset.s32 $0xFFFFF086  }
0x25: {  	[simem:s6], [sflag:s4] =	dma.local [hbm:s3], $0xF7A  }
0x26: {  	[smem:$0x3F92] =	sst s1;
	(tag) =	ssettag s2;
	_ =	strace s9  }
0x27: {  	s1 =	sld [smem:$0x3FA2]  }
0x28: {  	s2 =	sld [smem:$0x3FA3]  }
0x29: {  	s4 =	sld [smem:$0x3FA5]  }
0x2a: {  	p0 =	seq.s32 s5, $0x0;
	s5 =	sld [smem:$0x3FA6]  }
0x2b: {  	s6 =	sld [smem:$0x3FA7]  }
0x2c: {  	s7 =	sld [smem:$0x3FA8]  }
0x2d: {  	s3 =	simm.s32 $0x108;
	s8 =	sld [smem:$0x3FA9]  }
0x2e: {  	s3 =	simm.s32 @!p0 $0x1082;
	s9 =	sld [smem:$0x3FAA]  }
0x2f: {  	lr =	sadd.s32 s0, s3;
	s0 =	sld [smem:$0x3FA1]  }
0x30: {  	s3 =	sld [smem:$0x3FA4]  }
0x31: {  	[smem:$0x3FAD] =	sst s10  }
0x32: {  	s10 =	sld [smem:$0x3FAB];
	_ =	sdelay $0x3  }
0x33: {  	p0 =	seq.s32 s10, $0x1;
	s10 =	sld [smem:$0x3FAD];
	_ =	sdelay $0x3  }
0x34: {  	[smem:$0x3FAD] =	sst s10  }
0x35: {  	s10 =	sld [smem:$0x3FAC];
	_ =	sdelay $0x3  }
0x36: {  	p1 =	seq.s32 s10, $0x1;
	s10 =	sld [smem:$0x3FAD];
	_ =	sdelay $0x3  }
0x37: {  	[smem:$0x3FAD] =	sst s10  }
0x38: {  	s10 =	sld [smem:$0x3FAE]  }
0x39: {  	_ = 	snop;
	(pc) =	sbr.ind lr, $3  }
0x3a: {  	_ = 	snop  }
0x3b: {  	_ = 	snop  }
0x3c: {  	p2 =	seq.s32 s10, $0x1;
	s10 =	sld [smem:$0x3FAD]  }
0x3d: {  	_ =	shalt  }
0x3e: {  	_ =	shalt  }
0x3f: {  	_ =	shalt  }
0x40: {  	_ =	shalt  }
0x41: {  	_ =	shalt  }
0x42: {  	_ =	shalt  }
0x43: {  	_ =	shalt  }
0x44: {  	_ =	shalt  }
0x45: {  	_ =	shalt  }
0x46: {  	_ =	shalt  }
0x47: {  	_ =	shalt  }
0x48: {  	_ =	shalt  }
0x49: {  	_ =	shalt  }
0x4a: {  	_ =	shalt  }
0x4b: {  	_ =	shalt  }
0x4c: {  	_ =	shalt  }
0x4d: {  	_ =	shalt  }
0x4e: {  	_ =	shalt  }
0x4f: {  	_ =	shalt  }
0x50: {  	_ =	shalt  }
0x51: {  	_ =	shalt  }
0x52: {  	_ =	shalt  }
0x53: {  	_ =	shalt  }
0x54: {  	_ =	shalt  }
0x55: {  	_ =	shalt  }
0x56: {  	_ =	shalt  }
0x57: {  	_ =	shalt  }
0x58: {  	_ =	shalt  }
0x59: {  	_ =	shalt  }
0x5a: {  	_ =	shalt  }
0x5b: {  	_ =	shalt  }
0x5c: {  	_ =	shalt  }
0x5d: {  	_ =	shalt  }
0x5e: {  	_ =	shalt  }
0x5f: {  	_ =	shalt  }
0x60: {  	_ =	shalt  }
0x61: {  	_ =	shalt  }
0x62: {  	_ =	shalt  }
0x63: {  	_ =	shalt  }
0x64: {  	_ =	shalt  }
0x65: {  	_ =	shalt  }
0x66: {  	_ =	shalt  }
0x67: {  	_ =	shalt  }
0x68: {  	_ =	shalt  }
0x69: {  	_ =	shalt  }
0x6a: {  	_ =	shalt  }
0x6b: {  	_ =	shalt  }
0x6c: {  	_ =	shalt  }
0x6d: {  	_ =	shalt  }
0x6e: {  	_ =	shalt  }
0x6f: {  	_ =	shalt  }
0x70: {  	_ =	shalt  }
0x71: {  	_ =	shalt  }
0x72: {  	_ =	shalt  }
0x73: {  	_ =	shalt  }
0x74: {  	_ =	shalt  }
0x75: {  	_ =	shalt  }
0x76: {  	_ =	shalt  }
0x77: {  	_ =	shalt  }
0x78: {  	_ =	shalt  }
0x79: {  	_ =	shalt  }
0x7a: {  	_ =	shalt  }
0x7b: {  	_ =	shalt  }
0x7c: {  	_ =	shalt  }
0x7d: {  	_ =	shalt  }
0x7e: {  	_ =	shalt  }
0x7f: {  	_ =	shalt  }
0x80: {  	_ =	shalt  }
0x81: {  	_ =	shalt  }
0x82: {  	_ =	shalt  }
0x83: {  	_ =	shalt  }
0x84: {  	_ =	shalt  }
0x85: {  	_ =	shalt  }
0x86: {  	_ =	shalt  }
0x87: {  	_ =	shalt  }
.Lfunc_end0:
.L_simem_size_0:
called_computation.3_lowered:
.L_overlay_start_0:
0x88: {  	s2 =	sld [smem:$0x3FD9]  }
0x89: {  	s3 =	sld [smem:$0x3FFE];
	_ =	sdelay $0x1  }
0x8a: {  	s1 =	srdreg.scid  }
0x8b: {  	s0 =	sand.u32 $0x1, s1  }
0x8c: {  	s16 =	sshll.u32 s0, $0xA;
	s2 =	sadd.s32 s3, s2  }
0x8d: {  	s2 =	sadd.s32 s2, s16  }
0x8e: {  	[smem:$0x3FB9] =	sst s2  }
0x8f: {  	_ = 	snop  }
0x90: {  	(tm) =	ssettm $0x1  }
0x91: {  	s17 =	sld [smem:$0x3FFB];
	_ =	sdelay $0x3  }
0x92: {  	_ =	strace s17  }
0x93: {  	s2 =	sld [smem:$0x3FFC];
	_ =	sdelay $0x3  }
0x94: {  	_ =	strace s2  }
0x95: {  	s2 =	sld [smem:$0x3FFD];
	_ =	sdelay $0x3  }
0x96: {  	_ =	strace s2  }
0x97: {  	_ =	strace $0x8FFFFFFF  }
0x98: {  	s18 =	sld [smem:$0x3FDB];
	_ =	sdelay $0x1  }
0x99: {  	s19 =	simm.s32 $_scs_section_size  }
0x9a: {  	s4 =	simm.s32 $_size__tile_overlayer_lowered;
	s5 =	simm.s32 $_tile_overlayer_lowered  }
0x9b: {  	s22 =	simm.s32 $0x1BFF;
	s21 =	sshll.u32 s5, $0x1;
	s2 =	sadd.s32 s19, s18  }
0x9c: {  	s6 =	simm.s32 $0x0;
	s20 =	sshll.u32 s4, $0x1;
	s4 =	sadd.s32 s21, s2  }
0x9d: {  	[timem:s6], [sflag:s22] =	dma.local [hbm:s4], s20  }
0x9e: {  	_ =	swait.ge [sflag:s22], s20  }
0x9f: {  	s3 =	ssub.s32 $0x0, s20;
	[sflag:s22] =	ssyncset.done $0x0  }
0xa0: {  	[sflag:s22] =	ssyncadd.s32 s3;
	_ =	sdelay $0x1  }
0xa1: {  	s23 =	simm.s32 $0x1B8B  }
0xa2: {  	_ =	swait.ge [sflag:s23], $0x1  }
0xa3: {  	[sflag:s23] =	ssyncset.done $0x0  }
0xa4: {  	s25 =	simm.s32 $0x1B8E;
	s24 =	sld [smem:$0x3FFE];
	[sflag:s23] =	ssyncadd.s32 $0xFFFFFFFF  }
0xa5: {  	s26 =	simm.s32 $execute0_lowered;
	[smem:$0x3FD2] =	sst s25  }
0xa6: {  	s4 =	sshll.u32 s26, $0x1;
	_ =	strace $0x8000004F;
	[dreg:$0x1] =	wrdreg $0xFFFFFFFF  }
0xa7: {  	s28 =	simm.s32 $_size_execute0_lowered;
	s2 =	sadd.s32 s2, s4;
	[dreg:$0x0] =	wrdreg $0x0  }
0xa8: {  	s4 =	sshll.u32 s28, $0x1;
	[dreg:$0x2] =	wrdreg s2  }
0xa9: {  	[dreg:$0x3] =	wrdreg s4  }
0xaa: {  	[dreg:$0x4] =	wrdreg $0xC0  }
0xab: {  	_ =	task [dreg:s6], $0x5FFFF  }
0xac: {  	[dreg:$0x1] =	wrdreg $0xFFFFFFFF  }
0xad: {  	[dreg:$0x0] =	wrdreg $0x60  }
0xae: {  	[dreg:$0x2] =	wrdreg s24  }
0xaf: {  	[dreg:$0x3] =	wrdreg $0x9  }
0xb0: {  	_ =	task.clear_ibuf [dreg:s6], $0x4FFFF;
	_ =	strace $0x9000004F  }
0xb1: {  	s29 =	simm.s32 $0x9;
	_ =	strace $0x80000051  }
0xb2: {  	_ =	swait.ge [sflag:s29], $0x1  }
0xb3: {  	[sflag:s29] =	ssyncadd.s32 $0xFFFFFFFF  }
0xb4: {  	_ =	strace $0x90000051  }
0xb5: {  	_ =	sfence  }
0xb6: {  	s30 =	sld [smem:$0x0];
	_ =	sdelay $0x2  }
0xb7: {  	s31 =	sshll.u32 s1, $0xD;
	s1 =	sshrl.u32 s1, $0x2  }
0xb8: {  	s3 =	sand.u32 $0x4000, s31;
	s1 =	sadd.s32 s1, s30  }
0xb9: {  	s0 =	sor.u32 s3, s0;
	s1 =	sshll.u32 s1, $0x11  }
0xba: {  	s0 =	sor.u32 s1, s0  }
0xbb: {  	s0 =	sadd.s32 $0x8F2B, s0  }
0xbc: {  	[sflag:s0] =	ssyncadd.remote.s32 $0x1  }
0xbd: {  	_ =	sfence.sel $0xFFFF  }
0xbe: {  	[dreg:$0x0] =	wrdreg $0xFFFFFFFF;
	(pc) =	sbr.abs _section_cstart, $3  }
0xbf: {  	[dreg:$0x1] =	wrdreg $0xFFFFFFFF  }
0xc0: {  	_ =	task.clear_ibuf [dreg:s6], $0x2FFFF;
	_ =	strace $0x9FFFFFFF  }
0xc1: {  	(tm) =	ssettm $0x7FFFFFFF  }
tec
execute0_lowered:
.L_overlay_start_1:
0x0: {  	(tag) =	ssettag $0x1  }
0x1: {  	s1 =	srdreg.scid;
	s0 =	stileid.u32  }
0x2: {  	s20 =	sand.u32 $0x1, s1;
	s28 =	sshll.u32 s0, $0x1  }
0x3: {  	s9 =	rddreg [dreg:$0x0];
	s10 =	sor.u32 s20, s28  }
0x4: {  	s2 =	simm.s32 $0x0;
	s1 =	rddreg [dreg:$0x1];
	s16 =	smul.u32 $0x1400, s10  }
0x5: {  	[smem:$0x7FF] =	sst s2  }
0x6: {  	s17 =	sadd.s32 $0x4000, s9;
	s3 =	sshrl.u32 s16, $0x3;
	s13 =	sadd.s32 $0x400, s16  }
0x7: {  	_ =	strace $0x80000050;
	s3 =	sadd.s32 s17, s3;
	s4 =	sshrl.u32 s13, $0x3  }
0x8: {  	[tilespmem:s2], [sflag:$0x1] =	stream.linear.gather [hbm4b:s3+s2], $0x400, $0x38;
	[tilespmem:$0x10800] =	vst v63  }
0x9: {  	s5 =	simm.s32 $0x400;
	s6 =	simm.s32 $0x1;
	s4 =	sadd.s32 s17, s4  }
0xa: {  	[tilespmem:s5], [sflag:$0x2] =	stream.linear.gather [hbm4b:s4+s2], $0x400, $0x38;
	[tilespmem:$0x10800] =	vst v63  }
0xb: {  	_ =	swait.ge [sflag:s6], $0x400  }
0xc: {  	[sflag:s6] =	ssyncset.done $0x0  }
0xd: {  	s8 =	simm.s32 $0x800;
	s7 =	sadd.s32 $0x9000, s9;
	[sflag:s6] =	ssyncadd.s32 $0xFFFFFC00  }
0xe: {  	[tilespmem:s8], [sflag:$0x1] =	stream.indirect.gather [hbm4b:s7+s5], $0x20, s2, s5, $0xb8;
	[tilespmem:$0x10800] =	vst v63  }
0xf: {  	s10 =	smul.u32 $0x5000, s10;
	_ =	swait.ge [sflag:s6], $0x8000  }
0x10: {  	s21 =	sadd.s32 $0x12E00, s9;
	s18 =	sadd.s32 $0x800, s16;
	[sflag:s6] =	ssyncset.done $0x0  }
0x11: {  	s9 =	sadd.s32 s21, s10;
	s29 =	sshrl.u32 s18, $0x3;
	[sflag:s6] =	ssyncadd.s32 $0xFFFF8000  }
0x12: {  	[hbm4b:s9+s2] =	stream.linear.scatter [tilespmem:s8], [sflag:$0x3], $0x8000, $0x38;
	[tilespmem:$0x10800] =	vst v63  }
0x13: {  	s11 =	simm.s32 $0x2;
	s10 =	sadd.s32 s17, s29  }
0x14: {  	[tilespmem:s2], [sflag:$0x1] =	stream.linear.gather [hbm4b:s10+s2], $0x400, $0x38;
	[tilespmem:$0x10800] =	vst v63  }
0x15: {  	_ =	swait.ge [sflag:s11], $0x400  }
0x16: {  	[sflag:s11] =	ssyncset.done $0x0  }
0x17: {  	s12 =	simm.s32 $0x8800;
	[sflag:s11] =	ssyncadd.s32 $0xFFFFFC00  }
0x18: {  	[tilespmem:s12], [sflag:$0x2] =	stream.indirect.gather [hbm4b:s7+s5], $0x20, s5, s5, $0xb8;
	[tilespmem:$0x10800] =	vst v63  }
0x19: {  	_ =	swait.ge [sflag:s11], $0x8000  }
0x1a: {  	s19 =	sadd.s32 $0xC00, s16;
	s13 =	sshll.u32 s13, $0x2;
	[sflag:s11] =	ssyncset.done $0x0  }
0x1b: {  	s14 =	sshrl.u32 s19, $0x3;
	s13 =	sadd.s32 s21, s13;
	[sflag:s11] =	ssyncadd.s32 $0xFFFF8000  }
0x1c: {  	[hbm4b:s13+s2] =	stream.linear.scatter [tilespmem:s12], [sflag:$0x4], $0x8000, $0x38;
	[tilespmem:$0x10800] =	vst v63  }
0x1d: {  	s14 =	sadd.s32 s17, s14  }
0x1e: {  	[tilespmem:s5], [sflag:$0x2] =	stream.linear.gather [hbm4b:s14+s2], $0x400, $0x38;
	[tilespmem:$0x10800] =	vst v63  }
0x1f: {  	_ =	swait.ge [sflag:s6], $0x400  }
0x20: {  	[sflag:s6] =	ssyncset.done $0x0  }
0x21: {  	s15 =	simm.s32 $0x3;
	[sflag:s6] =	ssyncadd.s32 $0xFFFFFC00  }
0x22: {  	_ =	swait.ge [sflag:s15], $0x8000  }
0x23: {  	[sflag:s15] =	ssyncset.done $0x0  }
0x24: {  	[sflag:s15] =	ssyncadd.s32 $0xFFFF8000  }
0x25: {  	[tilespmem:s8], [sflag:$0x1] =	stream.indirect.gather [hbm4b:s7+s5], $0x20, s2, s5, $0xb8;
	[tilespmem:$0x10800] =	vst v63  }
0x26: {  	_ =	swait.ge [sflag:s6], $0x8000  }
0x27: {  	s22 =	sadd.s32 $0x1000, s16;
	s18 =	sshll.u32 s18, $0x2;
	[sflag:s6] =	ssyncset.done $0x0  }
0x28: {  	s30 =	sshrl.u32 s22, $0x3;
	s16 =	sadd.s32 s21, s18;
	[sflag:s6] =	ssyncadd.s32 $0xFFFF8000  }
0x29: {  	[hbm4b:s16+s2] =	stream.linear.scatter [tilespmem:s8], [sflag:$0x3], $0x8000, $0x38;
	[tilespmem:$0x10800] =	vst v63  }
0x2a: {  	s17 =	sadd.s32 s17, s30  }
0x2b: {  	[tilespmem:s2], [sflag:$0x1] =	stream.linear.gather [hbm4b:s17+s2], $0x400, $0x38;
	[tilespmem:$0x10800] =	vst v63  }
0x2c: {  	_ =	swait.ge [sflag:s11], $0x400  }
0x2d: {  	[sflag:s11] =	ssyncset.done $0x0  }
0x2e: {  	s18 =	simm.s32 $0x4;
	[sflag:s11] =	ssyncadd.s32 $0xFFFFFC00  }
0x2f: {  	_ =	swait.ge [sflag:s18], $0x8000  }
0x30: {  	[sflag:s18] =	ssyncset.done $0x0  }
0x31: {  	[sflag:s18] =	ssyncadd.s32 $0xFFFF8000  }
0x32: {  	[tilespmem:s12], [sflag:$0x2] =	stream.indirect.gather [hbm4b:s7+s5], $0x20, s5, s5, $0xb8;
	[tilespmem:$0x10800] =	vst v63  }
0x33: {  	_ =	swait.ge [sflag:s11], $0x8000  }
0x34: {  	s19 =	sshll.u32 s19, $0x2;
	[sflag:s11] =	ssyncset.done $0x0  }
0x35: {  	s19 =	sadd.s32 s21, s19;
	[sflag:s11] =	ssyncadd.s32 $0xFFFF8000  }
0x36: {  	[hbm4b:s19+s2] =	stream.linear.scatter [tilespmem:s12], [sflag:$0x4], $0x8000, $0x38;
	[tilespmem:$0x10800] =	vst v63  }
0x37: {  	_ =	swait.ge [sflag:s6], $0x400  }
0x38: {  	[sflag:s6] =	ssyncset.done $0x0  }
0x39: {  	[sflag:s6] =	ssyncadd.s32 $0xFFFFFC00  }
0x3a: {  	_ =	swait.ge [sflag:s15], $0x8000  }
0x3b: {  	s23 =	ssub.s32 $0x2, s20;
	[sflag:s15] =	ssyncset.done $0x0  }
0x3c: {  	s31 =	sshrl.u32 s23, $0x1;
	s22 =	sshll.u32 s22, $0x2;
	[sflag:s15] =	ssyncadd.s32 $0xFFFF8000  }
0x3d: {  	[tilespmem:s8], [sflag:$0x1] =	stream.indirect.gather [hbm4b:s7+s5], $0x20, s2, s5, $0xb8;
	[tilespmem:$0x10800] =	vst v63  }
0x3e: {  	s20 =	sadd.s32 s21, s22;
	s21 =	ssub.s32 s23, s31;
	_ =	swait.ge [sflag:s6], $0x8000  }
0x3f: {  	s21 =	smax.u32 s21, $0x1;
	[sflag:s6] =	ssyncset.done $0x0  }
0x40: {  	p0 =	sne.s32 s21, $0x1;
	[sflag:s6] =	ssyncadd.s32 $0xFFFF8000  }
0x41: {  	[hbm4b:s20+s2] =	stream.linear.scatter [tilespmem:s8], [sflag:$0x3], $0x8000, $0x38;
	[tilespmem:$0x10800] =	vst v63  }
.Ltmp0:
0x42: {  	_ =	swait.ge [sflag:s18], $0x8000;
	(pc) =	sbr.rel @!p0 .LBB2_2-.Ltmp0, $4  }
0x43: {  	[sflag:s18] =	ssyncset.done $0x0  }
0x44: {  	[sflag:s18] =	ssyncadd.s32 $0xFFFF8000  }
0x45: {  	_ =	swait.ge [sflag:s15], $0x8000  }
0x46: {  	s21 =	sadd.s32 $0xFFFFFFFF, s21;
	[sflag:s15] =	ssyncset.done $0x0  }
.LBB2_1:
0x47: {  	p0 =	sne.s32 s21, $0x1;
	s21 =	sadd.s32 $0xFFFFFFFF, s21;
	[sflag:s15] =	ssyncadd.s32 $0xFFFF8000  }
0x48: {  	[tilespmem:s2], [sflag:$0x1] =	stream.linear.gather [hbm4b:s3+s2], $0x400, $0x38;
	[tilespmem:$0x10800] =	vst v63  }
0x49: {  	_ = 	snop  }
0x4a: {  	[tilespmem:s5], [sflag:$0x2] =	stream.linear.gather [hbm4b:s4+s2], $0x400, $0x38;
	[tilespmem:$0x10800] =	vst v63  }
0x4b: {  	_ =	swait.ge [sflag:s6], $0x400  }
0x4c: {  	[sflag:s6] =	ssyncset.done $0x0  }
0x4d: {  	[sflag:s6] =	ssyncadd.s32 $0xFFFFFC00  }
0x4e: {  	[tilespmem:s8], [sflag:$0x1] =	stream.indirect.gather [hbm4b:s7+s5], $0x20, s2, s5, $0xb8;
	[tilespmem:$0x10800] =	vst v63  }
0x4f: {  	_ =	swait.ge [sflag:s6], $0x8000  }
0x50: {  	[sflag:s6] =	ssyncset.done $0x0  }
0x51: {  	[sflag:s6] =	ssyncadd.s32 $0xFFFF8000  }
0x52: {  	[hbm4b:s9+s2] =	stream.linear.scatter [tilespmem:s8], [sflag:$0x3], $0x8000, $0x38;
	[tilespmem:$0x10800] =	vst v63  }
0x53: {  	_ = 	snop  }
0x54: {  	[tilespmem:s2], [sflag:$0x1] =	stream.linear.gather [hbm4b:s10+s2], $0x400, $0x38;
	[tilespmem:$0x10800] =	vst v63  }
0x55: {  	_ =	swait.ge [sflag:s11], $0x400  }
0x56: {  	[sflag:s11] =	ssyncset.done $0x0  }
0x57: {  	[sflag:s11] =	ssyncadd.s32 $0xFFFFFC00  }
0x58: {  	[tilespmem:s12], [sflag:$0x2] =	stream.indirect.gather [hbm4b:s7+s5], $0x20, s5, s5, $0xb8;
	[tilespmem:$0x10800] =	vst v63  }
0x59: {  	_ =	swait.ge [sflag:s11], $0x8000  }
0x5a: {  	[sflag:s11] =	ssyncset.done $0x0  }
0x5b: {  	[sflag:s11] =	ssyncadd.s32 $0xFFFF8000  }
0x5c: {  	[hbm4b:s13+s2] =	stream.linear.scatter [tilespmem:s12], [sflag:$0x4], $0x8000, $0x38;
	[tilespmem:$0x10800] =	vst v63  }
0x5d: {  	_ = 	snop  }
0x5e: {  	[tilespmem:s5], [sflag:$0x2] =	stream.linear.gather [hbm4b:s14+s2], $0x400, $0x38;
	[tilespmem:$0x10800] =	vst v63  }
0x5f: {  	_ =	swait.ge [sflag:s6], $0x400  }
0x60: {  	[sflag:s6] =	ssyncset.done $0x0  }
0x61: {  	[sflag:s6] =	ssyncadd.s32 $0xFFFFFC00  }
0x62: {  	_ =	swait.ge [sflag:s15], $0x8000  }
0x63: {  	[sflag:s15] =	ssyncset.done $0x0  }
0x64: {  	[sflag:s15] =	ssyncadd.s32 $0xFFFF8000  }
0x65: {  	[tilespmem:s8], [sflag:$0x1] =	stream.indirect.gather [hbm4b:s7+s5], $0x20, s2, s5, $0xb8;
	[tilespmem:$0x10800] =	vst v63  }
0x66: {  	_ =	swait.ge [sflag:s6], $0x8000  }
0x67: {  	[sflag:s6] =	ssyncset.done $0x0  }
0x68: {  	[sflag:s6] =	ssyncadd.s32 $0xFFFF8000  }
0x69: {  	[hbm4b:s16+s2] =	stream.linear.scatter [tilespmem:s8], [sflag:$0x3], $0x8000, $0x38;
	[tilespmem:$0x10800] =	vst v63  }
0x6a: {  	_ = 	snop  }
0x6b: {  	[tilespmem:s2], [sflag:$0x1] =	stream.linear.gather [hbm4b:s17+s2], $0x400, $0x38;
	[tilespmem:$0x10800] =	vst v63  }
0x6c: {  	_ =	swait.ge [sflag:s11], $0x400  }
0x6d: {  	[sflag:s11] =	ssyncset.done $0x0  }
0x6e: {  	[sflag:s11] =	ssyncadd.s32 $0xFFFFFC00  }
0x6f: {  	_ =	swait.ge [sflag:s18], $0x8000  }
0x70: {  	[sflag:s18] =	ssyncset.done $0x0  }
0x71: {  	[sflag:s18] =	ssyncadd.s32 $0xFFFF8000  }
0x72: {  	[tilespmem:s12], [sflag:$0x2] =	stream.indirect.gather [hbm4b:s7+s5], $0x20, s5, s5, $0xb8;
	[tilespmem:$0x10800] =	vst v63  }
0x73: {  	_ =	swait.ge [sflag:s11], $0x8000  }
0x74: {  	[sflag:s11] =	ssyncset.done $0x0  }
0x75: {  	[sflag:s11] =	ssyncadd.s32 $0xFFFF8000  }
0x76: {  	[hbm4b:s19+s2] =	stream.linear.scatter [tilespmem:s12], [sflag:$0x4], $0x8000, $0x38;
	[tilespmem:$0x10800] =	vst v63  }
0x77: {  	_ =	swait.ge [sflag:s6], $0x400  }
0x78: {  	[sflag:s6] =	ssyncset.done $0x0  }
0x79: {  	[sflag:s6] =	ssyncadd.s32 $0xFFFFFC00  }
0x7a: {  	_ =	swait.ge [sflag:s15], $0x8000  }
0x7b: {  	[sflag:s15] =	ssyncset.done $0x0  }
0x7c: {  	[sflag:s15] =	ssyncadd.s32 $0xFFFF8000  }
0x7d: {  	[tilespmem:s8], [sflag:$0x1] =	stream.indirect.gather [hbm4b:s7+s5], $0x20, s2, s5, $0xb8;
	[tilespmem:$0x10800] =	vst v63  }
0x7e: {  	_ =	swait.ge [sflag:s6], $0x8000  }
0x7f: {  	[sflag:s6] =	ssyncset.done $0x0  }
0x80: {  	[sflag:s6] =	ssyncadd.s32 $0xFFFF8000  }
0x81: {  	[hbm4b:s20+s2] =	stream.linear.scatter [tilespmem:s8], [sflag:$0x3], $0x8000, $0x38;
	[tilespmem:$0x10800] =	vst v63  }
.Ltmp1:
0x82: {  	_ =	swait.ge [sflag:s18], $0x8000;
	(pc) =	sbr.rel @p0 .LBB2_1-.Ltmp1, $4  }
0x83: {  	[sflag:s18] =	ssyncset.done $0x0  }
0x84: {  	[sflag:s18] =	ssyncadd.s32 $0xFFFF8000  }
0x85: {  	_ =	swait.ge [sflag:s15], $0x8000  }
0x86: {  	[sflag:s15] =	ssyncset.done $0x0  }
.LBB2_2:
0x87: {  	[sflag:s15] =	ssyncadd.s32 $0xFFFF8000  }
0x88: {  	_ =	sfence.sel $0x180000  }
0x89: {  	[bflag:$0x0] =	sbarrier.arrive $0xFFFF  }
0x8a: {  	p0 =	sne.s32 s0, $0x0;
	_ =	strace $0x90000050  }
0x8b: {  	s0 =	sadd.s32 @!p0 $0x100000, s1;
	[bflag:$0x2] =	sbarrier.arrive $0xFFFF  }
0x8c: {  	[sflag:s0] =	ssyncadd.tile.s32 @!p0 $0x1;
	_ =	shalt  }
.Lfunc_end2:
_tile_overlayer_lowered:
.L_overlay_start_2:
0x8d: {  	(tag) =	ssettag $0x2  }
0x8e: {  	s0 =	rddreg [dreg:$0x0];
	s2 =	stileid.u32  }
0x8f: {  	s1 =	rddreg [dreg:$0x1];
	p0 =	sne.s32 s2, $0x0  }
0x90: {  	s3 =	rddreg [dreg:$0x2];
	[bflag:$0x3] =	sbarrier.arrive $0xFFFF;
	s2 =	simm.s32 @!p0 $0x1C05  }
0x91: {  	[timem:s3], [sflag:s2] =	dma.local @!p0 [hbm:s0], s1  }
0x92: {  	s0 =	simm.s32 @!p0 $0x5  }
0x93: {  	_ =	swait.ge @!p0 [sflag:s0], s1  }
0x94: {  	s1 =	ssub.s32 @!p0 $0x0, s1;
	[sflag:s0] =	ssyncset.done @!p0 $0x0  }
0x95: {  	[sflag:s0] =	ssyncadd.s32 @!p0 s1  }
0x96: {  	[bflag:$0x3] =	sbarrier.arrive $0xFFFF  }
0x97: {  	_ =	shalt  }

// kernel: kernel.24.cloned.1.call-start
scs
__scs_entry_jumppad:
0x0: {  	(pc) =	sbr.rel $0x88, $3  }
0x1: {  	(tag) =	ssettag $0x0;
	lr =	simm.s32 $0x1  }
0x2: {  	[smem:$0x3F92] =	sst lr;
	_ =	strace $0xD0000000  }
0x3: {  	_ = 	snop  }
0x4: {  	_ = 	snop  }
0x5: {  	_ = 	snop  }
0x6: {  	_ = 	snop  }
0x7: {  	_ = 	snop  }
__scs_overlays_trampoline_lowered:
0x8: {  	[smem:$0x3FA1] =	sst s0  }
0x9: {  	[smem:$0x3FA2] =	sst s1  }
0xa: {  	[smem:$0x3FA3] =	sst s2  }
0xb: {  	[smem:$0x3FA4] =	sst s3  }
0xc: {  	[smem:$0x3FA5] =	sst s4  }
0xd: {  	[smem:$0x3FA6] =	sst s5  }
0xe: {  	[smem:$0x3FA7] =	sst s6  }
0xf: {  	[smem:$0x3FA8] =	sst s7  }
0x10: {  	[smem:$0x3FA9] =	sst s8  }
0x11: {  	[smem:$0x3FAA] =	sst s9;
	s0 =	simm.s32 @!p0 $0x0  }
0x12: {  	s1 =	sld [smem:$0x3F90];
	s0 =	simm.s32 @p0 $0x1  }
0x13: {  	[smem:$0x3FAB] =	sst s0;
	s0 =	simm.s32 @!p1 $0x0  }
0x14: {  	s2 =	sld [smem:$0x3F8F];
	s0 =	simm.s32 @p1 $0x1  }
0x15: {  	[smem:$0x3FAC] =	sst s0;
	s0 =	simm.s32 @!p2 $0x0  }
0x16: {  	s3 =	sld [smem:$0x3FDB];
	s0 =	simm.s32 @p2 $0x1  }
0x17: {  	s4 =	simm.s32 $0x1BF5;
	[smem:$0x3FAE] =	sst s0  }
0x18: {  	s0 =	sld [smem:$0x3F91];
	_ =	swait.ge [sflag:s4], $0x0  }
0x19: {  	s7 =	sld [smem:$0x3F92]  }
0x1a: {  	s8 =	sadd.s32 $0xFFFFE003, lr  }
0x1b: {  	s9 =	sadd.s32 $0xFFFFFEF7, lr;
	s5 =	simm.s32 $0xFFFFFFFF;
	p2 =	slt.u32 s8, $0xFFFFF086  }
0x1c: {  	p1 =	slt.u32 s9, $0xF7A;
	s5 =	simm.s32 @!p2 $0x0  }
0x1d: {  	s5 =	simm.s32 @p1 $0x1;
	p0 =	seq.s32 s7, s2  }
0x1e: {  	s7 =	smul.u32 @!p0 $0xF7A, s2;
	p2 =	seq.s32 @!p0 s5, $0x0  }
0x1f: {  	s9 =	smul.u32 $0xF7A, s1;
	s8 =	simm.s32 @!p0 $0x1BF5;
	p2 =	por !p2, p0  }
0x20: {  	[sflag:s8] =	ssyncset.s32 @!p0 $0xFFFFF086;
	s6 =	sadd.s32 @!p0 s3, s7;
	s7 =	simm.s32 @!p0 $0x108  }
0x21: {  	s3 =	sadd.s32 s3, s9;
	s6 =	sadd.s32 @!p0 $0x88, s6;
	s7 =	simm.s32 @p2 $0x1082  }
0x22: {  	[simem:s7], [sflag:s8] =	dma.local @!p0 [hbm:s6], $0xF7A  }
0x23: {  	s9 =	sor.u32 $0xD0000000, s2;
	s6 =	simm.s32 $0x108;
	_ =	swait.ge @!p0 [sflag:s8], $0x0  }
0x24: {  	s3 =	sadd.s32 $0x88, s3;
	s6 =	simm.s32 @!p1 $0x1082;
	[sflag:s4] =	ssyncset.s32 $0xFFFFF086  }
0x25: {  	[simem:s6], [sflag:s4] =	dma.local [hbm:s3], $0xF7A  }
0x26: {  	[smem:$0x3F92] =	sst s1;
	(tag) =	ssettag s2;
	_ =	strace s9  }
0x27: {  	s1 =	sld [smem:$0x3FA2]  }
0x28: {  	s2 =	sld [smem:$0x3FA3]  }
0x29: {  	s4 =	sld [smem:$0x3FA5]  }
0x2a: {  	p0 =	seq.s32 s5, $0x0;
	s5 =	sld [smem:$0x3FA6]  }
0x2b: {  	s6 =	sld [smem:$0x3FA7]  }
0x2c: {  	s7 =	sld [smem:$0x3FA8]  }
0x2d: {  	s3 =	simm.s32 $0x108;
	s8 =	sld [smem:$0x3FA9]  }
0x2e: {  	s3 =	simm.s32 @!p0 $0x1082;
	s9 =	sld [smem:$0x3FAA]  }
0x2f: {  	lr =	sadd.s32 s0, s3;
	s0 =	sld [smem:$0x3FA1]  }
0x30: {  	s3 =	sld [smem:$0x3FA4]  }
0x31: {  	[smem:$0x3FAD] =	sst s10  }
0x32: {  	s10 =	sld [smem:$0x3FAB];
	_ =	sdelay $0x3  }
0x33: {  	p0 =	seq.s32 s10, $0x1;
	s10 =	sld [smem:$0x3FAD];
	_ =	sdelay $0x3  }
0x34: {  	[smem:$0x3FAD] =	sst s10  }
0x35: {  	s10 =	sld [smem:$0x3FAC];
	_ =	sdelay $0x3  }
0x36: {  	p1 =	seq.s32 s10, $0x1;
	s10 =	sld [smem:$0x3FAD];
	_ =	sdelay $0x3  }
0x37: {  	[smem:$0x3FAD] =	sst s10  }
0x38: {  	s10 =	sld [smem:$0x3FAE]  }
0x39: {  	_ = 	snop;
	(pc) =	sbr.ind lr, $3  }
0x3a: {  	_ = 	snop  }
0x3b: {  	_ = 	snop  }
0x3c: {  	p2 =	seq.s32 s10, $0x1;
	s10 =	sld [smem:$0x3FAD]  }
0x3d: {  	_ =	shalt  }
0x3e: {  	_ =	shalt  }
0x3f: {  	_ =	shalt  }
0x40: {  	_ =	shalt  }
0x41: {  	_ =	shalt  }
0x42: {  	_ =	shalt  }
0x43: {  	_ =	shalt  }
0x44: {  	_ =	shalt  }
0x45: {  	_ =	shalt  }
0x46: {  	_ =	shalt  }
0x47: {  	_ =	shalt  }
0x48: {  	_ =	shalt  }
0x49: {  	_ =	shalt  }
0x4a: {  	_ =	shalt  }
0x4b: {  	_ =	shalt  }
0x4c: {  	_ =	shalt  }
0x4d: {  	_ =	shalt  }
0x4e: {  	_ =	shalt  }
0x4f: {  	_ =	shalt  }
0x50: {  	_ =	shalt  }
0x51: {  	_ =	shalt  }
0x52: {  	_ =	shalt  }
0x53: {  	_ =	shalt  }
0x54: {  	_ =	shalt  }
0x55: {  	_ =	shalt  }
0x56: {  	_ =	shalt  }
0x57: {  	_ =	shalt  }
0x58: {  	_ =	shalt  }
0x59: {  	_ =	shalt  }
0x5a: {  	_ =	shalt  }
0x5b: {  	_ =	shalt  }
0x5c: {  	_ =	shalt  }
0x5d: {  	_ =	shalt  }
0x5e: {  	_ =	shalt  }
0x5f: {  	_ =	shalt  }
0x60: {  	_ =	shalt  }
0x61: {  	_ =	shalt  }
0x62: {  	_ =	shalt  }
0x63: {  	_ =	shalt  }
0x64: {  	_ =	shalt  }
0x65: {  	_ =	shalt  }
0x66: {  	_ =	shalt  }
0x67: {  	_ =	shalt  }
0x68: {  	_ =	shalt  }
0x69: {  	_ =	shalt  }
0x6a: {  	_ =	shalt  }
0x6b: {  	_ =	shalt  }
0x6c: {  	_ =	shalt  }
0x6d: {  	_ =	shalt  }
0x6e: {  	_ =	shalt  }
0x6f: {  	_ =	shalt  }
0x70: {  	_ =	shalt  }
0x71: {  	_ =	shalt  }
0x72: {  	_ =	shalt  }
0x73: {  	_ =	shalt  }
0x74: {  	_ =	shalt  }
0x75: {  	_ =	shalt  }
0x76: {  	_ =	shalt  }
0x77: {  	_ =	shalt  }
0x78: {  	_ =	shalt  }
0x79: {  	_ =	shalt  }
0x7a: {  	_ =	shalt  }
0x7b: {  	_ =	shalt  }
0x7c: {  	_ =	shalt  }
0x7d: {  	_ =	shalt  }
0x7e: {  	_ =	shalt  }
0x7f: {  	_ =	shalt  }
0x80: {  	_ =	shalt  }
0x81: {  	_ =	shalt  }
0x82: {  	_ =	shalt  }
0x83: {  	_ =	shalt  }
0x84: {  	_ =	shalt  }
0x85: {  	_ =	shalt  }
0x86: {  	_ =	shalt  }
0x87: {  	_ =	shalt  }
.Lfunc_end0:
.L_simem_size_0:
called_computation.4_lowered:
.L_overlay_start_0:
0x88: {  	s2 =	sld [smem:$0x3FD9]  }
0x89: {  	s3 =	sld [smem:$0x3FFE];
	_ =	sdelay $0x1  }
0x8a: {  	s1 =	srdreg.scid  }
0x8b: {  	s0 =	sand.u32 $0x1, s1  }
0x8c: {  	s17 =	sshll.u32 s0, $0xA;
	s2 =	sadd.s32 s3, s2  }
0x8d: {  	s2 =	sadd.s32 s2, s17  }
0x8e: {  	[smem:$0x3FB9] =	sst s2  }
0x8f: {  	_ = 	snop  }
0x90: {  	s2 =	sld [smem:$0x3FD0];
	(tm) =	ssettm $0x1  }
0x91: {  	s18 =	sld [smem:$0x3FFB];
	_ =	sdelay $0x3  }
0x92: {  	_ =	strace s18  }
0x93: {  	s3 =	sld [smem:$0x3FFC];
	_ =	sdelay $0x3  }
0x94: {  	_ =	strace s3  }
0x95: {  	s3 =	sld [smem:$0x3FFD];
	_ =	sdelay $0x3  }
0x96: {  	_ =	strace s3  }
0x97: {  	_ =	strace $0x8FFFFFFF  }
0x98: {  	s19 =	sld [smem:$0x3FDB];
	_ =	sdelay $0x1  }
0x99: {  	s4 =	simm.s32 $_scs_section_size  }
0x9a: {  	s5 =	simm.s32 $_size__tile_overlayer_lowered;
	s6 =	simm.s32 $_tile_overlayer_lowered  }
0x9b: {  	s22 =	simm.s32 $0x1BFF;
	s21 =	sshll.u32 s6, $0x1;
	s3 =	sadd.s32 s4, s19  }
0x9c: {  	s7 =	simm.s32 $0x0;
	s20 =	sshll.u32 s5, $0x1;
	s5 =	sadd.s32 s21, s3  }
0x9d: {  	[timem:s7], [sflag:s22] =	dma.local [hbm:s5], s20  }
0x9e: {  	_ =	swait.ge [sflag:s22], s20  }
0x9f: {  	s4 =	ssub.s32 $0x0, s20;
	[sflag:s22] =	ssyncset.done $0x0  }
0xa0: {  	[sflag:s22] =	ssyncadd.s32 s4;
	_ =	sdelay $0x1  }
0xa1: {  	s23 =	simm.s32 $0x1B8B  }
0xa2: {  	_ =	swait.ge [sflag:s23], $0x1  }
0xa3: {  	[sflag:s23] =	ssyncset.done $0x0  }
0xa4: {  	s25 =	simm.s32 $0x1B8E;
	s24 =	sld [smem:$0x3FFE];
	[sflag:s23] =	ssyncadd.s32 $0xFFFFFFFF  }
0xa5: {  	s26 =	simm.s32 $execute0_lowered;
	[smem:$0x3FD2] =	sst s25  }
0xa6: {  	s5 =	sshll.u32 s26, $0x1;
	_ =	strace $0x80000052;
	[dreg:$0x1] =	wrdreg $0xFFFFFFFF  }
0xa7: {  	s28 =	simm.s32 $_size_execute0_lowered;
	s3 =	sadd.s32 s3, s5;
	[dreg:$0x0] =	wrdreg $0x0  }
0xa8: {  	s5 =	sshll.u32 s28, $0x1;
	[dreg:$0x2] =	wrdreg s3  }
0xa9: {  	[dreg:$0x3] =	wrdreg s5  }
0xaa: {  	[dreg:$0x4] =	wrdreg $0xC0  }
0xab: {  	_ =	task [dreg:s7], $0x5FFFF  }
0xac: {  	[dreg:$0x1] =	wrdreg $0xFFFFFFFF  }
0xad: {  	[dreg:$0x0] =	wrdreg $0x60  }
0xae: {  	[dreg:$0x2] =	wrdreg s24  }
0xaf: {  	[dreg:$0x3] =	wrdreg s2  }
0xb0: {  	[dreg:$0x4] =	wrdreg $0x14A000  }
0xb1: {  	[dreg:$0x5] =	wrdreg $0x9  }
0xb2: {  	_ =	task.clear_ibuf [dreg:s7], $0x6FFFF;
	_ =	strace $0x90000052  }
0xb3: {  	s29 =	simm.s32 $0x9;
	_ =	strace $0x80000054  }
0xb4: {  	_ =	swait.ge [sflag:s29], $0x1  }
0xb5: {  	[sflag:s29] =	ssyncadd.s32 $0xFFFFFFFF  }
0xb6: {  	_ =	strace $0x90000054  }
0xb7: {  	_ =	sfence  }
0xb8: {  	s30 =	sld [smem:$0x0];
	_ =	sdelay $0x2  }
0xb9: {  	s31 =	sshll.u32 s1, $0xD;
	s1 =	sshrl.u32 s1, $0x2  }
0xba: {  	s3 =	sand.u32 $0x4000, s31;
	s1 =	sadd.s32 s1, s30  }
0xbb: {  	s0 =	sor.u32 s3, s0;
	s1 =	sshll.u32 s1, $0x11  }
0xbc: {  	s0 =	sor.u32 s1, s0  }
0xbd: {  	s0 =	sadd.s32 $0x8F2B, s0  }
0xbe: {  	[sflag:s0] =	ssyncadd.remote.s32 $0x1  }
0xbf: {  	_ =	sfence.sel $0xFFFF  }
0xc0: {  	[dreg:$0x0] =	wrdreg $0xFFFFFFFF;
	(pc) =	sbr.abs _section_cstart, $3  }
0xc1: {  	[dreg:$0x1] =	wrdreg $0xFFFFFFFF  }
0xc2: {  	_ =	task.clear_ibuf [dreg:s7], $0x2FFFF;
	_ =	strace $0x9FFFFFFF  }
0xc3: {  	(tm) =	ssettm $0x7FFFFFFF  }
tec
execute0_lowered:
.L_overlay_start_1:
0x0: {  	(tag) =	ssettag $0x1  }
0x1: {  	s5 =	srdreg.scid;
	s8 =	stileid.u32  }
0x2: {  	s3 =	rddreg [dreg:$0x0];
	s5 =	sand.u32 $0x1, s5;
	s6 =	sshll.u32 s8, $0x1  }
0x3: {  	s4 =	rddreg [dreg:$0x1];
	s7 =	sadd.s32 $0xC1C00, s3;
	s6 =	sor.u32 s5, s6  }
0x4: {  	s12 =	sadd.s32 $0xB2E00, s3;
	s30 =	ssub.s32 $0x2, s5;
	s10 =	smul.u32 $0x1400, s6  }
0x5: {  	s9 =	sadd.s32 $0xB7E00, s3;
	s11 =	sshrl.u32 s30, $0x1;
	s6 =	smul.u32 $0x5000, s6  }
0x6: {  	s3 =	ssub.s32 s30, s11;
	s13 =	sadd.s32 $0xA00, s10;
	s10 =	sshrl.u32 s10, $0x3  }
0x7: {  	s3 =	smax.u32 s3, $0x1;
	s14 =	sshrl.u32 s13, $0x3;
	s11 =	sadd.s32 s12, s10  }
0x8: {  	s10 =	sadd.s32 s7, s6;
	s6 =	sadd.s32 s12, s14;
	s14 =	sadd.s32 $0xFFFFFFFF, s3  }
0x9: {  	s1 =	rddreg [dreg:$0x2];
	p2 =	sne.s32 s14, $0x0  }
.Ltmp0:
0xa: {  	s0 =	rddreg [dreg:$0x3];
	s2 =	simm.s32 $0x0;
	(pc) =	sbr.rel @!p2 .LBB2_3-.Ltmp0, $4  }
0xb: {  	p1 =	por $0x0, $0x0;
	[smem:$0x7FF] =	sst s2  }
0xc: {  	p0 =	sne.s32 s8, $0x0;
	s5 =	smul.u32 $0x9C40, s5;
	s31 =	sshll.u32 s13, $0x2  }
0xd: {  	s8 =	simm.s32 $0xA00;
	_ =	strace $0x80000053;
	s7 =	sadd.s32 s7, s31  }
0xe: {  	s3 =	sadd.s32 s4, s5;
	s4 =	sshrl.u32 @!p0 s1, $0x3;
	s5 =	simm.s32 $0x1  }
0xf: {  	s13 =	simm.s32 @!p0 $0x1C01;
	s12 =	simm.s32 @!p0 $0x1  }
0x10: {  	[spmem:s4], [sflag:s13] =	dma.local @!p0 [hbm:s9], $0x9C80  }
0x11: {  	_ =	swait.ge @!p0 [sflag:s12], $0x9C80  }
0x12: {  	[sflag:s12] =	ssyncset.done @!p0 $0x0  }
0x13: {  	[sflag:s12] =	ssyncadd.s32 @!p0 $0xFFFF6380  }
0x14: {  	[bflag:$0x0] =	sbarrier.arrive $0xFFFF  }
0x15: {  	[tilespmem:s2], [sflag:$0x1] =	stream.linear.gather [hbm4b:s11+s2], $0xA00, $0x38;
	[tilespmem:$0x19840] =	vst v63  }
0x16: {  	_ =	swait.ge [sflag:s5], $0xA00  }
0x17: {  	[sflag:s5] =	ssyncset.done $0x0  }
0x18: {  	[sflag:s5] =	ssyncadd.s32 $0xFFFFF600  }
0x19: {  	[tilespmem:s8], [sflag:$0x1] =	stream.linear.gather [hbm4b:s10+s2], $0x14000, $0x38;
	[tilespmem:$0x19840] =	vst v63  }
0x1a: {  	_ =	swait.ge [sflag:s5], $0x14000  }
0x1b: {  	[sflag:s5] =	ssyncset.done $0x0  }
0x1c: {  	[sflag:s5] =	ssyncadd.s32 $0xFFFEC000  }
0x1d: {  	[spmem:s1] =	stream.indirect.scatter.add.f32 [tilespmem:s8], [sflag:$0x1], $0x20, s2, s8, $0xb8;
	[tilespmem:$0x19840] =	vst v63  }
0x1e: {  	_ =	swait.ge [sflag:s5], $0x14000  }
0x1f: {  	[sflag:s5] =	ssyncset.done $0x0  }
0x20: {  	[sflag:s5] =	ssyncadd.s32 $0xFFFEC000  }
0x21: {  	[tilespmem:s2], [sflag:$0x1] =	stream.linear.gather [hbm4b:s6+s2], $0xA00, $0x38;
	[tilespmem:$0x19840] =	vst v63  }
0x22: {  	_ =	swait.ge [sflag:s5], $0xA00  }
0x23: {  	[sflag:s5] =	ssyncset.done $0x0  }
0x24: {  	[sflag:s5] =	ssyncadd.s32 $0xFFFFF600  }
0x25: {  	[tilespmem:s8], [sflag:$0x1] =	stream.linear.gather [hbm4b:s7+s2], $0x14000, $0x38;
	[tilespmem:$0x19840] =	vst v63  }
0x26: {  	_ =	swait.ge [sflag:s5], $0x14000  }
0x27: {  	[sflag:s5] =	ssyncset.done $0x0  }
0x28: {  	[sflag:s5] =	ssyncadd.s32 $0xFFFEC000  }
0x29: {  	[spmem:s1] =	stream.indirect.scatter.add.f32 [tilespmem:s8], [sflag:$0x1], $0x20, s2, s8, $0xb8;
	[tilespmem:$0x19840] =	vst v63  }
0x2a: {  	s14 =	sadd.s32 $0xFFFFFFFF, s14;
	_ =	swait.ge [sflag:s5], $0x14000  }
0x2b: {  	p2 =	sne.s32 s14, $0x0;
	[sflag:s5] =	ssyncset.done $0x0  }
.Ltmp1:
0x2c: {  	[sflag:s5] =	ssyncadd.s32 $0xFFFEC000;
	(pc) =	sbr.rel @!p2 .LBB2_3-.Ltmp1, $4  }
0x2d: {  	[bflag:$0x0] =	sbarrier.arrive $0xFFFF  }
0x2e: {  	[hbm:s3], [sflag:s13] =	dma.local @!p0 [spmem:s4], $0x9C40  }
0x2f: {  	_ =	swait.ge @!p0 [sflag:s12], $0x9C40  }
0x30: {  	p1 =	por $0x1, $0x1;
	[sflag:s12] =	ssyncset.done @!p0 $0x0  }
.LBB2_2:
0x31: {  	[sflag:s12] =	ssyncadd.s32 @!p0 $0xFFFF63C0  }
0x32: {  	[spmem:s4], [sflag:s13] =	dma.local @!p0 [hbm:s9], $0x9C80  }
0x33: {  	s14 =	sadd.s32 $0xFFFFFFFF, s14;
	_ =	swait.ge @!p0 [sflag:s12], $0x9C80  }
0x34: {  	p2 =	sne.s32 s14, $0x0;
	[sflag:s12] =	ssyncset.done @!p0 $0x0  }
0x35: {  	[sflag:s12] =	ssyncadd.s32 @!p0 $0xFFFF6380  }
0x36: {  	[bflag:$0x0] =	sbarrier.arrive $0xFFFF  }
0x37: {  	[tilespmem:s2], [sflag:$0x1] =	stream.linear.gather [hbm4b:s11+s2], $0xA00, $0x38;
	[tilespmem:$0x19840] =	vst v63  }
0x38: {  	_ =	swait.ge [sflag:s5], $0xA00  }
0x39: {  	[sflag:s5] =	ssyncset.done $0x0  }
0x3a: {  	[sflag:s5] =	ssyncadd.s32 $0xFFFFF600  }
0x3b: {  	[tilespmem:s8], [sflag:$0x1] =	stream.linear.gather [hbm4b:s10+s2], $0x14000, $0x38;
	[tilespmem:$0x19840] =	vst v63  }
0x3c: {  	_ =	swait.ge [sflag:s5], $0x14000  }
0x3d: {  	[sflag:s5] =	ssyncset.done $0x0  }
0x3e: {  	[sflag:s5] =	ssyncadd.s32 $0xFFFEC000  }
0x3f: {  	[spmem:s1] =	stream.indirect.scatter.add.f32 [tilespmem:s8], [sflag:$0x1], $0x20, s2, s8, $0xb8;
	[tilespmem:$0x19840] =	vst v63  }
0x40: {  	_ =	swait.ge [sflag:s5], $0x14000  }
0x41: {  	[sflag:s5] =	ssyncset.done $0x0  }
0x42: {  	[sflag:s5] =	ssyncadd.s32 $0xFFFEC000  }
0x43: {  	[tilespmem:s2], [sflag:$0x1] =	stream.linear.gather [hbm4b:s6+s2], $0xA00, $0x38;
	[tilespmem:$0x19840] =	vst v63  }
0x44: {  	_ =	swait.ge [sflag:s5], $0xA00  }
0x45: {  	[sflag:s5] =	ssyncset.done $0x0  }
0x46: {  	[sflag:s5] =	ssyncadd.s32 $0xFFFFF600  }
0x47: {  	[tilespmem:s8], [sflag:$0x1] =	stream.linear.gather [hbm4b:s7+s2], $0x14000, $0x38;
	[tilespmem:$0x19840] =	vst v63  }
0x48: {  	_ =	swait.ge [sflag:s5], $0x14000  }
0x49: {  	[sflag:s5] =	ssyncset.done $0x0  }
0x4a: {  	[sflag:s5] =	ssyncadd.s32 $0xFFFEC000  }
0x4b: {  	[spmem:s1] =	stream.indirect.scatter.add.f32 [tilespmem:s8], [sflag:$0x1], $0x20, s2, s8, $0xb8;
	[tilespmem:$0x19840] =	vst v63  }
0x4c: {  	_ =	swait.ge [sflag:s5], $0x14000  }
0x4d: {  	[sflag:s5] =	ssyncset.done $0x0  }
.Ltmp2:
0x4e: {  	[sflag:s5] =	ssyncadd.s32 $0xFFFEC000;
	(pc) =	sbr.rel @p2 .LBB2_2-.Ltmp2, $4  }
0x4f: {  	[bflag:$0x0] =	sbarrier.arrive $0xFFFF  }
0x50: {  	[hbm:s3], [sflag:s13] =	dma.local @!p0 [spmem:s4], $0x9C40  }
0x51: {  	_ =	swait.ge @!p0 [sflag:s12], $0x9C40  }
0x52: {  	[sflag:s12] =	ssyncset.done @!p0 $0x0  }
.LBB2_3:
0x53: {  	p1 =	por p0, !p1  }
0x54: {  	s13 =	simm.s32 @!p0 $0x1C01;
	s14 =	simm.s32 @!p0 $0x1;
	[sflag:s12] =	ssyncadd.s32 @!p1 $0xFFFF63C0  }
0x55: {  	[spmem:s4], [sflag:s13] =	dma.local @!p0 [hbm:s9], $0x9C80  }
0x56: {  	_ =	swait.ge @!p0 [sflag:s14], $0x9C80  }
0x57: {  	[sflag:s14] =	ssyncset.done @!p0 $0x0  }
0x58: {  	[sflag:s14] =	ssyncadd.s32 @!p0 $0xFFFF6380  }
0x59: {  	[bflag:$0x0] =	sbarrier.arrive $0xFFFF  }
0x5a: {  	[tilespmem:s2], [sflag:$0x1] =	stream.linear.gather [hbm4b:s11+s2], $0xA00, $0x38;
	[tilespmem:$0x19840] =	vst v63  }
0x5b: {  	_ =	swait.ge [sflag:s5], $0xA00  }
0x5c: {  	[sflag:s5] =	ssyncset.done $0x0  }
0x5d: {  	[sflag:s5] =	ssyncadd.s32 $0xFFFFF600  }
0x5e: {  	[tilespmem:s8], [sflag:$0x1] =	stream.linear.gather [hbm4b:s10+s2], $0x14000, $0x38;
	[tilespmem:$0x19840] =	vst v63  }
0x5f: {  	_ =	swait.ge [sflag:s5], $0x14000  }
0x60: {  	[sflag:s5] =	ssyncset.done $0x0  }
0x61: {  	[sflag:s5] =	ssyncadd.s32 $0xFFFEC000  }
0x62: {  	[spmem:s1] =	stream.indirect.scatter.add.f32 [tilespmem:s8], [sflag:$0x1], $0x20, s2, s8, $0xb8;
	[tilespmem:$0x19840] =	vst v63  }
0x63: {  	_ =	swait.ge [sflag:s5], $0x14000  }
0x64: {  	[sflag:s5] =	ssyncset.done $0x0  }
0x65: {  	[sflag:s5] =	ssyncadd.s32 $0xFFFEC000  }
0x66: {  	[tilespmem:s2], [sflag:$0x1] =	stream.linear.gather [hbm4b:s6+s2], $0xA00, $0x38;
	[tilespmem:$0x19840] =	vst v63  }
0x67: {  	_ =	swait.ge [sflag:s5], $0xA00  }
0x68: {  	[sflag:s5] =	ssyncset.done $0x0  }
0x69: {  	[sflag:s5] =	ssyncadd.s32 $0xFFFFF600  }
0x6a: {  	[tilespmem:s8], [sflag:$0x1] =	stream.linear.gather [hbm4b:s7+s2], $0x14000, $0x38;
	[tilespmem:$0x19840] =	vst v63  }
0x6b: {  	_ =	swait.ge [sflag:s5], $0x14000  }
0x6c: {  	[sflag:s5] =	ssyncset.done $0x0  }
0x6d: {  	[sflag:s5] =	ssyncadd.s32 $0xFFFEC000  }
0x6e: {  	[spmem:s1] =	stream.indirect.scatter.add.f32 [tilespmem:s8], [sflag:$0x1], $0x20, s2, s8, $0xb8;
	[tilespmem:$0x19840] =	vst v63  }
0x6f: {  	_ =	swait.ge [sflag:s5], $0x14000  }
0x70: {  	[sflag:s5] =	ssyncset.done $0x0  }
0x71: {  	[sflag:s5] =	ssyncadd.s32 $0xFFFEC000  }
0x72: {  	[bflag:$0x0] =	sbarrier.arrive $0xFFFF  }
0x73: {  	[hbm:s3], [sflag:s13] =	dma.local @!p0 [spmem:s4], $0x9C40  }
0x74: {  	_ =	swait.ge @!p0 [sflag:s14], $0x9C40  }
0x75: {  	[sflag:s14] =	ssyncset.done @!p0 $0x0  }
0x76: {  	[sflag:s14] =	ssyncadd.s32 @!p0 $0xFFFF63C0  }
0x77: {  	_ =	sfence.sel $0x180000  }
0x78: {  	[bflag:$0x0] =	sbarrier.arrive $0xFFFF  }
0x79: {  	_ =	strace $0x90000053  }
0x7a: {  	s0 =	sadd.s32 @!p0 $0x100000, s0;
	[bflag:$0x2] =	sbarrier.arrive $0xFFFF  }
0x7b: {  	[sflag:s0] =	ssyncadd.tile.s32 @!p0 $0x1;
	_ =	shalt  }
.Lfunc_end2:
_tile_overlayer_lowered:
.L_overlay_start_2:
0x7c: {  	(tag) =	ssettag $0x2  }
0x7d: {  	s0 =	rddreg [dreg:$0x0];
	s2 =	stileid.u32  }
0x7e: {  	s1 =	rddreg [dreg:$0x1];
	p0 =	sne.s32 s2, $0x0  }
0x7f: {  	s3 =	rddreg [dreg:$0x2];
	[bflag:$0x3] =	sbarrier.arrive $0xFFFF;
	s2 =	simm.s32 @!p0 $0x1C01  }
0x80: {  	[timem:s3], [sflag:s2] =	dma.local @!p0 [hbm:s0], s1  }
0x81: {  	s0 =	simm.s32 @!p0 $0x1  }
0x82: {  	_ =	swait.ge @!p0 [sflag:s0], s1  }
0x83: {  	s1 =	ssub.s32 @!p0 $0x0, s1;
	[sflag:s0] =	ssyncset.done @!p0 $0x0  }
0x84: {  	[sflag:s0] =	ssyncadd.s32 @!p0 s1  }
0x85: {  	[bflag:$0x3] =	sbarrier.arrive $0xFFFF  }
0x86: {  	_ =	shalt  }

</sc_bundles>
